<compile_context>
chip_gen: v7x
topology: tpu7x:2x2x1
jax: 0.10.2.dev20260603
libtpu: 0.0.44.dev20260713+nightly
codegen_flags: <defaults>
</compile_context>

<pallas_src>
import functools

import jax
import jax.numpy as jnp
from jax import lax
from jax.experimental import pallas as pl
from jax.experimental.pallas import tpu as pltpu
from jax.experimental.pallas import tpu_sc as plsc

N_LANES = 16
NUM_WORKERS = 32


def _gather_add_body(per_worker, chunk, num_chunks,
                     range_hbm, params_hbm, idx_hbm, out_hbm,
                     table_sh, table_v,
                     idx_v0, idx_v1, rng_v0, rng_v1, res_v0, res_v1,
                     isem0, isem1, osem0, osem1, tsem):
    s_id = lax.axis_index("s")
    wid = s_id * 2 + lax.axis_index("c")
    base = wid * per_worker
    idx_v = (idx_v0, idx_v1)
    rng_v = (rng_v0, rng_v1)
    res_v = (res_v0, res_v1)
    isems = (isem0, isem1)
    osems = (osem0, osem1)

    in_copies = {}
    out_copies = {}

    def issue_in(j):
        b = j & 1
        off = base + j * chunk
        in_copies[j] = (
            pltpu.async_copy(idx_hbm.at[pl.ds(off, chunk)],
                             idx_v[b], isems[b]),
            pltpu.async_copy(range_hbm.at[pl.ds(off, chunk)],
                             rng_v[b], isems[b]),
        )

    issue_in(0)

    @pl.when(s_id == 0)
    def _():
        pltpu.sync_copy(params_hbm, table_sh)

    plsc.subcore_barrier()
    tcopy = pltpu.async_copy(table_sh, table_v, tsem)

    for j in range(num_chunks):
        b = j & 1
        if j + 1 < num_chunks:
            issue_in(j + 1)
        ci, cr = in_copies.pop(j)
        ci.wait()
        cr.wait()
        if j == 0:
            tcopy.wait()
        if j >= 2:
            out_copies.pop(j - 2).wait()

        idx_b = idx_v[b]
        rng_b = rng_v[b]
        res_b = res_v[b]

        @plsc.parallel_loop(0, chunk, step=N_LANES, unroll=8)
        def _(i):
            s = pl.ds(i, N_LANES)
            vals = plsc.load_gather(table_v, [idx_b[s]])
            res_b[s] = rng_b[s] + vals

        out_copies[j] = pltpu.async_copy(
            res_v[b], out_hbm.at[pl.ds(base + j * chunk, chunk)], osems[b])

    for j in sorted(out_copies):
        out_copies[j].wait()


@jax.jit
def _radar_bias_add(range_km, sensor_params, contact_indices):
    n_meas = range_km.shape[0]
    n_passes = sensor_params.shape[0]
    assert n_meas % NUM_WORKERS == 0
    per_worker = n_meas // NUM_WORKERS
    chunk = 4096
    assert per_worker % chunk == 0
    num_chunks = per_worker // chunk

    mesh = plsc.VectorSubcoreMesh(core_axis_name="c", subcore_axis_name="s")
    body = functools.partial(_gather_add_body, per_worker, chunk, num_chunks)
    f = pl.kernel(
        body,
        out_type=jax.ShapeDtypeStruct((n_meas,), jnp.float32),
        mesh=mesh,
        compiler_params=pltpu.CompilerParams(needs_layout_passes=False),
        scratch_types=[
            pltpu.VMEM_SHARED((n_passes,), jnp.float32),
            pltpu.VMEM((n_passes,), jnp.float32),
            pltpu.VMEM((chunk,), jnp.int32),
            pltpu.VMEM((chunk,), jnp.int32),
            pltpu.VMEM((chunk,), jnp.float32),
            pltpu.VMEM((chunk,), jnp.float32),
            pltpu.VMEM((chunk,), jnp.float32),
            pltpu.VMEM((chunk,), jnp.float32),
            pltpu.SemaphoreType.DMA,
            pltpu.SemaphoreType.DMA,
            pltpu.SemaphoreType.DMA,
            pltpu.SemaphoreType.DMA,
            pltpu.SemaphoreType.DMA,
        ],
    )
    return f(range_km, sensor_params, contact_indices)


def kernel(range_km, sensor_params, contact_indices):
    idx = contact_indices.astype(jnp.int32)
    return _radar_bias_add(range_km, sensor_params, idx)

# --- scband reference (transcript-rebuilt; emitter-appended) ---
"""Pipeline reference for scband-radar-sensor-8306466750593 (READ-ONLY COPY).

The authoritative reference and input builder live on the scoring server;
editing this copy changes nothing except your own understanding.
"""

import jax, jax.numpy as jnp
import numpy as np

N_MEAS = 3276800
N_PASSES = 100000

def setup_inputs(seed: int = 0) -> dict:
    key = jax.random.key(seed)
    k1, k2, k3 = jax.random.split(key, 3)
    range_km = jax.random.normal(k1, (N_MEAS,), dtype=jnp.float32) * 100.0 + 1000.0
    sensor_params = jax.random.normal(k2, (N_PASSES,), dtype=jnp.float32)
    contact_indices = jax.random.randint(k3, (N_MEAS,), 0, N_PASSES, dtype=jnp.int64)
    return {"range_km": range_km, "sensor_params": sensor_params, "contact_indices": contact_indices}

def reference(range_km, sensor_params, contact_indices):
    # RadarSensor.forward with n_passes > 0:
    #   range_km + sensor_params[contact_indices]
    bias_correction = jnp.take(sensor_params, contact_indices, axis=0)
    return range_km + bias_correction

if __name__ == "__main__":
    import jax
    _d = setup_inputs()
    print(jax.jit(kernel)(*tuple(_d.values())))

</pallas_src>

<mosaic_0001>
#map = affine_map<(d0, d1) -> (0)>
module attributes {stable_mosaic.version = 14 : i64} {
  func.func @_gather_add_body(%arg0: i32, %arg1: i32, %arg2: memref<3276800xf32, #tpu.memory_space<hbm>>, %arg3: memref<100000xf32, #tpu.memory_space<hbm>>, %arg4: memref<3276800xi32, #tpu.memory_space<hbm>>, %arg5: memref<3276800xf32, #tpu.memory_space<hbm>>, %arg6: memref<100000xf32, #tpu.memory_space<vmem_shared>>, %arg7: memref<100000xf32, #tpu.memory_space<vmem>>, %arg8: memref<4096xi32, #tpu.memory_space<vmem>>, %arg9: memref<4096xi32, #tpu.memory_space<vmem>>, %arg10: memref<4096xf32, #tpu.memory_space<vmem>>, %arg11: memref<4096xf32, #tpu.memory_space<vmem>>, %arg12: memref<4096xf32, #tpu.memory_space<vmem>>, %arg13: memref<4096xf32, #tpu.memory_space<vmem>>, %arg14: memref<!tpu.dma_semaphore, #tpu.memory_space<semaphore_mem>>, %arg15: memref<!tpu.dma_semaphore, #tpu.memory_space<semaphore_mem>>, %arg16: memref<!tpu.dma_semaphore, #tpu.memory_space<semaphore_mem>>, %arg17: memref<!tpu.dma_semaphore, #tpu.memory_space<semaphore_mem>>, %arg18: memref<!tpu.dma_semaphore, #tpu.memory_space<semaphore_mem>>) attributes {dimension_semantics = [#tpu.dimension_semantics<core_parallel>, #tpu.dimension_semantics<subcore_parallel>], iteration_bounds = array<i64: 2, 16>, scalar_prefetch = 0 : i64, scratch_operands = 13 : i64, tpu.core_type = #tpu.core_type<sc_vector_subcore>, window_params = [{transform_indices = #map}, {transform_indices = #map}, {transform_indices = #map}, {transform_indices = #map}]} {
    %mul3A = arith.constant 2 : i32
    %mul3A_0 = arith.muli %arg1, %mul3A : i32
    %add3A = arith.addi %mul3A_0, %arg0 : i32
    %mul3A_1 = arith.constant 102400 : i32
    %mul3A_2 = arith.muli %add3A, %mul3A_1 : i32
    %add3A_3 = arith.constant 0 : i32
    %add3A_4 = arith.addi %mul3A_2, %add3A_3 : i32
    %dma_start3A = tpu.memref_slice %arg4[%add3A_4] : memref<3276800xi32, #tpu.memory_space<hbm>> -> memref<4096xi32, #tpu.memory_space<hbm>>
    %dma_start3A_5 = tpu.memref_slice %arg4[%add3A_4] : memref<3276800xi32, #tpu.memory_space<hbm>> -> memref<4096xi32, #tpu.memory_space<hbm>>
    tpu.enqueue_dma source(%dma_start3A_5 : memref<4096xi32, #tpu.memory_space<hbm>>) target(%arg8 : memref<4096xi32, #tpu.memory_space<vmem>>) target_semaphore(%arg14 : memref<!tpu.dma_semaphore, #tpu.memory_space<semaphore_mem>>)
    %dma_start3A_6 = tpu.memref_slice %arg2[%add3A_4] : memref<3276800xf32, #tpu.memory_space<hbm>> -> memref<4096xf32, #tpu.memory_space<hbm>>
    %dma_start3A_7 = tpu.memref_slice %arg2[%add3A_4] : memref<3276800xf32, #tpu.memory_space<hbm>> -> memref<4096xf32, #tpu.memory_space<hbm>>
    tpu.enqueue_dma source(%dma_start3A_7 : memref<4096xf32, #tpu.memory_space<hbm>>) target(%arg10 : memref<4096xf32, #tpu.memory_space<vmem>>) target_semaphore(%arg14 : memref<!tpu.dma_semaphore, #tpu.memory_space<semaphore_mem>>)
    %eq3A = arith.constant 0 : i32
    %eq3A_8 = arith.cmpi eq, %arg1, %eq3A : i32
    %convert_element_type3A = arith.extui %eq3A_8 : i1 to i32
    %cond3A = arith.constant 0 : i32
    %cond3A_9 = arith.cmpi ne, %convert_element_type3A, %cond3A : i32
    scf.if %cond3A_9 {
      "tpu.region"() ({
        %run_scoped3A = tpu.sem_alloc : memref<!tpu.dma_semaphore, #tpu.memory_space<semaphore_mem>>
        tpu.enqueue_dma source(%arg3 : memref<100000xf32, #tpu.memory_space<hbm>>) target(%arg6 : memref<100000xf32, #tpu.memory_space<vmem_shared>>) target_semaphore(%run_scoped3A : memref<!tpu.dma_semaphore, #tpu.memory_space<semaphore_mem>>)
        tpu.wait_dma2 semaphore(%run_scoped3A : memref<!tpu.dma_semaphore, #tpu.memory_space<semaphore_mem>>) src(%arg3 : memref<100000xf32, #tpu.memory_space<hbm>>) dst(%arg6 : memref<100000xf32, #tpu.memory_space<vmem_shared>>)
        tpu.yield
      }) : () -> ()
    } else {
    }
    %barrier3A = arith.constant 0 : index
    tpu.barrier barrier_id(%barrier3A)
    tpu.enqueue_dma source(%arg6 : memref<100000xf32, #tpu.memory_space<vmem_shared>>) target(%arg7 : memref<100000xf32, #tpu.memory_space<vmem>>) target_semaphore(%arg18 : memref<!tpu.dma_semaphore, #tpu.memory_space<semaphore_mem>>)
    %add3A_10 = arith.constant 4096 : i32
    %add3A_11 = arith.addi %mul3A_2, %add3A_10 : i32
    %dma_start3A_12 = tpu.memref_slice %arg4[%add3A_11] : memref<3276800xi32, #tpu.memory_space<hbm>> -> memref<4096xi32, #tpu.memory_space<hbm>>
    %dma_start3A_13 = tpu.memref_slice %arg4[%add3A_11] : memref<3276800xi32, #tpu.memory_space<hbm>> -> memref<4096xi32, #tpu.memory_space<hbm>>
    tpu.enqueue_dma source(%dma_start3A_13 : memref<4096xi32, #tpu.memory_space<hbm>>) target(%arg9 : memref<4096xi32, #tpu.memory_space<vmem>>) target_semaphore(%arg15 : memref<!tpu.dma_semaphore, #tpu.memory_space<semaphore_mem>>)
    %dma_start3A_14 = tpu.memref_slice %arg2[%add3A_11] : memref<3276800xf32, #tpu.memory_space<hbm>> -> memref<4096xf32, #tpu.memory_space<hbm>>
    %dma_start3A_15 = tpu.memref_slice %arg2[%add3A_11] : memref<3276800xf32, #tpu.memory_space<hbm>> -> memref<4096xf32, #tpu.memory_space<hbm>>
    tpu.enqueue_dma source(%dma_start3A_15 : memref<4096xf32, #tpu.memory_space<hbm>>) target(%arg11 : memref<4096xf32, #tpu.memory_space<vmem>>) target_semaphore(%arg15 : memref<!tpu.dma_semaphore, #tpu.memory_space<semaphore_mem>>)
    %dma_wait3A = tpu.memref_slice %arg4[%add3A_4] : memref<3276800xi32, #tpu.memory_space<hbm>> -> memref<4096xi32, #tpu.memory_space<hbm>>
    %dma_wait3A_16 = tpu.memref_slice %arg4[%add3A_4] : memref<3276800xi32, #tpu.memory_space<hbm>> -> memref<4096xi32, #tpu.memory_space<hbm>>
    tpu.wait_dma2 semaphore(%arg14 : memref<!tpu.dma_semaphore, #tpu.memory_space<semaphore_mem>>) src(%dma_wait3A_16 : memref<4096xi32, #tpu.memory_space<hbm>>) dst(%arg8 : memref<4096xi32, #tpu.memory_space<vmem>>)
    %dma_wait3A_17 = tpu.memref_slice %arg2[%add3A_4] : memref<3276800xf32, #tpu.memory_space<hbm>> -> memref<4096xf32, #tpu.memory_space<hbm>>
    %dma_wait3A_18 = tpu.memref_slice %arg2[%add3A_4] : memref<3276800xf32, #tpu.memory_space<hbm>> -> memref<4096xf32, #tpu.memory_space<hbm>>
    tpu.wait_dma2 semaphore(%arg14 : memref<!tpu.dma_semaphore, #tpu.memory_space<semaphore_mem>>) src(%dma_wait3A_18 : memref<4096xf32, #tpu.memory_space<hbm>>) dst(%arg10 : memref<4096xf32, #tpu.memory_space<vmem>>)
    tpu.wait_dma2 semaphore(%arg18 : memref<!tpu.dma_semaphore, #tpu.memory_space<semaphore_mem>>) src(%arg6 : memref<100000xf32, #tpu.memory_space<vmem_shared>>) dst(%arg7 : memref<100000xf32, #tpu.memory_space<vmem>>)
    %parallel_loop3A = arith.constant 0 : i32
    %parallel_loop3A_19 = arith.constant 4096 : i32
    %parallel_loop3A_20 = arith.constant 16 : i32
    scf.for %parallel_loop3A_477 = %parallel_loop3A to %parallel_loop3A_19 step %parallel_loop3A_20  : i32 {
      %parallel_loop3A_478 = arith.index_cast %parallel_loop3A_477 : i32 to index
      %parallel_loop3A_479 = tpu.vector_load %arg8[%parallel_loop3A_478] {strides = array<i32>} : memref<4096xi32, #tpu.memory_space<vmem>>, vector<16xi32>,
      %parallel_loop3A_480 = tpu.vector_load_idx %arg7[%parallel_loop3A_479] : memref<100000xf32, #tpu.memory_space<vmem>>[vector<16xi32>], vector<16xf32>,
      %parallel_loop3A_481 = arith.index_cast %parallel_loop3A_477 : i32 to index
      %parallel_loop3A_482 = tpu.vector_load %arg10[%parallel_loop3A_481] {strides = array<i32>} : memref<4096xf32, #tpu.memory_space<vmem>>, vector<16xf32>,
      %parallel_loop3A_483 = arith.addf %parallel_loop3A_482, %parallel_loop3A_480 : vector<16xf32>
      %parallel_loop3A_484 = arith.index_cast %parallel_loop3A_477 : i32 to index
      %parallel_loop3A_485 = tpu.vector_load %arg12[%parallel_loop3A_484] {strides = array<i32>} : memref<4096xf32, #tpu.memory_space<vmem>>, vector<16xf32>,
      tpu.vector_store %arg12[%parallel_loop3A_484], %parallel_loop3A_483 {strides = array<i32>} : memref<4096xf32, #tpu.memory_space<vmem>>, vector<16xf32>,
    } {sc.loop_unroll_factor = 8 : i64, sc.parallel_access}
    %add3A_21 = arith.constant 0 : i32
    %add3A_22 = arith.addi %mul3A_2, %add3A_21 : i32
    %dma_start3A_23 = tpu.memref_slice %arg5[%add3A_22] : memref<3276800xf32, #tpu.memory_space<hbm>> -> memref<4096xf32, #tpu.memory_space<hbm>>
    %dma_start3A_24 = tpu.memref_slice %arg5[%add3A_22] : memref<3276800xf32, #tpu.memory_space<hbm>> -> memref<4096xf32, #tpu.memory_space<hbm>>
    tpu.enqueue_dma source(%arg12 : memref<4096xf32, #tpu.memory_space<vmem>>) target(%dma_start3A_24 : memref<4096xf32, #tpu.memory_space<hbm>>) target_semaphore(%arg16 : memref<!tpu.dma_semaphore, #tpu.memory_space<semaphore_mem>>)
    %add3A_25 = arith.constant 8192 : i32
    %add3A_26 = arith.addi %mul3A_2, %add3A_25 : i32
    %dma_start3A_27 = tpu.memref_slice %arg4[%add3A_26] : memref<3276800xi32, #tpu.memory_space<hbm>> -> memref<4096xi32, #tpu.memory_space<hbm>>
    %dma_start3A_28 = tpu.memref_slice %arg4[%add3A_26] : memref<3276800xi32, #tpu.memory_space<hbm>> -> memref<4096xi32, #tpu.memory_space<hbm>>
    tpu.enqueue_dma source(%dma_start3A_28 : memref<4096xi32, #tpu.memory_space<hbm>>) target(%arg8 : memref<4096xi32, #tpu.memory_space<vmem>>) target_semaphore(%arg14 : memref<!tpu.dma_semaphore, #tpu.memory_space<semaphore_mem>>)
    %dma_start3A_29 = tpu.memref_slice %arg2[%add3A_26] : memref<3276800xf32, #tpu.memory_space<hbm>> -> memref<4096xf32, #tpu.memory_space<hbm>>
    %dma_start3A_30 = tpu.memref_slice %arg2[%add3A_26] : memref<3276800xf32, #tpu.memory_space<hbm>> -> memref<4096xf32, #tpu.memory_space<hbm>>
    tpu.enqueue_dma source(%dma_start3A_30 : memref<4096xf32, #tpu.memory_space<hbm>>) target(%arg10 : memref<4096xf32, #tpu.memory_space<vmem>>) target_semaphore(%arg14 : memref<!tpu.dma_semaphore, #tpu.memory_space<semaphore_mem>>)
    %dma_wait3A_31 = tpu.memref_slice %arg4[%add3A_11] : memref<3276800xi32, #tpu.memory_space<hbm>> -> memref<4096xi32, #tpu.memory_space<hbm>>
    %dma_wait3A_32 = tpu.memref_slice %arg4[%add3A_11] : memref<3276800xi32, #tpu.memory_space<hbm>> -> memref<4096xi32, #tpu.memory_space<hbm>>
    tpu.wait_dma2 semaphore(%arg15 : memref<!tpu.dma_semaphore, #tpu.memory_space<semaphore_mem>>) src(%dma_wait3A_32 : memref<4096xi32, #tpu.memory_space<hbm>>) dst(%arg9 : memref<4096xi32, #tpu.memory_space<vmem>>)
    %dma_wait3A_33 = tpu.memref_slice %arg2[%add3A_11] : memref<3276800xf32, #tpu.memory_space<hbm>> -> memref<4096xf32, #tpu.memory_space<hbm>>
    %dma_wait3A_34 = tpu.memref_slice %arg2[%add3A_11] : memref<3276800xf32, #tpu.memory_space<hbm>> -> memref<4096xf32, #tpu.memory_space<hbm>>
    tpu.wait_dma2 semaphore(%arg15 : memref<!tpu.dma_semaphore, #tpu.memory_space<semaphore_mem>>) src(%dma_wait3A_34 : memref<4096xf32, #tpu.memory_space<hbm>>) dst(%arg11 : memref<4096xf32, #tpu.memory_space<vmem>>)
    %parallel_loop3A_35 = arith.constant 0 : i32
    %parallel_loop3A_36 = arith.constant 4096 : i32
    %parallel_loop3A_37 = arith.constant 16 : i32
    scf.for %parallel_loop3A_477 = %parallel_loop3A_35 to %parallel_loop3A_36 step %parallel_loop3A_37  : i32 {
      %parallel_loop3A_478 = arith.index_cast %parallel_loop3A_477 : i32 to index
      %parallel_loop3A_479 = tpu.vector_load %arg9[%parallel_loop3A_478] {strides = array<i32>} : memref<4096xi32, #tpu.memory_space<vmem>>, vector<16xi32>,
      %parallel_loop3A_480 = tpu.vector_load_idx %arg7[%parallel_loop3A_479] : memref<100000xf32, #tpu.memory_space<vmem>>[vector<16xi32>], vector<16xf32>,
      %parallel_loop3A_481 = arith.index_cast %parallel_loop3A_477 : i32 to index
      %parallel_loop3A_482 = tpu.vector_load %arg11[%parallel_loop3A_481] {strides = array<i32>} : memref<4096xf32, #tpu.memory_space<vmem>>, vector<16xf32>,
      %parallel_loop3A_483 = arith.addf %parallel_loop3A_482, %parallel_loop3A_480 : vector<16xf32>
      %parallel_loop3A_484 = arith.index_cast %parallel_loop3A_477 : i32 to index
      %parallel_loop3A_485 = tpu.vector_load %arg13[%parallel_loop3A_484] {strides = array<i32>} : memref<4096xf32, #tpu.memory_space<vmem>>, vector<16xf32>,
      tpu.vector_store %arg13[%parallel_loop3A_484], %parallel_loop3A_483 {strides = array<i32>} : memref<4096xf32, #tpu.memory_space<vmem>>, vector<16xf32>,
    } {sc.loop_unroll_factor = 8 : i64, sc.parallel_access}
    %add3A_38 = arith.constant 4096 : i32
    %add3A_39 = arith.addi %mul3A_2, %add3A_38 : i32
    %dma_start3A_40 = tpu.memref_slice %arg5[%add3A_39] : memref<3276800xf32, #tpu.memory_space<hbm>> -> memref<4096xf32, #tpu.memory_space<hbm>>
    %dma_start3A_41 = tpu.memref_slice %arg5[%add3A_39] : memref<3276800xf32, #tpu.memory_space<hbm>> -> memref<4096xf32, #tpu.memory_space<hbm>>
    tpu.enqueue_dma source(%arg13 : memref<4096xf32, #tpu.memory_space<vmem>>) target(%dma_start3A_41 : memref<4096xf32, #tpu.memory_space<hbm>>) target_semaphore(%arg17 : memref<!tpu.dma_semaphore, #tpu.memory_space<semaphore_mem>>)
    %add3A_42 = arith.constant 12288 : i32
    %add3A_43 = arith.addi %mul3A_2, %add3A_42 : i32
    %dma_start3A_44 = tpu.memref_slice %arg4[%add3A_43] : memref<3276800xi32, #tpu.memory_space<hbm>> -> memref<4096xi32, #tpu.memory_space<hbm>>
    %dma_start3A_45 = tpu.memref_slice %arg4[%add3A_43] : memref<3276800xi32, #tpu.memory_space<hbm>> -> memref<4096xi32, #tpu.memory_space<hbm>>
    tpu.enqueue_dma source(%dma_start3A_45 : memref<4096xi32, #tpu.memory_space<hbm>>) target(%arg9 : memref<4096xi32, #tpu.memory_space<vmem>>) target_semaphore(%arg15 : memref<!tpu.dma_semaphore, #tpu.memory_space<semaphore_mem>>)
    %dma_start3A_46 = tpu.memref_slice %arg2[%add3A_43] : memref<3276800xf32, #tpu.memory_space<hbm>> -> memref<4096xf32, #tpu.memory_space<hbm>>
    %dma_start3A_47 = tpu.memref_slice %arg2[%add3A_43] : memref<3276800xf32, #tpu.memory_space<hbm>> -> memref<4096xf32, #tpu.memory_space<hbm>>
    tpu.enqueue_dma source(%dma_start3A_47 : memref<4096xf32, #tpu.memory_space<hbm>>) target(%arg11 : memref<4096xf32, #tpu.memory_space<vmem>>) target_semaphore(%arg15 : memref<!tpu.dma_semaphore, #tpu.memory_space<semaphore_mem>>)
    %dma_wait3A_48 = tpu.memref_slice %arg4[%add3A_26] : memref<3276800xi32, #tpu.memory_space<hbm>> -> memref<4096xi32, #tpu.memory_space<hbm>>
    %dma_wait3A_49 = tpu.memref_slice %arg4[%add3A_26] : memref<3276800xi32, #tpu.memory_space<hbm>> -> memref<4096xi32, #tpu.memory_space<hbm>>
    tpu.wait_dma2 semaphore(%arg14 : memref<!tpu.dma_semaphore, #tpu.memory_space<semaphore_mem>>) src(%dma_wait3A_49 : memref<4096xi32, #tpu.memory_space<hbm>>) dst(%arg8 : memref<4096xi32, #tpu.memory_space<vmem>>)
    %dma_wait3A_50 = tpu.memref_slice %arg2[%add3A_26] : memref<3276800xf32, #tpu.memory_space<hbm>> -> memref<4096xf32, #tpu.memory_space<hbm>>
    %dma_wait3A_51 = tpu.memref_slice %arg2[%add3A_26] : memref<3276800xf32, #tpu.memory_space<hbm>> -> memref<4096xf32, #tpu.memory_space<hbm>>
    tpu.wait_dma2 semaphore(%arg14 : memref<!tpu.dma_semaphore, #tpu.memory_space<semaphore_mem>>) src(%dma_wait3A_51 : memref<4096xf32, #tpu.memory_space<hbm>>) dst(%arg10 : memref<4096xf32, #tpu.memory_space<vmem>>)
    %dma_wait3A_52 = tpu.memref_slice %arg5[%add3A_22] : memref<3276800xf32, #tpu.memory_space<hbm>> -> memref<4096xf32, #tpu.memory_space<hbm>>
    %dma_wait3A_53 = tpu.memref_slice %arg5[%add3A_22] : memref<3276800xf32, #tpu.memory_space<hbm>> -> memref<4096xf32, #tpu.memory_space<hbm>>
    tpu.wait_dma2 semaphore(%arg16 : memref<!tpu.dma_semaphore, #tpu.memory_space<semaphore_mem>>) src(%arg12 : memref<4096xf32, #tpu.memory_space<vmem>>) dst(%dma_wait3A_53 : memref<4096xf32, #tpu.memory_space<hbm>>)
    %parallel_loop3A_54 = arith.constant 0 : i32
    %parallel_loop3A_55 = arith.constant 4096 : i32
    %parallel_loop3A_56 = arith.constant 16 : i32
    scf.for %parallel_loop3A_477 = %parallel_loop3A_54 to %parallel_loop3A_55 step %parallel_loop3A_56  : i32 {
      %parallel_loop3A_478 = arith.index_cast %parallel_loop3A_477 : i32 to index
      %parallel_loop3A_479 = tpu.vector_load %arg8[%parallel_loop3A_478] {strides = array<i32>} : memref<4096xi32, #tpu.memory_space<vmem>>, vector<16xi32>,
      %parallel_loop3A_480 = tpu.vector_load_idx %arg7[%parallel_loop3A_479] : memref<100000xf32, #tpu.memory_space<vmem>>[vector<16xi32>], vector<16xf32>,
      %parallel_loop3A_481 = arith.index_cast %parallel_loop3A_477 : i32 to index
      %parallel_loop3A_482 = tpu.vector_load %arg10[%parallel_loop3A_481] {strides = array<i32>} : memref<4096xf32, #tpu.memory_space<vmem>>, vector<16xf32>,
      %parallel_loop3A_483 = arith.addf %parallel_loop3A_482, %parallel_loop3A_480 : vector<16xf32>
      %parallel_loop3A_484 = arith.index_cast %parallel_loop3A_477 : i32 to index
      %parallel_loop3A_485 = tpu.vector_load %arg12[%parallel_loop3A_484] {strides = array<i32>} : memref<4096xf32, #tpu.memory_space<vmem>>, vector<16xf32>,
      tpu.vector_store %arg12[%parallel_loop3A_484], %parallel_loop3A_483 {strides = array<i32>} : memref<4096xf32, #tpu.memory_space<vmem>>, vector<16xf32>,
    } {sc.loop_unroll_factor = 8 : i64, sc.parallel_access}
    %add3A_57 = arith.constant 8192 : i32
    %add3A_58 = arith.addi %mul3A_2, %add3A_57 : i32
    %dma_start3A_59 = tpu.memref_slice %arg5[%add3A_58] : memref<3276800xf32, #tpu.memory_space<hbm>> -> memref<4096xf32, #tpu.memory_space<hbm>>
    %dma_start3A_60 = tpu.memref_slice %arg5[%add3A_58] : memref<3276800xf32, #tpu.memory_space<hbm>> -> memref<4096xf32, #tpu.memory_space<hbm>>
    tpu.enqueue_dma source(%arg12 : memref<4096xf32, #tpu.memory_space<vmem>>) target(%dma_start3A_60 : memref<4096xf32, #tpu.memory_space<hbm>>) target_semaphore(%arg16 : memref<!tpu.dma_semaphore, #tpu.memory_space<semaphore_mem>>)
    %add3A_61 = arith.constant 16384 : i32
    %add3A_62 = arith.addi %mul3A_2, %add3A_61 : i32
    %dma_start3A_63 = tpu.memref_slice %arg4[%add3A_62] : memref<3276800xi32, #tpu.memory_space<hbm>> -> memref<4096xi32, #tpu.memory_space<hbm>>
    %dma_start3A_64 = tpu.memref_slice %arg4[%add3A_62] : memref<3276800xi32, #tpu.memory_space<hbm>> -> memref<4096xi32, #tpu.memory_space<hbm>>
    tpu.enqueue_dma source(%dma_start3A_64 : memref<4096xi32, #tpu.memory_space<hbm>>) target(%arg8 : memref<4096xi32, #tpu.memory_space<vmem>>) target_semaphore(%arg14 : memref<!tpu.dma_semaphore, #tpu.memory_space<semaphore_mem>>)
    %dma_start3A_65 = tpu.memref_slice %arg2[%add3A_62] : memref<3276800xf32, #tpu.memory_space<hbm>> -> memref<4096xf32, #tpu.memory_space<hbm>>
    %dma_start3A_66 = tpu.memref_slice %arg2[%add3A_62] : memref<3276800xf32, #tpu.memory_space<hbm>> -> memref<4096xf32, #tpu.memory_space<hbm>>
    tpu.enqueue_dma source(%dma_start3A_66 : memref<4096xf32, #tpu.memory_space<hbm>>) target(%arg10 : memref<4096xf32, #tpu.memory_space<vmem>>) target_semaphore(%arg14 : memref<!tpu.dma_semaphore, #tpu.memory_space<semaphore_mem>>)
    %dma_wait3A_67 = tpu.memref_slice %arg4[%add3A_43] : memref<3276800xi32, #tpu.memory_space<hbm>> -> memref<4096xi32, #tpu.memory_space<hbm>>
    %dma_wait3A_68 = tpu.memref_slice %arg4[%add3A_43] : memref<3276800xi32, #tpu.memory_space<hbm>> -> memref<4096xi32, #tpu.memory_space<hbm>>
    tpu.wait_dma2 semaphore(%arg15 : memref<!tpu.dma_semaphore, #tpu.memory_space<semaphore_mem>>) src(%dma_wait3A_68 : memref<4096xi32, #tpu.memory_space<hbm>>) dst(%arg9 : memref<4096xi32, #tpu.memory_space<vmem>>)
    %dma_wait3A_69 = tpu.memref_slice %arg2[%add3A_43] : memref<3276800xf32, #tpu.memory_space<hbm>> -> memref<4096xf32, #tpu.memory_space<hbm>>
    %dma_wait3A_70 = tpu.memref_slice %arg2[%add3A_43] : memref<3276800xf32, #tpu.memory_space<hbm>> -> memref<4096xf32, #tpu.memory_space<hbm>>
    tpu.wait_dma2 semaphore(%arg15 : memref<!tpu.dma_semaphore, #tpu.memory_space<semaphore_mem>>) src(%dma_wait3A_70 : memref<4096xf32, #tpu.memory_space<hbm>>) dst(%arg11 : memref<4096xf32, #tpu.memory_space<vmem>>)
    %dma_wait3A_71 = tpu.memref_slice %arg5[%add3A_39] : memref<3276800xf32, #tpu.memory_space<hbm>> -> memref<4096xf32, #tpu.memory_space<hbm>>
    %dma_wait3A_72 = tpu.memref_slice %arg5[%add3A_39] : memref<3276800xf32, #tpu.memory_space<hbm>> -> memref<4096xf32, #tpu.memory_space<hbm>>
    tpu.wait_dma2 semaphore(%arg17 : memref<!tpu.dma_semaphore, #tpu.memory_space<semaphore_mem>>) src(%arg13 : memref<4096xf32, #tpu.memory_space<vmem>>) dst(%dma_wait3A_72 : memref<4096xf32, #tpu.memory_space<hbm>>)
    %parallel_loop3A_73 = arith.constant 0 : i32
    %parallel_loop3A_74 = arith.constant 4096 : i32
    %parallel_loop3A_75 = arith.constant 16 : i32
    scf.for %parallel_loop3A_477 = %parallel_loop3A_73 to %parallel_loop3A_74 step %parallel_loop3A_75  : i32 {
      %parallel_loop3A_478 = arith.index_cast %parallel_loop3A_477 : i32 to index
      %parallel_loop3A_479 = tpu.vector_load %arg9[%parallel_loop3A_478] {strides = array<i32>} : memref<4096xi32, #tpu.memory_space<vmem>>, vector<16xi32>,
      %parallel_loop3A_480 = tpu.vector_load_idx %arg7[%parallel_loop3A_479] : memref<100000xf32, #tpu.memory_space<vmem>>[vector<16xi32>], vector<16xf32>,
      %parallel_loop3A_481 = arith.index_cast %parallel_loop3A_477 : i32 to index
      %parallel_loop3A_482 = tpu.vector_load %arg11[%parallel_loop3A_481] {strides = array<i32>} : memref<4096xf32, #tpu.memory_space<vmem>>, vector<16xf32>,
      %parallel_loop3A_483 = arith.addf %parallel_loop3A_482, %parallel_loop3A_480 : vector<16xf32>
      %parallel_loop3A_484 = arith.index_cast %parallel_loop3A_477 : i32 to index
      %parallel_loop3A_485 = tpu.vector_load %arg13[%parallel_loop3A_484] {strides = array<i32>} : memref<4096xf32, #tpu.memory_space<vmem>>, vector<16xf32>,
      tpu.vector_store %arg13[%parallel_loop3A_484], %parallel_loop3A_483 {strides = array<i32>} : memref<4096xf32, #tpu.memory_space<vmem>>, vector<16xf32>,
    } {sc.loop_unroll_factor = 8 : i64, sc.parallel_access}
    %add3A_76 = arith.constant 12288 : i32
    %add3A_77 = arith.addi %mul3A_2, %add3A_76 : i32
    %dma_start3A_78 = tpu.memref_slice %arg5[%add3A_77] : memref<3276800xf32, #tpu.memory_space<hbm>> -> memref<4096xf32, #tpu.memory_space<hbm>>
    %dma_start3A_79 = tpu.memref_slice %arg5[%add3A_77] : memref<3276800xf32, #tpu.memory_space<hbm>> -> memref<4096xf32, #tpu.memory_space<hbm>>
    tpu.enqueue_dma source(%arg13 : memref<4096xf32, #tpu.memory_space<vmem>>) target(%dma_start3A_79 : memref<4096xf32, #tpu.memory_space<hbm>>) target_semaphore(%arg17 : memref<!tpu.dma_semaphore, #tpu.memory_space<semaphore_mem>>)
    %add3A_80 = arith.constant 20480 : i32
    %add3A_81 = arith.addi %mul3A_2, %add3A_80 : i32
    %dma_start3A_82 = tpu.memref_slice %arg4[%add3A_81] : memref<3276800xi32, #tpu.memory_space<hbm>> -> memref<4096xi32, #tpu.memory_space<hbm>>
    %dma_start3A_83 = tpu.memref_slice %arg4[%add3A_81] : memref<3276800xi32, #tpu.memory_space<hbm>> -> memref<4096xi32, #tpu.memory_space<hbm>>
    tpu.enqueue_dma source(%dma_start3A_83 : memref<4096xi32, #tpu.memory_space<hbm>>) target(%arg9 : memref<4096xi32, #tpu.memory_space<vmem>>) target_semaphore(%arg15 : memref<!tpu.dma_semaphore, #tpu.memory_space<semaphore_mem>>)
    %dma_start3A_84 = tpu.memref_slice %arg2[%add3A_81] : memref<3276800xf32, #tpu.memory_space<hbm>> -> memref<4096xf32, #tpu.memory_space<hbm>>
    %dma_start3A_85 = tpu.memref_slice %arg2[%add3A_81] : memref<3276800xf32, #tpu.memory_space<hbm>> -> memref<4096xf32, #tpu.memory_space<hbm>>
    tpu.enqueue_dma source(%dma_start3A_85 : memref<4096xf32, #tpu.memory_space<hbm>>) target(%arg11 : memref<4096xf32, #tpu.memory_space<vmem>>) target_semaphore(%arg15 : memref<!tpu.dma_semaphore, #tpu.memory_space<semaphore_mem>>)
    %dma_wait3A_86 = tpu.memref_slice %arg4[%add3A_62] : memref<3276800xi32, #tpu.memory_space<hbm>> -> memref<4096xi32, #tpu.memory_space<hbm>>
    %dma_wait3A_87 = tpu.memref_slice %arg4[%add3A_62] : memref<3276800xi32, #tpu.memory_space<hbm>> -> memref<4096xi32, #tpu.memory_space<hbm>>
    tpu.wait_dma2 semaphore(%arg14 : memref<!tpu.dma_semaphore, #tpu.memory_space<semaphore_mem>>) src(%dma_wait3A_87 : memref<4096xi32, #tpu.memory_space<hbm>>) dst(%arg8 : memref<4096xi32, #tpu.memory_space<vmem>>)
    %dma_wait3A_88 = tpu.memref_slice %arg2[%add3A_62] : memref<3276800xf32, #tpu.memory_space<hbm>> -> memref<4096xf32, #tpu.memory_space<hbm>>
    %dma_wait3A_89 = tpu.memref_slice %arg2[%add3A_62] : memref<3276800xf32, #tpu.memory_space<hbm>> -> memref<4096xf32, #tpu.memory_space<hbm>>
    tpu.wait_dma2 semaphore(%arg14 : memref<!tpu.dma_semaphore, #tpu.memory_space<semaphore_mem>>) src(%dma_wait3A_89 : memref<4096xf32, #tpu.memory_space<hbm>>) dst(%arg10 : memref<4096xf32, #tpu.memory_space<vmem>>)
    %dma_wait3A_90 = tpu.memref_slice %arg5[%add3A_58] : memref<3276800xf32, #tpu.memory_space<hbm>> -> memref<4096xf32, #tpu.memory_space<hbm>>
    %dma_wait3A_91 = tpu.memref_slice %arg5[%add3A_58] : memref<3276800xf32, #tpu.memory_space<hbm>> -> memref<4096xf32, #tpu.memory_space<hbm>>
    tpu.wait_dma2 semaphore(%arg16 : memref<!tpu.dma_semaphore, #tpu.memory_space<semaphore_mem>>) src(%arg12 : memref<4096xf32, #tpu.memory_space<vmem>>) dst(%dma_wait3A_91 : memref<4096xf32, #tpu.memory_space<hbm>>)
    %parallel_loop3A_92 = arith.constant 0 : i32
    %parallel_loop3A_93 = arith.constant 4096 : i32
    %parallel_loop3A_94 = arith.constant 16 : i32
    scf.for %parallel_loop3A_477 = %parallel_loop3A_92 to %parallel_loop3A_93 step %parallel_loop3A_94  : i32 {
      %parallel_loop3A_478 = arith.index_cast %parallel_loop3A_477 : i32 to index
      %parallel_loop3A_479 = tpu.vector_load %arg8[%parallel_loop3A_478] {strides = array<i32>} : memref<4096xi32, #tpu.memory_space<vmem>>, vector<16xi32>,
      %parallel_loop3A_480 = tpu.vector_load_idx %arg7[%parallel_loop3A_479] : memref<100000xf32, #tpu.memory_space<vmem>>[vector<16xi32>], vector<16xf32>,
      %parallel_loop3A_481 = arith.index_cast %parallel_loop3A_477 : i32 to index
      %parallel_loop3A_482 = tpu.vector_load %arg10[%parallel_loop3A_481] {strides = array<i32>} : memref<4096xf32, #tpu.memory_space<vmem>>, vector<16xf32>,
      %parallel_loop3A_483 = arith.addf %parallel_loop3A_482, %parallel_loop3A_480 : vector<16xf32>
      %parallel_loop3A_484 = arith.index_cast %parallel_loop3A_477 : i32 to index
      %parallel_loop3A_485 = tpu.vector_load %arg12[%parallel_loop3A_484] {strides = array<i32>} : memref<4096xf32, #tpu.memory_space<vmem>>, vector<16xf32>,
      tpu.vector_store %arg12[%parallel_loop3A_484], %parallel_loop3A_483 {strides = array<i32>} : memref<4096xf32, #tpu.memory_space<vmem>>, vector<16xf32>,
    } {sc.loop_unroll_factor = 8 : i64, sc.parallel_access}
    %add3A_95 = arith.constant 16384 : i32
    %add3A_96 = arith.addi %mul3A_2, %add3A_95 : i32
    %dma_start3A_97 = tpu.memref_slice %arg5[%add3A_96] : memref<3276800xf32, #tpu.memory_space<hbm>> -> memref<4096xf32, #tpu.memory_space<hbm>>
    %dma_start3A_98 = tpu.memref_slice %arg5[%add3A_96] : memref<3276800xf32, #tpu.memory_space<hbm>> -> memref<4096xf32, #tpu.memory_space<hbm>>
    tpu.enqueue_dma source(%arg12 : memref<4096xf32, #tpu.memory_space<vmem>>) target(%dma_start3A_98 : memref<4096xf32, #tpu.memory_space<hbm>>) target_semaphore(%arg16 : memref<!tpu.dma_semaphore, #tpu.memory_space<semaphore_mem>>)
    %add3A_99 = arith.constant 24576 : i32
    %add3A_100 = arith.addi %mul3A_2, %add3A_99 : i32
    %dma_start3A_101 = tpu.memref_slice %arg4[%add3A_100] : memref<3276800xi32, #tpu.memory_space<hbm>> -> memref<4096xi32, #tpu.memory_space<hbm>>
    %dma_start3A_102 = tpu.memref_slice %arg4[%add3A_100] : memref<3276800xi32, #tpu.memory_space<hbm>> -> memref<4096xi32, #tpu.memory_space<hbm>>
    tpu.enqueue_dma source(%dma_start3A_102 : memref<4096xi32, #tpu.memory_space<hbm>>) target(%arg8 : memref<4096xi32, #tpu.memory_space<vmem>>) target_semaphore(%arg14 : memref<!tpu.dma_semaphore, #tpu.memory_space<semaphore_mem>>)
    %dma_start3A_103 = tpu.memref_slice %arg2[%add3A_100] : memref<3276800xf32, #tpu.memory_space<hbm>> -> memref<4096xf32, #tpu.memory_space<hbm>>
    %dma_start3A_104 = tpu.memref_slice %arg2[%add3A_100] : memref<3276800xf32, #tpu.memory_space<hbm>> -> memref<4096xf32, #tpu.memory_space<hbm>>
    tpu.enqueue_dma source(%dma_start3A_104 : memref<4096xf32, #tpu.memory_space<hbm>>) target(%arg10 : memref<4096xf32, #tpu.memory_space<vmem>>) target_semaphore(%arg14 : memref<!tpu.dma_semaphore, #tpu.memory_space<semaphore_mem>>)
    %dma_wait3A_105 = tpu.memref_slice %arg4[%add3A_81] : memref<3276800xi32, #tpu.memory_space<hbm>> -> memref<4096xi32, #tpu.memory_space<hbm>>
    %dma_wait3A_106 = tpu.memref_slice %arg4[%add3A_81] : memref<3276800xi32, #tpu.memory_space<hbm>> -> memref<4096xi32, #tpu.memory_space<hbm>>
    tpu.wait_dma2 semaphore(%arg15 : memref<!tpu.dma_semaphore, #tpu.memory_space<semaphore_mem>>) src(%dma_wait3A_106 : memref<4096xi32, #tpu.memory_space<hbm>>) dst(%arg9 : memref<4096xi32, #tpu.memory_space<vmem>>)
    %dma_wait3A_107 = tpu.memref_slice %arg2[%add3A_81] : memref<3276800xf32, #tpu.memory_space<hbm>> -> memref<4096xf32, #tpu.memory_space<hbm>>
    %dma_wait3A_108 = tpu.memref_slice %arg2[%add3A_81] : memref<3276800xf32, #tpu.memory_space<hbm>> -> memref<4096xf32, #tpu.memory_space<hbm>>
    tpu.wait_dma2 semaphore(%arg15 : memref<!tpu.dma_semaphore, #tpu.memory_space<semaphore_mem>>) src(%dma_wait3A_108 : memref<4096xf32, #tpu.memory_space<hbm>>) dst(%arg11 : memref<4096xf32, #tpu.memory_space<vmem>>)
    %dma_wait3A_109 = tpu.memref_slice %arg5[%add3A_77] : memref<3276800xf32, #tpu.memory_space<hbm>> -> memref<4096xf32, #tpu.memory_space<hbm>>
    %dma_wait3A_110 = tpu.memref_slice %arg5[%add3A_77] : memref<3276800xf32, #tpu.memory_space<hbm>> -> memref<4096xf32, #tpu.memory_space<hbm>>
    tpu.wait_dma2 semaphore(%arg17 : memref<!tpu.dma_semaphore, #tpu.memory_space<semaphore_mem>>) src(%arg13 : memref<4096xf32, #tpu.memory_space<vmem>>) dst(%dma_wait3A_110 : memref<4096xf32, #tpu.memory_space<hbm>>)
    %parallel_loop3A_111 = arith.constant 0 : i32
    %parallel_loop3A_112 = arith.constant 4096 : i32
    %parallel_loop3A_113 = arith.constant 16 : i32
    scf.for %parallel_loop3A_477 = %parallel_loop3A_111 to %parallel_loop3A_112 step %parallel_loop3A_113  : i32 {
      %parallel_loop3A_478 = arith.index_cast %parallel_loop3A_477 : i32 to index
      %parallel_loop3A_479 = tpu.vector_load %arg9[%parallel_loop3A_478] {strides = array<i32>} : memref<4096xi32, #tpu.memory_space<vmem>>, vector<16xi32>,
      %parallel_loop3A_480 = tpu.vector_load_idx %arg7[%parallel_loop3A_479] : memref<100000xf32, #tpu.memory_space<vmem>>[vector<16xi32>], vector<16xf32>,
      %parallel_loop3A_481 = arith.index_cast %parallel_loop3A_477 : i32 to index
      %parallel_loop3A_482 = tpu.vector_load %arg11[%parallel_loop3A_481] {strides = array<i32>} : memref<4096xf32, #tpu.memory_space<vmem>>, vector<16xf32>,
      %parallel_loop3A_483 = arith.addf %parallel_loop3A_482, %parallel_loop3A_480 : vector<16xf32>
      %parallel_loop3A_484 = arith.index_cast %parallel_loop3A_477 : i32 to index
      %parallel_loop3A_485 = tpu.vector_load %arg13[%parallel_loop3A_484] {strides = array<i32>} : memref<4096xf32, #tpu.memory_space<vmem>>, vector<16xf32>,
      tpu.vector_store %arg13[%parallel_loop3A_484], %parallel_loop3A_483 {strides = array<i32>} : memref<4096xf32, #tpu.memory_space<vmem>>, vector<16xf32>,
    } {sc.loop_unroll_factor = 8 : i64, sc.parallel_access}
    %add3A_114 = arith.constant 20480 : i32
    %add3A_115 = arith.addi %mul3A_2, %add3A_114 : i32
    %dma_start3A_116 = tpu.memref_slice %arg5[%add3A_115] : memref<3276800xf32, #tpu.memory_space<hbm>> -> memref<4096xf32, #tpu.memory_space<hbm>>
    %dma_start3A_117 = tpu.memref_slice %arg5[%add3A_115] : memref<3276800xf32, #tpu.memory_space<hbm>> -> memref<4096xf32, #tpu.memory_space<hbm>>
    tpu.enqueue_dma source(%arg13 : memref<4096xf32, #tpu.memory_space<vmem>>) target(%dma_start3A_117 : memref<4096xf32, #tpu.memory_space<hbm>>) target_semaphore(%arg17 : memref<!tpu.dma_semaphore, #tpu.memory_space<semaphore_mem>>)
    %add3A_118 = arith.constant 28672 : i32
    %add3A_119 = arith.addi %mul3A_2, %add3A_118 : i32
    %dma_start3A_120 = tpu.memref_slice %arg4[%add3A_119] : memref<3276800xi32, #tpu.memory_space<hbm>> -> memref<4096xi32, #tpu.memory_space<hbm>>
    %dma_start3A_121 = tpu.memref_slice %arg4[%add3A_119] : memref<3276800xi32, #tpu.memory_space<hbm>> -> memref<4096xi32, #tpu.memory_space<hbm>>
    tpu.enqueue_dma source(%dma_start3A_121 : memref<4096xi32, #tpu.memory_space<hbm>>) target(%arg9 : memref<4096xi32, #tpu.memory_space<vmem>>) target_semaphore(%arg15 : memref<!tpu.dma_semaphore, #tpu.memory_space<semaphore_mem>>)
    %dma_start3A_122 = tpu.memref_slice %arg2[%add3A_119] : memref<3276800xf32, #tpu.memory_space<hbm>> -> memref<4096xf32, #tpu.memory_space<hbm>>
    %dma_start3A_123 = tpu.memref_slice %arg2[%add3A_119] : memref<3276800xf32, #tpu.memory_space<hbm>> -> memref<4096xf32, #tpu.memory_space<hbm>>
    tpu.enqueue_dma source(%dma_start3A_123 : memref<4096xf32, #tpu.memory_space<hbm>>) target(%arg11 : memref<4096xf32, #tpu.memory_space<vmem>>) target_semaphore(%arg15 : memref<!tpu.dma_semaphore, #tpu.memory_space<semaphore_mem>>)
    %dma_wait3A_124 = tpu.memref_slice %arg4[%add3A_100] : memref<3276800xi32, #tpu.memory_space<hbm>> -> memref<4096xi32, #tpu.memory_space<hbm>>
    %dma_wait3A_125 = tpu.memref_slice %arg4[%add3A_100] : memref<3276800xi32, #tpu.memory_space<hbm>> -> memref<4096xi32, #tpu.memory_space<hbm>>
    tpu.wait_dma2 semaphore(%arg14 : memref<!tpu.dma_semaphore, #tpu.memory_space<semaphore_mem>>) src(%dma_wait3A_125 : memref<4096xi32, #tpu.memory_space<hbm>>) dst(%arg8 : memref<4096xi32, #tpu.memory_space<vmem>>)
    %dma_wait3A_126 = tpu.memref_slice %arg2[%add3A_100] : memref<3276800xf32, #tpu.memory_space<hbm>> -> memref<4096xf32, #tpu.memory_space<hbm>>
    %dma_wait3A_127 = tpu.memref_slice %arg2[%add3A_100] : memref<3276800xf32, #tpu.memory_space<hbm>> -> memref<4096xf32, #tpu.memory_space<hbm>>
    tpu.wait_dma2 semaphore(%arg14 : memref<!tpu.dma_semaphore, #tpu.memory_space<semaphore_mem>>) src(%dma_wait3A_127 : memref<4096xf32, #tpu.memory_space<hbm>>) dst(%arg10 : memref<4096xf32, #tpu.memory_space<vmem>>)
    %dma_wait3A_128 = tpu.memref_slice %arg5[%add3A_96] : memref<3276800xf32, #tpu.memory_space<hbm>> -> memref<4096xf32, #tpu.memory_space<hbm>>
    %dma_wait3A_129 = tpu.memref_slice %arg5[%add3A_96] : memref<3276800xf32, #tpu.memory_space<hbm>> -> memref<4096xf32, #tpu.memory_space<hbm>>
    tpu.wait_dma2 semaphore(%arg16 : memref<!tpu.dma_semaphore, #tpu.memory_space<semaphore_mem>>) src(%arg12 : memref<4096xf32, #tpu.memory_space<vmem>>) dst(%dma_wait3A_129 : memref<4096xf32, #tpu.memory_space<hbm>>)
    %parallel_loop3A_130 = arith.constant 0 : i32
    %parallel_loop3A_131 = arith.constant 4096 : i32
    %parallel_loop3A_132 = arith.constant 16 : i32
    scf.for %parallel_loop3A_477 = %parallel_loop3A_130 to %parallel_loop3A_131 step %parallel_loop3A_132  : i32 {
      %parallel_loop3A_478 = arith.index_cast %parallel_loop3A_477 : i32 to index
      %parallel_loop3A_479 = tpu.vector_load %arg8[%parallel_loop3A_478] {strides = array<i32>} : memref<4096xi32, #tpu.memory_space<vmem>>, vector<16xi32>,
      %parallel_loop3A_480 = tpu.vector_load_idx %arg7[%parallel_loop3A_479] : memref<100000xf32, #tpu.memory_space<vmem>>[vector<16xi32>], vector<16xf32>,
      %parallel_loop3A_481 = arith.index_cast %parallel_loop3A_477 : i32 to index
      %parallel_loop3A_482 = tpu.vector_load %arg10[%parallel_loop3A_481] {strides = array<i32>} : memref<4096xf32, #tpu.memory_space<vmem>>, vector<16xf32>,
      %parallel_loop3A_483 = arith.addf %parallel_loop3A_482, %parallel_loop3A_480 : vector<16xf32>
      %parallel_loop3A_484 = arith.index_cast %parallel_loop3A_477 : i32 to index
      %parallel_loop3A_485 = tpu.vector_load %arg12[%parallel_loop3A_484] {strides = array<i32>} : memref<4096xf32, #tpu.memory_space<vmem>>, vector<16xf32>,
      tpu.vector_store %arg12[%parallel_loop3A_484], %parallel_loop3A_483 {strides = array<i32>} : memref<4096xf32, #tpu.memory_space<vmem>>, vector<16xf32>,
    } {sc.loop_unroll_factor = 8 : i64, sc.parallel_access}
    %add3A_133 = arith.constant 24576 : i32
    %add3A_134 = arith.addi %mul3A_2, %add3A_133 : i32
    %dma_start3A_135 = tpu.memref_slice %arg5[%add3A_134] : memref<3276800xf32, #tpu.memory_space<hbm>> -> memref<4096xf32, #tpu.memory_space<hbm>>
    %dma_start3A_136 = tpu.memref_slice %arg5[%add3A_134] : memref<3276800xf32, #tpu.memory_space<hbm>> -> memref<4096xf32, #tpu.memory_space<hbm>>
    tpu.enqueue_dma source(%arg12 : memref<4096xf32, #tpu.memory_space<vmem>>) target(%dma_start3A_136 : memref<4096xf32, #tpu.memory_space<hbm>>) target_semaphore(%arg16 : memref<!tpu.dma_semaphore, #tpu.memory_space<semaphore_mem>>)
    %add3A_137 = arith.constant 32768 : i32
    %add3A_138 = arith.addi %mul3A_2, %add3A_137 : i32
    %dma_start3A_139 = tpu.memref_slice %arg4[%add3A_138] : memref<3276800xi32, #tpu.memory_space<hbm>> -> memref<4096xi32, #tpu.memory_space<hbm>>
    %dma_start3A_140 = tpu.memref_slice %arg4[%add3A_138] : memref<3276800xi32, #tpu.memory_space<hbm>> -> memref<4096xi32, #tpu.memory_space<hbm>>
    tpu.enqueue_dma source(%dma_start3A_140 : memref<4096xi32, #tpu.memory_space<hbm>>) target(%arg8 : memref<4096xi32, #tpu.memory_space<vmem>>) target_semaphore(%arg14 : memref<!tpu.dma_semaphore, #tpu.memory_space<semaphore_mem>>)
    %dma_start3A_141 = tpu.memref_slice %arg2[%add3A_138] : memref<3276800xf32, #tpu.memory_space<hbm>> -> memref<4096xf32, #tpu.memory_space<hbm>>
    %dma_start3A_142 = tpu.memref_slice %arg2[%add3A_138] : memref<3276800xf32, #tpu.memory_space<hbm>> -> memref<4096xf32, #tpu.memory_space<hbm>>
    tpu.enqueue_dma source(%dma_start3A_142 : memref<4096xf32, #tpu.memory_space<hbm>>) target(%arg10 : memref<4096xf32, #tpu.memory_space<vmem>>) target_semaphore(%arg14 : memref<!tpu.dma_semaphore, #tpu.memory_space<semaphore_mem>>)
    %dma_wait3A_143 = tpu.memref_slice %arg4[%add3A_119] : memref<3276800xi32, #tpu.memory_space<hbm>> -> memref<4096xi32, #tpu.memory_space<hbm>>
    %dma_wait3A_144 = tpu.memref_slice %arg4[%add3A_119] : memref<3276800xi32, #tpu.memory_space<hbm>> -> memref<4096xi32, #tpu.memory_space<hbm>>
    tpu.wait_dma2 semaphore(%arg15 : memref<!tpu.dma_semaphore, #tpu.memory_space<semaphore_mem>>) src(%dma_wait3A_144 : memref<4096xi32, #tpu.memory_space<hbm>>) dst(%arg9 : memref<4096xi32, #tpu.memory_space<vmem>>)
    %dma_wait3A_145 = tpu.memref_slice %arg2[%add3A_119] : memref<3276800xf32, #tpu.memory_space<hbm>> -> memref<4096xf32, #tpu.memory_space<hbm>>
    %dma_wait3A_146 = tpu.memref_slice %arg2[%add3A_119] : memref<3276800xf32, #tpu.memory_space<hbm>> -> memref<4096xf32, #tpu.memory_space<hbm>>
    tpu.wait_dma2 semaphore(%arg15 : memref<!tpu.dma_semaphore, #tpu.memory_space<semaphore_mem>>) src(%dma_wait3A_146 : memref<4096xf32, #tpu.memory_space<hbm>>) dst(%arg11 : memref<4096xf32, #tpu.memory_space<vmem>>)
    %dma_wait3A_147 = tpu.memref_slice %arg5[%add3A_115] : memref<3276800xf32, #tpu.memory_space<hbm>> -> memref<4096xf32, #tpu.memory_space<hbm>>
    %dma_wait3A_148 = tpu.memref_slice %arg5[%add3A_115] : memref<3276800xf32, #tpu.memory_space<hbm>> -> memref<4096xf32, #tpu.memory_space<hbm>>
    tpu.wait_dma2 semaphore(%arg17 : memref<!tpu.dma_semaphore, #tpu.memory_space<semaphore_mem>>) src(%arg13 : memref<4096xf32, #tpu.memory_space<vmem>>) dst(%dma_wait3A_148 : memref<4096xf32, #tpu.memory_space<hbm>>)
    %parallel_loop3A_149 = arith.constant 0 : i32
    %parallel_loop3A_150 = arith.constant 4096 : i32
    %parallel_loop3A_151 = arith.constant 16 : i32
    scf.for %parallel_loop3A_477 = %parallel_loop3A_149 to %parallel_loop3A_150 step %parallel_loop3A_151  : i32 {
      %parallel_loop3A_478 = arith.index_cast %parallel_loop3A_477 : i32 to index
      %parallel_loop3A_479 = tpu.vector_load %arg9[%parallel_loop3A_478] {strides = array<i32>} : memref<4096xi32, #tpu.memory_space<vmem>>, vector<16xi32>,
      %parallel_loop3A_480 = tpu.vector_load_idx %arg7[%parallel_loop3A_479] : memref<100000xf32, #tpu.memory_space<vmem>>[vector<16xi32>], vector<16xf32>,
      %parallel_loop3A_481 = arith.index_cast %parallel_loop3A_477 : i32 to index
      %parallel_loop3A_482 = tpu.vector_load %arg11[%parallel_loop3A_481] {strides = array<i32>} : memref<4096xf32, #tpu.memory_space<vmem>>, vector<16xf32>,
      %parallel_loop3A_483 = arith.addf %parallel_loop3A_482, %parallel_loop3A_480 : vector<16xf32>
      %parallel_loop3A_484 = arith.index_cast %parallel_loop3A_477 : i32 to index
      %parallel_loop3A_485 = tpu.vector_load %arg13[%parallel_loop3A_484] {strides = array<i32>} : memref<4096xf32, #tpu.memory_space<vmem>>, vector<16xf32>,
      tpu.vector_store %arg13[%parallel_loop3A_484], %parallel_loop3A_483 {strides = array<i32>} : memref<4096xf32, #tpu.memory_space<vmem>>, vector<16xf32>,
    } {sc.loop_unroll_factor = 8 : i64, sc.parallel_access}
    %add3A_152 = arith.constant 28672 : i32
    %add3A_153 = arith.addi %mul3A_2, %add3A_152 : i32
    %dma_start3A_154 = tpu.memref_slice %arg5[%add3A_153] : memref<3276800xf32, #tpu.memory_space<hbm>> -> memref<4096xf32, #tpu.memory_space<hbm>>
    %dma_start3A_155 = tpu.memref_slice %arg5[%add3A_153] : memref<3276800xf32, #tpu.memory_space<hbm>> -> memref<4096xf32, #tpu.memory_space<hbm>>
    tpu.enqueue_dma source(%arg13 : memref<4096xf32, #tpu.memory_space<vmem>>) target(%dma_start3A_155 : memref<4096xf32, #tpu.memory_space<hbm>>) target_semaphore(%arg17 : memref<!tpu.dma_semaphore, #tpu.memory_space<semaphore_mem>>)
    %add3A_156 = arith.constant 36864 : i32
    %add3A_157 = arith.addi %mul3A_2, %add3A_156 : i32
    %dma_start3A_158 = tpu.memref_slice %arg4[%add3A_157] : memref<3276800xi32, #tpu.memory_space<hbm>> -> memref<4096xi32, #tpu.memory_space<hbm>>
    %dma_start3A_159 = tpu.memref_slice %arg4[%add3A_157] : memref<3276800xi32, #tpu.memory_space<hbm>> -> memref<4096xi32, #tpu.memory_space<hbm>>
    tpu.enqueue_dma source(%dma_start3A_159 : memref<4096xi32, #tpu.memory_space<hbm>>) target(%arg9 : memref<4096xi32, #tpu.memory_space<vmem>>) target_semaphore(%arg15 : memref<!tpu.dma_semaphore, #tpu.memory_space<semaphore_mem>>)
    %dma_start3A_160 = tpu.memref_slice %arg2[%add3A_157] : memref<3276800xf32, #tpu.memory_space<hbm>> -> memref<4096xf32, #tpu.memory_space<hbm>>
    %dma_start3A_161 = tpu.memref_slice %arg2[%add3A_157] : memref<3276800xf32, #tpu.memory_space<hbm>> -> memref<4096xf32, #tpu.memory_space<hbm>>
    tpu.enqueue_dma source(%dma_start3A_161 : memref<4096xf32, #tpu.memory_space<hbm>>) target(%arg11 : memref<4096xf32, #tpu.memory_space<vmem>>) target_semaphore(%arg15 : memref<!tpu.dma_semaphore, #tpu.memory_space<semaphore_mem>>)
    %dma_wait3A_162 = tpu.memref_slice %arg4[%add3A_138] : memref<3276800xi32, #tpu.memory_space<hbm>> -> memref<4096xi32, #tpu.memory_space<hbm>>
    %dma_wait3A_163 = tpu.memref_slice %arg4[%add3A_138] : memref<3276800xi32, #tpu.memory_space<hbm>> -> memref<4096xi32, #tpu.memory_space<hbm>>
    tpu.wait_dma2 semaphore(%arg14 : memref<!tpu.dma_semaphore, #tpu.memory_space<semaphore_mem>>) src(%dma_wait3A_163 : memref<4096xi32, #tpu.memory_space<hbm>>) dst(%arg8 : memref<4096xi32, #tpu.memory_space<vmem>>)
    %dma_wait3A_164 = tpu.memref_slice %arg2[%add3A_138] : memref<3276800xf32, #tpu.memory_space<hbm>> -> memref<4096xf32, #tpu.memory_space<hbm>>
    %dma_wait3A_165 = tpu.memref_slice %arg2[%add3A_138] : memref<3276800xf32, #tpu.memory_space<hbm>> -> memref<4096xf32, #tpu.memory_space<hbm>>
    tpu.wait_dma2 semaphore(%arg14 : memref<!tpu.dma_semaphore, #tpu.memory_space<semaphore_mem>>) src(%dma_wait3A_165 : memref<4096xf32, #tpu.memory_space<hbm>>) dst(%arg10 : memref<4096xf32, #tpu.memory_space<vmem>>)
    %dma_wait3A_166 = tpu.memref_slice %arg5[%add3A_134] : memref<3276800xf32, #tpu.memory_space<hbm>> -> memref<4096xf32, #tpu.memory_space<hbm>>
    %dma_wait3A_167 = tpu.memref_slice %arg5[%add3A_134] : memref<3276800xf32, #tpu.memory_space<hbm>> -> memref<4096xf32, #tpu.memory_space<hbm>>
    tpu.wait_dma2 semaphore(%arg16 : memref<!tpu.dma_semaphore, #tpu.memory_space<semaphore_mem>>) src(%arg12 : memref<4096xf32, #tpu.memory_space<vmem>>) dst(%dma_wait3A_167 : memref<4096xf32, #tpu.memory_space<hbm>>)
    %parallel_loop3A_168 = arith.constant 0 : i32
    %parallel_loop3A_169 = arith.constant 4096 : i32
    %parallel_loop3A_170 = arith.constant 16 : i32
    scf.for %parallel_loop3A_477 = %parallel_loop3A_168 to %parallel_loop3A_169 step %parallel_loop3A_170  : i32 {
      %parallel_loop3A_478 = arith.index_cast %parallel_loop3A_477 : i32 to index
      %parallel_loop3A_479 = tpu.vector_load %arg8[%parallel_loop3A_478] {strides = array<i32>} : memref<4096xi32, #tpu.memory_space<vmem>>, vector<16xi32>,
      %parallel_loop3A_480 = tpu.vector_load_idx %arg7[%parallel_loop3A_479] : memref<100000xf32, #tpu.memory_space<vmem>>[vector<16xi32>], vector<16xf32>,
      %parallel_loop3A_481 = arith.index_cast %parallel_loop3A_477 : i32 to index
      %parallel_loop3A_482 = tpu.vector_load %arg10[%parallel_loop3A_481] {strides = array<i32>} : memref<4096xf32, #tpu.memory_space<vmem>>, vector<16xf32>,
      %parallel_loop3A_483 = arith.addf %parallel_loop3A_482, %parallel_loop3A_480 : vector<16xf32>
      %parallel_loop3A_484 = arith.index_cast %parallel_loop3A_477 : i32 to index
      %parallel_loop3A_485 = tpu.vector_load %arg12[%parallel_loop3A_484] {strides = array<i32>} : memref<4096xf32, #tpu.memory_space<vmem>>, vector<16xf32>,
      tpu.vector_store %arg12[%parallel_loop3A_484], %parallel_loop3A_483 {strides = array<i32>} : memref<4096xf32, #tpu.memory_space<vmem>>, vector<16xf32>,
    } {sc.loop_unroll_factor = 8 : i64, sc.parallel_access}
    %add3A_171 = arith.constant 32768 : i32
    %add3A_172 = arith.addi %mul3A_2, %add3A_171 : i32
    %dma_start3A_173 = tpu.memref_slice %arg5[%add3A_172] : memref<3276800xf32, #tpu.memory_space<hbm>> -> memref<4096xf32, #tpu.memory_space<hbm>>
    %dma_start3A_174 = tpu.memref_slice %arg5[%add3A_172] : memref<3276800xf32, #tpu.memory_space<hbm>> -> memref<4096xf32, #tpu.memory_space<hbm>>
    tpu.enqueue_dma source(%arg12 : memref<4096xf32, #tpu.memory_space<vmem>>) target(%dma_start3A_174 : memref<4096xf32, #tpu.memory_space<hbm>>) target_semaphore(%arg16 : memref<!tpu.dma_semaphore, #tpu.memory_space<semaphore_mem>>)
    %add3A_175 = arith.constant 40960 : i32
    %add3A_176 = arith.addi %mul3A_2, %add3A_175 : i32
    %dma_start3A_177 = tpu.memref_slice %arg4[%add3A_176] : memref<3276800xi32, #tpu.memory_space<hbm>> -> memref<4096xi32, #tpu.memory_space<hbm>>
    %dma_start3A_178 = tpu.memref_slice %arg4[%add3A_176] : memref<3276800xi32, #tpu.memory_space<hbm>> -> memref<4096xi32, #tpu.memory_space<hbm>>
    tpu.enqueue_dma source(%dma_start3A_178 : memref<4096xi32, #tpu.memory_space<hbm>>) target(%arg8 : memref<4096xi32, #tpu.memory_space<vmem>>) target_semaphore(%arg14 : memref<!tpu.dma_semaphore, #tpu.memory_space<semaphore_mem>>)
    %dma_start3A_179 = tpu.memref_slice %arg2[%add3A_176] : memref<3276800xf32, #tpu.memory_space<hbm>> -> memref<4096xf32, #tpu.memory_space<hbm>>
    %dma_start3A_180 = tpu.memref_slice %arg2[%add3A_176] : memref<3276800xf32, #tpu.memory_space<hbm>> -> memref<4096xf32, #tpu.memory_space<hbm>>
    tpu.enqueue_dma source(%dma_start3A_180 : memref<4096xf32, #tpu.memory_space<hbm>>) target(%arg10 : memref<4096xf32, #tpu.memory_space<vmem>>) target_semaphore(%arg14 : memref<!tpu.dma_semaphore, #tpu.memory_space<semaphore_mem>>)
    %dma_wait3A_181 = tpu.memref_slice %arg4[%add3A_157] : memref<3276800xi32, #tpu.memory_space<hbm>> -> memref<4096xi32, #tpu.memory_space<hbm>>
    %dma_wait3A_182 = tpu.memref_slice %arg4[%add3A_157] : memref<3276800xi32, #tpu.memory_space<hbm>> -> memref<4096xi32, #tpu.memory_space<hbm>>
    tpu.wait_dma2 semaphore(%arg15 : memref<!tpu.dma_semaphore, #tpu.memory_space<semaphore_mem>>) src(%dma_wait3A_182 : memref<4096xi32, #tpu.memory_space<hbm>>) dst(%arg9 : memref<4096xi32, #tpu.memory_space<vmem>>)
    %dma_wait3A_183 = tpu.memref_slice %arg2[%add3A_157] : memref<3276800xf32, #tpu.memory_space<hbm>> -> memref<4096xf32, #tpu.memory_space<hbm>>
    %dma_wait3A_184 = tpu.memref_slice %arg2[%add3A_157] : memref<3276800xf32, #tpu.memory_space<hbm>> -> memref<4096xf32, #tpu.memory_space<hbm>>
    tpu.wait_dma2 semaphore(%arg15 : memref<!tpu.dma_semaphore, #tpu.memory_space<semaphore_mem>>) src(%dma_wait3A_184 : memref<4096xf32, #tpu.memory_space<hbm>>) dst(%arg11 : memref<4096xf32, #tpu.memory_space<vmem>>)
    %dma_wait3A_185 = tpu.memref_slice %arg5[%add3A_153] : memref<3276800xf32, #tpu.memory_space<hbm>> -> memref<4096xf32, #tpu.memory_space<hbm>>
    %dma_wait3A_186 = tpu.memref_slice %arg5[%add3A_153] : memref<3276800xf32, #tpu.memory_space<hbm>> -> memref<4096xf32, #tpu.memory_space<hbm>>
    tpu.wait_dma2 semaphore(%arg17 : memref<!tpu.dma_semaphore, #tpu.memory_space<semaphore_mem>>) src(%arg13 : memref<4096xf32, #tpu.memory_space<vmem>>) dst(%dma_wait3A_186 : memref<4096xf32, #tpu.memory_space<hbm>>)
    %parallel_loop3A_187 = arith.constant 0 : i32
    %parallel_loop3A_188 = arith.constant 4096 : i32
    %parallel_loop3A_189 = arith.constant 16 : i32
    scf.for %parallel_loop3A_477 = %parallel_loop3A_187 to %parallel_loop3A_188 step %parallel_loop3A_189  : i32 {
      %parallel_loop3A_478 = arith.index_cast %parallel_loop3A_477 : i32 to index
      %parallel_loop3A_479 = tpu.vector_load %arg9[%parallel_loop3A_478] {strides = array<i32>} : memref<4096xi32, #tpu.memory_space<vmem>>, vector<16xi32>,
      %parallel_loop3A_480 = tpu.vector_load_idx %arg7[%parallel_loop3A_479] : memref<100000xf32, #tpu.memory_space<vmem>>[vector<16xi32>], vector<16xf32>,
      %parallel_loop3A_481 = arith.index_cast %parallel_loop3A_477 : i32 to index
      %parallel_loop3A_482 = tpu.vector_load %arg11[%parallel_loop3A_481] {strides = array<i32>} : memref<4096xf32, #tpu.memory_space<vmem>>, vector<16xf32>,
      %parallel_loop3A_483 = arith.addf %parallel_loop3A_482, %parallel_loop3A_480 : vector<16xf32>
      %parallel_loop3A_484 = arith.index_cast %parallel_loop3A_477 : i32 to index
      %parallel_loop3A_485 = tpu.vector_load %arg13[%parallel_loop3A_484] {strides = array<i32>} : memref<4096xf32, #tpu.memory_space<vmem>>, vector<16xf32>,
      tpu.vector_store %arg13[%parallel_loop3A_484], %parallel_loop3A_483 {strides = array<i32>} : memref<4096xf32, #tpu.memory_space<vmem>>, vector<16xf32>,
    } {sc.loop_unroll_factor = 8 : i64, sc.parallel_access}
    %add3A_190 = arith.constant 36864 : i32
    %add3A_191 = arith.addi %mul3A_2, %add3A_190 : i32
    %dma_start3A_192 = tpu.memref_slice %arg5[%add3A_191] : memref<3276800xf32, #tpu.memory_space<hbm>> -> memref<4096xf32, #tpu.memory_space<hbm>>
    %dma_start3A_193 = tpu.memref_slice %arg5[%add3A_191] : memref<3276800xf32, #tpu.memory_space<hbm>> -> memref<4096xf32, #tpu.memory_space<hbm>>
    tpu.enqueue_dma source(%arg13 : memref<4096xf32, #tpu.memory_space<vmem>>) target(%dma_start3A_193 : memref<4096xf32, #tpu.memory_space<hbm>>) target_semaphore(%arg17 : memref<!tpu.dma_semaphore, #tpu.memory_space<semaphore_mem>>)
    %add3A_194 = arith.constant 45056 : i32
    %add3A_195 = arith.addi %mul3A_2, %add3A_194 : i32
    %dma_start3A_196 = tpu.memref_slice %arg4[%add3A_195] : memref<3276800xi32, #tpu.memory_space<hbm>> -> memref<4096xi32, #tpu.memory_space<hbm>>
    %dma_start3A_197 = tpu.memref_slice %arg4[%add3A_195] : memref<3276800xi32, #tpu.memory_space<hbm>> -> memref<4096xi32, #tpu.memory_space<hbm>>
    tpu.enqueue_dma source(%dma_start3A_197 : memref<4096xi32, #tpu.memory_space<hbm>>) target(%arg9 : memref<4096xi32, #tpu.memory_space<vmem>>) target_semaphore(%arg15 : memref<!tpu.dma_semaphore, #tpu.memory_space<semaphore_mem>>)
    %dma_start3A_198 = tpu.memref_slice %arg2[%add3A_195] : memref<3276800xf32, #tpu.memory_space<hbm>> -> memref<4096xf32, #tpu.memory_space<hbm>>
    %dma_start3A_199 = tpu.memref_slice %arg2[%add3A_195] : memref<3276800xf32, #tpu.memory_space<hbm>> -> memref<4096xf32, #tpu.memory_space<hbm>>
    tpu.enqueue_dma source(%dma_start3A_199 : memref<4096xf32, #tpu.memory_space<hbm>>) target(%arg11 : memref<4096xf32, #tpu.memory_space<vmem>>) target_semaphore(%arg15 : memref<!tpu.dma_semaphore, #tpu.memory_space<semaphore_mem>>)
    %dma_wait3A_200 = tpu.memref_slice %arg4[%add3A_176] : memref<3276800xi32, #tpu.memory_space<hbm>> -> memref<4096xi32, #tpu.memory_space<hbm>>
    %dma_wait3A_201 = tpu.memref_slice %arg4[%add3A_176] : memref<3276800xi32, #tpu.memory_space<hbm>> -> memref<4096xi32, #tpu.memory_space<hbm>>
    tpu.wait_dma2 semaphore(%arg14 : memref<!tpu.dma_semaphore, #tpu.memory_space<semaphore_mem>>) src(%dma_wait3A_201 : memref<4096xi32, #tpu.memory_space<hbm>>) dst(%arg8 : memref<4096xi32, #tpu.memory_space<vmem>>)
    %dma_wait3A_202 = tpu.memref_slice %arg2[%add3A_176] : memref<3276800xf32, #tpu.memory_space<hbm>> -> memref<4096xf32, #tpu.memory_space<hbm>>
    %dma_wait3A_203 = tpu.memref_slice %arg2[%add3A_176] : memref<3276800xf32, #tpu.memory_space<hbm>> -> memref<4096xf32, #tpu.memory_space<hbm>>
    tpu.wait_dma2 semaphore(%arg14 : memref<!tpu.dma_semaphore, #tpu.memory_space<semaphore_mem>>) src(%dma_wait3A_203 : memref<4096xf32, #tpu.memory_space<hbm>>) dst(%arg10 : memref<4096xf32, #tpu.memory_space<vmem>>)
    %dma_wait3A_204 = tpu.memref_slice %arg5[%add3A_172] : memref<3276800xf32, #tpu.memory_space<hbm>> -> memref<4096xf32, #tpu.memory_space<hbm>>
    %dma_wait3A_205 = tpu.memref_slice %arg5[%add3A_172] : memref<3276800xf32, #tpu.memory_space<hbm>> -> memref<4096xf32, #tpu.memory_space<hbm>>
    tpu.wait_dma2 semaphore(%arg16 : memref<!tpu.dma_semaphore, #tpu.memory_space<semaphore_mem>>) src(%arg12 : memref<4096xf32, #tpu.memory_space<vmem>>) dst(%dma_wait3A_205 : memref<4096xf32, #tpu.memory_space<hbm>>)
    %parallel_loop3A_206 = arith.constant 0 : i32
    %parallel_loop3A_207 = arith.constant 4096 : i32
    %parallel_loop3A_208 = arith.constant 16 : i32
    scf.for %parallel_loop3A_477 = %parallel_loop3A_206 to %parallel_loop3A_207 step %parallel_loop3A_208  : i32 {
      %parallel_loop3A_478 = arith.index_cast %parallel_loop3A_477 : i32 to index
      %parallel_loop3A_479 = tpu.vector_load %arg8[%parallel_loop3A_478] {strides = array<i32>} : memref<4096xi32, #tpu.memory_space<vmem>>, vector<16xi32>,
      %parallel_loop3A_480 = tpu.vector_load_idx %arg7[%parallel_loop3A_479] : memref<100000xf32, #tpu.memory_space<vmem>>[vector<16xi32>], vector<16xf32>,
      %parallel_loop3A_481 = arith.index_cast %parallel_loop3A_477 : i32 to index
      %parallel_loop3A_482 = tpu.vector_load %arg10[%parallel_loop3A_481] {strides = array<i32>} : memref<4096xf32, #tpu.memory_space<vmem>>, vector<16xf32>,
      %parallel_loop3A_483 = arith.addf %parallel_loop3A_482, %parallel_loop3A_480 : vector<16xf32>
      %parallel_loop3A_484 = arith.index_cast %parallel_loop3A_477 : i32 to index
      %parallel_loop3A_485 = tpu.vector_load %arg12[%parallel_loop3A_484] {strides = array<i32>} : memref<4096xf32, #tpu.memory_space<vmem>>, vector<16xf32>,
      tpu.vector_store %arg12[%parallel_loop3A_484], %parallel_loop3A_483 {strides = array<i32>} : memref<4096xf32, #tpu.memory_space<vmem>>, vector<16xf32>,
    } {sc.loop_unroll_factor = 8 : i64, sc.parallel_access}
    %add3A_209 = arith.constant 40960 : i32
    %add3A_210 = arith.addi %mul3A_2, %add3A_209 : i32
    %dma_start3A_211 = tpu.memref_slice %arg5[%add3A_210] : memref<3276800xf32, #tpu.memory_space<hbm>> -> memref<4096xf32, #tpu.memory_space<hbm>>
    %dma_start3A_212 = tpu.memref_slice %arg5[%add3A_210] : memref<3276800xf32, #tpu.memory_space<hbm>> -> memref<4096xf32, #tpu.memory_space<hbm>>
    tpu.enqueue_dma source(%arg12 : memref<4096xf32, #tpu.memory_space<vmem>>) target(%dma_start3A_212 : memref<4096xf32, #tpu.memory_space<hbm>>) target_semaphore(%arg16 : memref<!tpu.dma_semaphore, #tpu.memory_space<semaphore_mem>>)
    %add3A_213 = arith.constant 49152 : i32
    %add3A_214 = arith.addi %mul3A_2, %add3A_213 : i32
    %dma_start3A_215 = tpu.memref_slice %arg4[%add3A_214] : memref<3276800xi32, #tpu.memory_space<hbm>> -> memref<4096xi32, #tpu.memory_space<hbm>>
    %dma_start3A_216 = tpu.memref_slice %arg4[%add3A_214] : memref<3276800xi32, #tpu.memory_space<hbm>> -> memref<4096xi32, #tpu.memory_space<hbm>>
    tpu.enqueue_dma source(%dma_start3A_216 : memref<4096xi32, #tpu.memory_space<hbm>>) target(%arg8 : memref<4096xi32, #tpu.memory_space<vmem>>) target_semaphore(%arg14 : memref<!tpu.dma_semaphore, #tpu.memory_space<semaphore_mem>>)
    %dma_start3A_217 = tpu.memref_slice %arg2[%add3A_214] : memref<3276800xf32, #tpu.memory_space<hbm>> -> memref<4096xf32, #tpu.memory_space<hbm>>
    %dma_start3A_218 = tpu.memref_slice %arg2[%add3A_214] : memref<3276800xf32, #tpu.memory_space<hbm>> -> memref<4096xf32, #tpu.memory_space<hbm>>
    tpu.enqueue_dma source(%dma_start3A_218 : memref<4096xf32, #tpu.memory_space<hbm>>) target(%arg10 : memref<4096xf32, #tpu.memory_space<vmem>>) target_semaphore(%arg14 : memref<!tpu.dma_semaphore, #tpu.memory_space<semaphore_mem>>)
    %dma_wait3A_219 = tpu.memref_slice %arg4[%add3A_195] : memref<3276800xi32, #tpu.memory_space<hbm>> -> memref<4096xi32, #tpu.memory_space<hbm>>
    %dma_wait3A_220 = tpu.memref_slice %arg4[%add3A_195] : memref<3276800xi32, #tpu.memory_space<hbm>> -> memref<4096xi32, #tpu.memory_space<hbm>>
    tpu.wait_dma2 semaphore(%arg15 : memref<!tpu.dma_semaphore, #tpu.memory_space<semaphore_mem>>) src(%dma_wait3A_220 : memref<4096xi32, #tpu.memory_space<hbm>>) dst(%arg9 : memref<4096xi32, #tpu.memory_space<vmem>>)
    %dma_wait3A_221 = tpu.memref_slice %arg2[%add3A_195] : memref<3276800xf32, #tpu.memory_space<hbm>> -> memref<4096xf32, #tpu.memory_space<hbm>>
    %dma_wait3A_222 = tpu.memref_slice %arg2[%add3A_195] : memref<3276800xf32, #tpu.memory_space<hbm>> -> memref<4096xf32, #tpu.memory_space<hbm>>
    tpu.wait_dma2 semaphore(%arg15 : memref<!tpu.dma_semaphore, #tpu.memory_space<semaphore_mem>>) src(%dma_wait3A_222 : memref<4096xf32, #tpu.memory_space<hbm>>) dst(%arg11 : memref<4096xf32, #tpu.memory_space<vmem>>)
    %dma_wait3A_223 = tpu.memref_slice %arg5[%add3A_191] : memref<3276800xf32, #tpu.memory_space<hbm>> -> memref<4096xf32, #tpu.memory_space<hbm>>
    %dma_wait3A_224 = tpu.memref_slice %arg5[%add3A_191] : memref<3276800xf32, #tpu.memory_space<hbm>> -> memref<4096xf32, #tpu.memory_space<hbm>>
    tpu.wait_dma2 semaphore(%arg17 : memref<!tpu.dma_semaphore, #tpu.memory_space<semaphore_mem>>) src(%arg13 : memref<4096xf32, #tpu.memory_space<vmem>>) dst(%dma_wait3A_224 : memref<4096xf32, #tpu.memory_space<hbm>>)
    %parallel_loop3A_225 = arith.constant 0 : i32
    %parallel_loop3A_226 = arith.constant 4096 : i32
    %parallel_loop3A_227 = arith.constant 16 : i32
    scf.for %parallel_loop3A_477 = %parallel_loop3A_225 to %parallel_loop3A_226 step %parallel_loop3A_227  : i32 {
      %parallel_loop3A_478 = arith.index_cast %parallel_loop3A_477 : i32 to index
      %parallel_loop3A_479 = tpu.vector_load %arg9[%parallel_loop3A_478] {strides = array<i32>} : memref<4096xi32, #tpu.memory_space<vmem>>, vector<16xi32>,
      %parallel_loop3A_480 = tpu.vector_load_idx %arg7[%parallel_loop3A_479] : memref<100000xf32, #tpu.memory_space<vmem>>[vector<16xi32>], vector<16xf32>,
      %parallel_loop3A_481 = arith.index_cast %parallel_loop3A_477 : i32 to index
      %parallel_loop3A_482 = tpu.vector_load %arg11[%parallel_loop3A_481] {strides = array<i32>} : memref<4096xf32, #tpu.memory_space<vmem>>, vector<16xf32>,
      %parallel_loop3A_483 = arith.addf %parallel_loop3A_482, %parallel_loop3A_480 : vector<16xf32>
      %parallel_loop3A_484 = arith.index_cast %parallel_loop3A_477 : i32 to index
      %parallel_loop3A_485 = tpu.vector_load %arg13[%parallel_loop3A_484] {strides = array<i32>} : memref<4096xf32, #tpu.memory_space<vmem>>, vector<16xf32>,
      tpu.vector_store %arg13[%parallel_loop3A_484], %parallel_loop3A_483 {strides = array<i32>} : memref<4096xf32, #tpu.memory_space<vmem>>, vector<16xf32>,
    } {sc.loop_unroll_factor = 8 : i64, sc.parallel_access}
    %add3A_228 = arith.constant 45056 : i32
    %add3A_229 = arith.addi %mul3A_2, %add3A_228 : i32
    %dma_start3A_230 = tpu.memref_slice %arg5[%add3A_229] : memref<3276800xf32, #tpu.memory_space<hbm>> -> memref<4096xf32, #tpu.memory_space<hbm>>
    %dma_start3A_231 = tpu.memref_slice %arg5[%add3A_229] : memref<3276800xf32, #tpu.memory_space<hbm>> -> memref<4096xf32, #tpu.memory_space<hbm>>
    tpu.enqueue_dma source(%arg13 : memref<4096xf32, #tpu.memory_space<vmem>>) target(%dma_start3A_231 : memref<4096xf32, #tpu.memory_space<hbm>>) target_semaphore(%arg17 : memref<!tpu.dma_semaphore, #tpu.memory_space<semaphore_mem>>)
    %add3A_232 = arith.constant 53248 : i32
    %add3A_233 = arith.addi %mul3A_2, %add3A_232 : i32
    %dma_start3A_234 = tpu.memref_slice %arg4[%add3A_233] : memref<3276800xi32, #tpu.memory_space<hbm>> -> memref<4096xi32, #tpu.memory_space<hbm>>
    %dma_start3A_235 = tpu.memref_slice %arg4[%add3A_233] : memref<3276800xi32, #tpu.memory_space<hbm>> -> memref<4096xi32, #tpu.memory_space<hbm>>
    tpu.enqueue_dma source(%dma_start3A_235 : memref<4096xi32, #tpu.memory_space<hbm>>) target(%arg9 : memref<4096xi32, #tpu.memory_space<vmem>>) target_semaphore(%arg15 : memref<!tpu.dma_semaphore, #tpu.memory_space<semaphore_mem>>)
    %dma_start3A_236 = tpu.memref_slice %arg2[%add3A_233] : memref<3276800xf32, #tpu.memory_space<hbm>> -> memref<4096xf32, #tpu.memory_space<hbm>>
    %dma_start3A_237 = tpu.memref_slice %arg2[%add3A_233] : memref<3276800xf32, #tpu.memory_space<hbm>> -> memref<4096xf32, #tpu.memory_space<hbm>>
    tpu.enqueue_dma source(%dma_start3A_237 : memref<4096xf32, #tpu.memory_space<hbm>>) target(%arg11 : memref<4096xf32, #tpu.memory_space<vmem>>) target_semaphore(%arg15 : memref<!tpu.dma_semaphore, #tpu.memory_space<semaphore_mem>>)
    %dma_wait3A_238 = tpu.memref_slice %arg4[%add3A_214] : memref<3276800xi32, #tpu.memory_space<hbm>> -> memref<4096xi32, #tpu.memory_space<hbm>>
    %dma_wait3A_239 = tpu.memref_slice %arg4[%add3A_214] : memref<3276800xi32, #tpu.memory_space<hbm>> -> memref<4096xi32, #tpu.memory_space<hbm>>
    tpu.wait_dma2 semaphore(%arg14 : memref<!tpu.dma_semaphore, #tpu.memory_space<semaphore_mem>>) src(%dma_wait3A_239 : memref<4096xi32, #tpu.memory_space<hbm>>) dst(%arg8 : memref<4096xi32, #tpu.memory_space<vmem>>)
    %dma_wait3A_240 = tpu.memref_slice %arg2[%add3A_214] : memref<3276800xf32, #tpu.memory_space<hbm>> -> memref<4096xf32, #tpu.memory_space<hbm>>
    %dma_wait3A_241 = tpu.memref_slice %arg2[%add3A_214] : memref<3276800xf32, #tpu.memory_space<hbm>> -> memref<4096xf32, #tpu.memory_space<hbm>>
    tpu.wait_dma2 semaphore(%arg14 : memref<!tpu.dma_semaphore, #tpu.memory_space<semaphore_mem>>) src(%dma_wait3A_241 : memref<4096xf32, #tpu.memory_space<hbm>>) dst(%arg10 : memref<4096xf32, #tpu.memory_space<vmem>>)
    %dma_wait3A_242 = tpu.memref_slice %arg5[%add3A_210] : memref<3276800xf32, #tpu.memory_space<hbm>> -> memref<4096xf32, #tpu.memory_space<hbm>>
    %dma_wait3A_243 = tpu.memref_slice %arg5[%add3A_210] : memref<3276800xf32, #tpu.memory_space<hbm>> -> memref<4096xf32, #tpu.memory_space<hbm>>
    tpu.wait_dma2 semaphore(%arg16 : memref<!tpu.dma_semaphore, #tpu.memory_space<semaphore_mem>>) src(%arg12 : memref<4096xf32, #tpu.memory_space<vmem>>) dst(%dma_wait3A_243 : memref<4096xf32, #tpu.memory_space<hbm>>)
    %parallel_loop3A_244 = arith.constant 0 : i32
    %parallel_loop3A_245 = arith.constant 4096 : i32
    %parallel_loop3A_246 = arith.constant 16 : i32
    scf.for %parallel_loop3A_477 = %parallel_loop3A_244 to %parallel_loop3A_245 step %parallel_loop3A_246  : i32 {
      %parallel_loop3A_478 = arith.index_cast %parallel_loop3A_477 : i32 to index
      %parallel_loop3A_479 = tpu.vector_load %arg8[%parallel_loop3A_478] {strides = array<i32>} : memref<4096xi32, #tpu.memory_space<vmem>>, vector<16xi32>,
      %parallel_loop3A_480 = tpu.vector_load_idx %arg7[%parallel_loop3A_479] : memref<100000xf32, #tpu.memory_space<vmem>>[vector<16xi32>], vector<16xf32>,
      %parallel_loop3A_481 = arith.index_cast %parallel_loop3A_477 : i32 to index
      %parallel_loop3A_482 = tpu.vector_load %arg10[%parallel_loop3A_481] {strides = array<i32>} : memref<4096xf32, #tpu.memory_space<vmem>>, vector<16xf32>,
      %parallel_loop3A_483 = arith.addf %parallel_loop3A_482, %parallel_loop3A_480 : vector<16xf32>
      %parallel_loop3A_484 = arith.index_cast %parallel_loop3A_477 : i32 to index
      %parallel_loop3A_485 = tpu.vector_load %arg12[%parallel_loop3A_484] {strides = array<i32>} : memref<4096xf32, #tpu.memory_space<vmem>>, vector<16xf32>,
      tpu.vector_store %arg12[%parallel_loop3A_484], %parallel_loop3A_483 {strides = array<i32>} : memref<4096xf32, #tpu.memory_space<vmem>>, vector<16xf32>,
    } {sc.loop_unroll_factor = 8 : i64, sc.parallel_access}
    %add3A_247 = arith.constant 49152 : i32
    %add3A_248 = arith.addi %mul3A_2, %add3A_247 : i32
    %dma_start3A_249 = tpu.memref_slice %arg5[%add3A_248] : memref<3276800xf32, #tpu.memory_space<hbm>> -> memref<4096xf32, #tpu.memory_space<hbm>>
    %dma_start3A_250 = tpu.memref_slice %arg5[%add3A_248] : memref<3276800xf32, #tpu.memory_space<hbm>> -> memref<4096xf32, #tpu.memory_space<hbm>>
    tpu.enqueue_dma source(%arg12 : memref<4096xf32, #tpu.memory_space<vmem>>) target(%dma_start3A_250 : memref<4096xf32, #tpu.memory_space<hbm>>) target_semaphore(%arg16 : memref<!tpu.dma_semaphore, #tpu.memory_space<semaphore_mem>>)
    %add3A_251 = arith.constant 57344 : i32
    %add3A_252 = arith.addi %mul3A_2, %add3A_251 : i32
    %dma_start3A_253 = tpu.memref_slice %arg4[%add3A_252] : memref<3276800xi32, #tpu.memory_space<hbm>> -> memref<4096xi32, #tpu.memory_space<hbm>>
    %dma_start3A_254 = tpu.memref_slice %arg4[%add3A_252] : memref<3276800xi32, #tpu.memory_space<hbm>> -> memref<4096xi32, #tpu.memory_space<hbm>>
    tpu.enqueue_dma source(%dma_start3A_254 : memref<4096xi32, #tpu.memory_space<hbm>>) target(%arg8 : memref<4096xi32, #tpu.memory_space<vmem>>) target_semaphore(%arg14 : memref<!tpu.dma_semaphore, #tpu.memory_space<semaphore_mem>>)
    %dma_start3A_255 = tpu.memref_slice %arg2[%add3A_252] : memref<3276800xf32, #tpu.memory_space<hbm>> -> memref<4096xf32, #tpu.memory_space<hbm>>
    %dma_start3A_256 = tpu.memref_slice %arg2[%add3A_252] : memref<3276800xf32, #tpu.memory_space<hbm>> -> memref<4096xf32, #tpu.memory_space<hbm>>
    tpu.enqueue_dma source(%dma_start3A_256 : memref<4096xf32, #tpu.memory_space<hbm>>) target(%arg10 : memref<4096xf32, #tpu.memory_space<vmem>>) target_semaphore(%arg14 : memref<!tpu.dma_semaphore, #tpu.memory_space<semaphore_mem>>)
    %dma_wait3A_257 = tpu.memref_slice %arg4[%add3A_233] : memref<3276800xi32, #tpu.memory_space<hbm>> -> memref<4096xi32, #tpu.memory_space<hbm>>
    %dma_wait3A_258 = tpu.memref_slice %arg4[%add3A_233] : memref<3276800xi32, #tpu.memory_space<hbm>> -> memref<4096xi32, #tpu.memory_space<hbm>>
    tpu.wait_dma2 semaphore(%arg15 : memref<!tpu.dma_semaphore, #tpu.memory_space<semaphore_mem>>) src(%dma_wait3A_258 : memref<4096xi32, #tpu.memory_space<hbm>>) dst(%arg9 : memref<4096xi32, #tpu.memory_space<vmem>>)
    %dma_wait3A_259 = tpu.memref_slice %arg2[%add3A_233] : memref<3276800xf32, #tpu.memory_space<hbm>> -> memref<4096xf32, #tpu.memory_space<hbm>>
    %dma_wait3A_260 = tpu.memref_slice %arg2[%add3A_233] : memref<3276800xf32, #tpu.memory_space<hbm>> -> memref<4096xf32, #tpu.memory_space<hbm>>
    tpu.wait_dma2 semaphore(%arg15 : memref<!tpu.dma_semaphore, #tpu.memory_space<semaphore_mem>>) src(%dma_wait3A_260 : memref<4096xf32, #tpu.memory_space<hbm>>) dst(%arg11 : memref<4096xf32, #tpu.memory_space<vmem>>)
    %dma_wait3A_261 = tpu.memref_slice %arg5[%add3A_229] : memref<3276800xf32, #tpu.memory_space<hbm>> -> memref<4096xf32, #tpu.memory_space<hbm>>
    %dma_wait3A_262 = tpu.memref_slice %arg5[%add3A_229] : memref<3276800xf32, #tpu.memory_space<hbm>> -> memref<4096xf32, #tpu.memory_space<hbm>>
    tpu.wait_dma2 semaphore(%arg17 : memref<!tpu.dma_semaphore, #tpu.memory_space<semaphore_mem>>) src(%arg13 : memref<4096xf32, #tpu.memory_space<vmem>>) dst(%dma_wait3A_262 : memref<4096xf32, #tpu.memory_space<hbm>>)
    %parallel_loop3A_263 = arith.constant 0 : i32
    %parallel_loop3A_264 = arith.constant 4096 : i32
    %parallel_loop3A_265 = arith.constant 16 : i32
    scf.for %parallel_loop3A_477 = %parallel_loop3A_263 to %parallel_loop3A_264 step %parallel_loop3A_265  : i32 {
      %parallel_loop3A_478 = arith.index_cast %parallel_loop3A_477 : i32 to index
      %parallel_loop3A_479 = tpu.vector_load %arg9[%parallel_loop3A_478] {strides = array<i32>} : memref<4096xi32, #tpu.memory_space<vmem>>, vector<16xi32>,
      %parallel_loop3A_480 = tpu.vector_load_idx %arg7[%parallel_loop3A_479] : memref<100000xf32, #tpu.memory_space<vmem>>[vector<16xi32>], vector<16xf32>,
      %parallel_loop3A_481 = arith.index_cast %parallel_loop3A_477 : i32 to index
      %parallel_loop3A_482 = tpu.vector_load %arg11[%parallel_loop3A_481] {strides = array<i32>} : memref<4096xf32, #tpu.memory_space<vmem>>, vector<16xf32>,
      %parallel_loop3A_483 = arith.addf %parallel_loop3A_482, %parallel_loop3A_480 : vector<16xf32>
      %parallel_loop3A_484 = arith.index_cast %parallel_loop3A_477 : i32 to index
      %parallel_loop3A_485 = tpu.vector_load %arg13[%parallel_loop3A_484] {strides = array<i32>} : memref<4096xf32, #tpu.memory_space<vmem>>, vector<16xf32>,
      tpu.vector_store %arg13[%parallel_loop3A_484], %parallel_loop3A_483 {strides = array<i32>} : memref<4096xf32, #tpu.memory_space<vmem>>, vector<16xf32>,
    } {sc.loop_unroll_factor = 8 : i64, sc.parallel_access}
    %add3A_266 = arith.constant 53248 : i32
    %add3A_267 = arith.addi %mul3A_2, %add3A_266 : i32
    %dma_start3A_268 = tpu.memref_slice %arg5[%add3A_267] : memref<3276800xf32, #tpu.memory_space<hbm>> -> memref<4096xf32, #tpu.memory_space<hbm>>
    %dma_start3A_269 = tpu.memref_slice %arg5[%add3A_267] : memref<3276800xf32, #tpu.memory_space<hbm>> -> memref<4096xf32, #tpu.memory_space<hbm>>
    tpu.enqueue_dma source(%arg13 : memref<4096xf32, #tpu.memory_space<vmem>>) target(%dma_start3A_269 : memref<4096xf32, #tpu.memory_space<hbm>>) target_semaphore(%arg17 : memref<!tpu.dma_semaphore, #tpu.memory_space<semaphore_mem>>)
    %add3A_270 = arith.constant 61440 : i32
    %add3A_271 = arith.addi %mul3A_2, %add3A_270 : i32
    %dma_start3A_272 = tpu.memref_slice %arg4[%add3A_271] : memref<3276800xi32, #tpu.memory_space<hbm>> -> memref<4096xi32, #tpu.memory_space<hbm>>
    %dma_start3A_273 = tpu.memref_slice %arg4[%add3A_271] : memref<3276800xi32, #tpu.memory_space<hbm>> -> memref<4096xi32, #tpu.memory_space<hbm>>
    tpu.enqueue_dma source(%dma_start3A_273 : memref<4096xi32, #tpu.memory_space<hbm>>) target(%arg9 : memref<4096xi32, #tpu.memory_space<vmem>>) target_semaphore(%arg15 : memref<!tpu.dma_semaphore, #tpu.memory_space<semaphore_mem>>)
    %dma_start3A_274 = tpu.memref_slice %arg2[%add3A_271] : memref<3276800xf32, #tpu.memory_space<hbm>> -> memref<4096xf32, #tpu.memory_space<hbm>>
    %dma_start3A_275 = tpu.memref_slice %arg2[%add3A_271] : memref<3276800xf32, #tpu.memory_space<hbm>> -> memref<4096xf32, #tpu.memory_space<hbm>>
    tpu.enqueue_dma source(%dma_start3A_275 : memref<4096xf32, #tpu.memory_space<hbm>>) target(%arg11 : memref<4096xf32, #tpu.memory_space<vmem>>) target_semaphore(%arg15 : memref<!tpu.dma_semaphore, #tpu.memory_space<semaphore_mem>>)
    %dma_wait3A_276 = tpu.memref_slice %arg4[%add3A_252] : memref<3276800xi32, #tpu.memory_space<hbm>> -> memref<4096xi32, #tpu.memory_space<hbm>>
    %dma_wait3A_277 = tpu.memref_slice %arg4[%add3A_252] : memref<3276800xi32, #tpu.memory_space<hbm>> -> memref<4096xi32, #tpu.memory_space<hbm>>
    tpu.wait_dma2 semaphore(%arg14 : memref<!tpu.dma_semaphore, #tpu.memory_space<semaphore_mem>>) src(%dma_wait3A_277 : memref<4096xi32, #tpu.memory_space<hbm>>) dst(%arg8 : memref<4096xi32, #tpu.memory_space<vmem>>)
    %dma_wait3A_278 = tpu.memref_slice %arg2[%add3A_252] : memref<3276800xf32, #tpu.memory_space<hbm>> -> memref<4096xf32, #tpu.memory_space<hbm>>
    %dma_wait3A_279 = tpu.memref_slice %arg2[%add3A_252] : memref<3276800xf32, #tpu.memory_space<hbm>> -> memref<4096xf32, #tpu.memory_space<hbm>>
    tpu.wait_dma2 semaphore(%arg14 : memref<!tpu.dma_semaphore, #tpu.memory_space<semaphore_mem>>) src(%dma_wait3A_279 : memref<4096xf32, #tpu.memory_space<hbm>>) dst(%arg10 : memref<4096xf32, #tpu.memory_space<vmem>>)
    %dma_wait3A_280 = tpu.memref_slice %arg5[%add3A_248] : memref<3276800xf32, #tpu.memory_space<hbm>> -> memref<4096xf32, #tpu.memory_space<hbm>>
    %dma_wait3A_281 = tpu.memref_slice %arg5[%add3A_248] : memref<3276800xf32, #tpu.memory_space<hbm>> -> memref<4096xf32, #tpu.memory_space<hbm>>
    tpu.wait_dma2 semaphore(%arg16 : memref<!tpu.dma_semaphore, #tpu.memory_space<semaphore_mem>>) src(%arg12 : memref<4096xf32, #tpu.memory_space<vmem>>) dst(%dma_wait3A_281 : memref<4096xf32, #tpu.memory_space<hbm>>)
    %parallel_loop3A_282 = arith.constant 0 : i32
    %parallel_loop3A_283 = arith.constant 4096 : i32
    %parallel_loop3A_284 = arith.constant 16 : i32
    scf.for %parallel_loop3A_477 = %parallel_loop3A_282 to %parallel_loop3A_283 step %parallel_loop3A_284  : i32 {
      %parallel_loop3A_478 = arith.index_cast %parallel_loop3A_477 : i32 to index
      %parallel_loop3A_479 = tpu.vector_load %arg8[%parallel_loop3A_478] {strides = array<i32>} : memref<4096xi32, #tpu.memory_space<vmem>>, vector<16xi32>,
      %parallel_loop3A_480 = tpu.vector_load_idx %arg7[%parallel_loop3A_479] : memref<100000xf32, #tpu.memory_space<vmem>>[vector<16xi32>], vector<16xf32>,
      %parallel_loop3A_481 = arith.index_cast %parallel_loop3A_477 : i32 to index
      %parallel_loop3A_482 = tpu.vector_load %arg10[%parallel_loop3A_481] {strides = array<i32>} : memref<4096xf32, #tpu.memory_space<vmem>>, vector<16xf32>,
      %parallel_loop3A_483 = arith.addf %parallel_loop3A_482, %parallel_loop3A_480 : vector<16xf32>
      %parallel_loop3A_484 = arith.index_cast %parallel_loop3A_477 : i32 to index
      %parallel_loop3A_485 = tpu.vector_load %arg12[%parallel_loop3A_484] {strides = array<i32>} : memref<4096xf32, #tpu.memory_space<vmem>>, vector<16xf32>,
      tpu.vector_store %arg12[%parallel_loop3A_484], %parallel_loop3A_483 {strides = array<i32>} : memref<4096xf32, #tpu.memory_space<vmem>>, vector<16xf32>,
    } {sc.loop_unroll_factor = 8 : i64, sc.parallel_access}
    %add3A_285 = arith.constant 57344 : i32
    %add3A_286 = arith.addi %mul3A_2, %add3A_285 : i32
    %dma_start3A_287 = tpu.memref_slice %arg5[%add3A_286] : memref<3276800xf32, #tpu.memory_space<hbm>> -> memref<4096xf32, #tpu.memory_space<hbm>>
    %dma_start3A_288 = tpu.memref_slice %arg5[%add3A_286] : memref<3276800xf32, #tpu.memory_space<hbm>> -> memref<4096xf32, #tpu.memory_space<hbm>>
    tpu.enqueue_dma source(%arg12 : memref<4096xf32, #tpu.memory_space<vmem>>) target(%dma_start3A_288 : memref<4096xf32, #tpu.memory_space<hbm>>) target_semaphore(%arg16 : memref<!tpu.dma_semaphore, #tpu.memory_space<semaphore_mem>>)
    %add3A_289 = arith.constant 65536 : i32
    %add3A_290 = arith.addi %mul3A_2, %add3A_289 : i32
    %dma_start3A_291 = tpu.memref_slice %arg4[%add3A_290] : memref<3276800xi32, #tpu.memory_space<hbm>> -> memref<4096xi32, #tpu.memory_space<hbm>>
    %dma_start3A_292 = tpu.memref_slice %arg4[%add3A_290] : memref<3276800xi32, #tpu.memory_space<hbm>> -> memref<4096xi32, #tpu.memory_space<hbm>>
    tpu.enqueue_dma source(%dma_start3A_292 : memref<4096xi32, #tpu.memory_space<hbm>>) target(%arg8 : memref<4096xi32, #tpu.memory_space<vmem>>) target_semaphore(%arg14 : memref<!tpu.dma_semaphore, #tpu.memory_space<semaphore_mem>>)
    %dma_start3A_293 = tpu.memref_slice %arg2[%add3A_290] : memref<3276800xf32, #tpu.memory_space<hbm>> -> memref<4096xf32, #tpu.memory_space<hbm>>
    %dma_start3A_294 = tpu.memref_slice %arg2[%add3A_290] : memref<3276800xf32, #tpu.memory_space<hbm>> -> memref<4096xf32, #tpu.memory_space<hbm>>
    tpu.enqueue_dma source(%dma_start3A_294 : memref<4096xf32, #tpu.memory_space<hbm>>) target(%arg10 : memref<4096xf32, #tpu.memory_space<vmem>>) target_semaphore(%arg14 : memref<!tpu.dma_semaphore, #tpu.memory_space<semaphore_mem>>)
    %dma_wait3A_295 = tpu.memref_slice %arg4[%add3A_271] : memref<3276800xi32, #tpu.memory_space<hbm>> -> memref<4096xi32, #tpu.memory_space<hbm>>
    %dma_wait3A_296 = tpu.memref_slice %arg4[%add3A_271] : memref<3276800xi32, #tpu.memory_space<hbm>> -> memref<4096xi32, #tpu.memory_space<hbm>>
    tpu.wait_dma2 semaphore(%arg15 : memref<!tpu.dma_semaphore, #tpu.memory_space<semaphore_mem>>) src(%dma_wait3A_296 : memref<4096xi32, #tpu.memory_space<hbm>>) dst(%arg9 : memref<4096xi32, #tpu.memory_space<vmem>>)
    %dma_wait3A_297 = tpu.memref_slice %arg2[%add3A_271] : memref<3276800xf32, #tpu.memory_space<hbm>> -> memref<4096xf32, #tpu.memory_space<hbm>>
    %dma_wait3A_298 = tpu.memref_slice %arg2[%add3A_271] : memref<3276800xf32, #tpu.memory_space<hbm>> -> memref<4096xf32, #tpu.memory_space<hbm>>
    tpu.wait_dma2 semaphore(%arg15 : memref<!tpu.dma_semaphore, #tpu.memory_space<semaphore_mem>>) src(%dma_wait3A_298 : memref<4096xf32, #tpu.memory_space<hbm>>) dst(%arg11 : memref<4096xf32, #tpu.memory_space<vmem>>)
    %dma_wait3A_299 = tpu.memref_slice %arg5[%add3A_267] : memref<3276800xf32, #tpu.memory_space<hbm>> -> memref<4096xf32, #tpu.memory_space<hbm>>
    %dma_wait3A_300 = tpu.memref_slice %arg5[%add3A_267] : memref<3276800xf32, #tpu.memory_space<hbm>> -> memref<4096xf32, #tpu.memory_space<hbm>>
    tpu.wait_dma2 semaphore(%arg17 : memref<!tpu.dma_semaphore, #tpu.memory_space<semaphore_mem>>) src(%arg13 : memref<4096xf32, #tpu.memory_space<vmem>>) dst(%dma_wait3A_300 : memref<4096xf32, #tpu.memory_space<hbm>>)
    %parallel_loop3A_301 = arith.constant 0 : i32
    %parallel_loop3A_302 = arith.constant 4096 : i32
    %parallel_loop3A_303 = arith.constant 16 : i32
    scf.for %parallel_loop3A_477 = %parallel_loop3A_301 to %parallel_loop3A_302 step %parallel_loop3A_303  : i32 {
      %parallel_loop3A_478 = arith.index_cast %parallel_loop3A_477 : i32 to index
      %parallel_loop3A_479 = tpu.vector_load %arg9[%parallel_loop3A_478] {strides = array<i32>} : memref<4096xi32, #tpu.memory_space<vmem>>, vector<16xi32>,
      %parallel_loop3A_480 = tpu.vector_load_idx %arg7[%parallel_loop3A_479] : memref<100000xf32, #tpu.memory_space<vmem>>[vector<16xi32>], vector<16xf32>,
      %parallel_loop3A_481 = arith.index_cast %parallel_loop3A_477 : i32 to index
      %parallel_loop3A_482 = tpu.vector_load %arg11[%parallel_loop3A_481] {strides = array<i32>} : memref<4096xf32, #tpu.memory_space<vmem>>, vector<16xf32>,
      %parallel_loop3A_483 = arith.addf %parallel_loop3A_482, %parallel_loop3A_480 : vector<16xf32>
      %parallel_loop3A_484 = arith.index_cast %parallel_loop3A_477 : i32 to index
      %parallel_loop3A_485 = tpu.vector_load %arg13[%parallel_loop3A_484] {strides = array<i32>} : memref<4096xf32, #tpu.memory_space<vmem>>, vector<16xf32>,
      tpu.vector_store %arg13[%parallel_loop3A_484], %parallel_loop3A_483 {strides = array<i32>} : memref<4096xf32, #tpu.memory_space<vmem>>, vector<16xf32>,
    } {sc.loop_unroll_factor = 8 : i64, sc.parallel_access}
    %add3A_304 = arith.constant 61440 : i32
    %add3A_305 = arith.addi %mul3A_2, %add3A_304 : i32
    %dma_start3A_306 = tpu.memref_slice %arg5[%add3A_305] : memref<3276800xf32, #tpu.memory_space<hbm>> -> memref<4096xf32, #tpu.memory_space<hbm>>
    %dma_start3A_307 = tpu.memref_slice %arg5[%add3A_305] : memref<3276800xf32, #tpu.memory_space<hbm>> -> memref<4096xf32, #tpu.memory_space<hbm>>
    tpu.enqueue_dma source(%arg13 : memref<4096xf32, #tpu.memory_space<vmem>>) target(%dma_start3A_307 : memref<4096xf32, #tpu.memory_space<hbm>>) target_semaphore(%arg17 : memref<!tpu.dma_semaphore, #tpu.memory_space<semaphore_mem>>)
    %add3A_308 = arith.constant 69632 : i32
    %add3A_309 = arith.addi %mul3A_2, %add3A_308 : i32
    %dma_start3A_310 = tpu.memref_slice %arg4[%add3A_309] : memref<3276800xi32, #tpu.memory_space<hbm>> -> memref<4096xi32, #tpu.memory_space<hbm>>
    %dma_start3A_311 = tpu.memref_slice %arg4[%add3A_309] : memref<3276800xi32, #tpu.memory_space<hbm>> -> memref<4096xi32, #tpu.memory_space<hbm>>
    tpu.enqueue_dma source(%dma_start3A_311 : memref<4096xi32, #tpu.memory_space<hbm>>) target(%arg9 : memref<4096xi32, #tpu.memory_space<vmem>>) target_semaphore(%arg15 : memref<!tpu.dma_semaphore, #tpu.memory_space<semaphore_mem>>)
    %dma_start3A_312 = tpu.memref_slice %arg2[%add3A_309] : memref<3276800xf32, #tpu.memory_space<hbm>> -> memref<4096xf32, #tpu.memory_space<hbm>>
    %dma_start3A_313 = tpu.memref_slice %arg2[%add3A_309] : memref<3276800xf32, #tpu.memory_space<hbm>> -> memref<4096xf32, #tpu.memory_space<hbm>>
    tpu.enqueue_dma source(%dma_start3A_313 : memref<4096xf32, #tpu.memory_space<hbm>>) target(%arg11 : memref<4096xf32, #tpu.memory_space<vmem>>) target_semaphore(%arg15 : memref<!tpu.dma_semaphore, #tpu.memory_space<semaphore_mem>>)
    %dma_wait3A_314 = tpu.memref_slice %arg4[%add3A_290] : memref<3276800xi32, #tpu.memory_space<hbm>> -> memref<4096xi32, #tpu.memory_space<hbm>>
    %dma_wait3A_315 = tpu.memref_slice %arg4[%add3A_290] : memref<3276800xi32, #tpu.memory_space<hbm>> -> memref<4096xi32, #tpu.memory_space<hbm>>
    tpu.wait_dma2 semaphore(%arg14 : memref<!tpu.dma_semaphore, #tpu.memory_space<semaphore_mem>>) src(%dma_wait3A_315 : memref<4096xi32, #tpu.memory_space<hbm>>) dst(%arg8 : memref<4096xi32, #tpu.memory_space<vmem>>)
    %dma_wait3A_316 = tpu.memref_slice %arg2[%add3A_290] : memref<3276800xf32, #tpu.memory_space<hbm>> -> memref<4096xf32, #tpu.memory_space<hbm>>
    %dma_wait3A_317 = tpu.memref_slice %arg2[%add3A_290] : memref<3276800xf32, #tpu.memory_space<hbm>> -> memref<4096xf32, #tpu.memory_space<hbm>>
    tpu.wait_dma2 semaphore(%arg14 : memref<!tpu.dma_semaphore, #tpu.memory_space<semaphore_mem>>) src(%dma_wait3A_317 : memref<4096xf32, #tpu.memory_space<hbm>>) dst(%arg10 : memref<4096xf32, #tpu.memory_space<vmem>>)
    %dma_wait3A_318 = tpu.memref_slice %arg5[%add3A_286] : memref<3276800xf32, #tpu.memory_space<hbm>> -> memref<4096xf32, #tpu.memory_space<hbm>>
    %dma_wait3A_319 = tpu.memref_slice %arg5[%add3A_286] : memref<3276800xf32, #tpu.memory_space<hbm>> -> memref<4096xf32, #tpu.memory_space<hbm>>
    tpu.wait_dma2 semaphore(%arg16 : memref<!tpu.dma_semaphore, #tpu.memory_space<semaphore_mem>>) src(%arg12 : memref<4096xf32, #tpu.memory_space<vmem>>) dst(%dma_wait3A_319 : memref<4096xf32, #tpu.memory_space<hbm>>)
    %parallel_loop3A_320 = arith.constant 0 : i32
    %parallel_loop3A_321 = arith.constant 4096 : i32
    %parallel_loop3A_322 = arith.constant 16 : i32
    scf.for %parallel_loop3A_477 = %parallel_loop3A_320 to %parallel_loop3A_321 step %parallel_loop3A_322  : i32 {
      %parallel_loop3A_478 = arith.index_cast %parallel_loop3A_477 : i32 to index
      %parallel_loop3A_479 = tpu.vector_load %arg8[%parallel_loop3A_478] {strides = array<i32>} : memref<4096xi32, #tpu.memory_space<vmem>>, vector<16xi32>,
      %parallel_loop3A_480 = tpu.vector_load_idx %arg7[%parallel_loop3A_479] : memref<100000xf32, #tpu.memory_space<vmem>>[vector<16xi32>], vector<16xf32>,
      %parallel_loop3A_481 = arith.index_cast %parallel_loop3A_477 : i32 to index
      %parallel_loop3A_482 = tpu.vector_load %arg10[%parallel_loop3A_481] {strides = array<i32>} : memref<4096xf32, #tpu.memory_space<vmem>>, vector<16xf32>,
      %parallel_loop3A_483 = arith.addf %parallel_loop3A_482, %parallel_loop3A_480 : vector<16xf32>
      %parallel_loop3A_484 = arith.index_cast %parallel_loop3A_477 : i32 to index
      %parallel_loop3A_485 = tpu.vector_load %arg12[%parallel_loop3A_484] {strides = array<i32>} : memref<4096xf32, #tpu.memory_space<vmem>>, vector<16xf32>,
      tpu.vector_store %arg12[%parallel_loop3A_484], %parallel_loop3A_483 {strides = array<i32>} : memref<4096xf32, #tpu.memory_space<vmem>>, vector<16xf32>,
    } {sc.loop_unroll_factor = 8 : i64, sc.parallel_access}
    %add3A_323 = arith.constant 65536 : i32
    %add3A_324 = arith.addi %mul3A_2, %add3A_323 : i32
    %dma_start3A_325 = tpu.memref_slice %arg5[%add3A_324] : memref<3276800xf32, #tpu.memory_space<hbm>> -> memref<4096xf32, #tpu.memory_space<hbm>>
    %dma_start3A_326 = tpu.memref_slice %arg5[%add3A_324] : memref<3276800xf32, #tpu.memory_space<hbm>> -> memref<4096xf32, #tpu.memory_space<hbm>>
    tpu.enqueue_dma source(%arg12 : memref<4096xf32, #tpu.memory_space<vmem>>) target(%dma_start3A_326 : memref<4096xf32, #tpu.memory_space<hbm>>) target_semaphore(%arg16 : memref<!tpu.dma_semaphore, #tpu.memory_space<semaphore_mem>>)
    %add3A_327 = arith.constant 73728 : i32
    %add3A_328 = arith.addi %mul3A_2, %add3A_327 : i32
    %dma_start3A_329 = tpu.memref_slice %arg4[%add3A_328] : memref<3276800xi32, #tpu.memory_space<hbm>> -> memref<4096xi32, #tpu.memory_space<hbm>>
    %dma_start3A_330 = tpu.memref_slice %arg4[%add3A_328] : memref<3276800xi32, #tpu.memory_space<hbm>> -> memref<4096xi32, #tpu.memory_space<hbm>>
    tpu.enqueue_dma source(%dma_start3A_330 : memref<4096xi32, #tpu.memory_space<hbm>>) target(%arg8 : memref<4096xi32, #tpu.memory_space<vmem>>) target_semaphore(%arg14 : memref<!tpu.dma_semaphore, #tpu.memory_space<semaphore_mem>>)
    %dma_start3A_331 = tpu.memref_slice %arg2[%add3A_328] : memref<3276800xf32, #tpu.memory_space<hbm>> -> memref<4096xf32, #tpu.memory_space<hbm>>
    %dma_start3A_332 = tpu.memref_slice %arg2[%add3A_328] : memref<3276800xf32, #tpu.memory_space<hbm>> -> memref<4096xf32, #tpu.memory_space<hbm>>
    tpu.enqueue_dma source(%dma_start3A_332 : memref<4096xf32, #tpu.memory_space<hbm>>) target(%arg10 : memref<4096xf32, #tpu.memory_space<vmem>>) target_semaphore(%arg14 : memref<!tpu.dma_semaphore, #tpu.memory_space<semaphore_mem>>)
    %dma_wait3A_333 = tpu.memref_slice %arg4[%add3A_309] : memref<3276800xi32, #tpu.memory_space<hbm>> -> memref<4096xi32, #tpu.memory_space<hbm>>
    %dma_wait3A_334 = tpu.memref_slice %arg4[%add3A_309] : memref<3276800xi32, #tpu.memory_space<hbm>> -> memref<4096xi32, #tpu.memory_space<hbm>>
    tpu.wait_dma2 semaphore(%arg15 : memref<!tpu.dma_semaphore, #tpu.memory_space<semaphore_mem>>) src(%dma_wait3A_334 : memref<4096xi32, #tpu.memory_space<hbm>>) dst(%arg9 : memref<4096xi32, #tpu.memory_space<vmem>>)
    %dma_wait3A_335 = tpu.memref_slice %arg2[%add3A_309] : memref<3276800xf32, #tpu.memory_space<hbm>> -> memref<4096xf32, #tpu.memory_space<hbm>>
    %dma_wait3A_336 = tpu.memref_slice %arg2[%add3A_309] : memref<3276800xf32, #tpu.memory_space<hbm>> -> memref<4096xf32, #tpu.memory_space<hbm>>
    tpu.wait_dma2 semaphore(%arg15 : memref<!tpu.dma_semaphore, #tpu.memory_space<semaphore_mem>>) src(%dma_wait3A_336 : memref<4096xf32, #tpu.memory_space<hbm>>) dst(%arg11 : memref<4096xf32, #tpu.memory_space<vmem>>)
    %dma_wait3A_337 = tpu.memref_slice %arg5[%add3A_305] : memref<3276800xf32, #tpu.memory_space<hbm>> -> memref<4096xf32, #tpu.memory_space<hbm>>
    %dma_wait3A_338 = tpu.memref_slice %arg5[%add3A_305] : memref<3276800xf32, #tpu.memory_space<hbm>> -> memref<4096xf32, #tpu.memory_space<hbm>>
    tpu.wait_dma2 semaphore(%arg17 : memref<!tpu.dma_semaphore, #tpu.memory_space<semaphore_mem>>) src(%arg13 : memref<4096xf32, #tpu.memory_space<vmem>>) dst(%dma_wait3A_338 : memref<4096xf32, #tpu.memory_space<hbm>>)
    %parallel_loop3A_339 = arith.constant 0 : i32
    %parallel_loop3A_340 = arith.constant 4096 : i32
    %parallel_loop3A_341 = arith.constant 16 : i32
    scf.for %parallel_loop3A_477 = %parallel_loop3A_339 to %parallel_loop3A_340 step %parallel_loop3A_341  : i32 {
      %parallel_loop3A_478 = arith.index_cast %parallel_loop3A_477 : i32 to index
      %parallel_loop3A_479 = tpu.vector_load %arg9[%parallel_loop3A_478] {strides = array<i32>} : memref<4096xi32, #tpu.memory_space<vmem>>, vector<16xi32>,
      %parallel_loop3A_480 = tpu.vector_load_idx %arg7[%parallel_loop3A_479] : memref<100000xf32, #tpu.memory_space<vmem>>[vector<16xi32>], vector<16xf32>,
      %parallel_loop3A_481 = arith.index_cast %parallel_loop3A_477 : i32 to index
      %parallel_loop3A_482 = tpu.vector_load %arg11[%parallel_loop3A_481] {strides = array<i32>} : memref<4096xf32, #tpu.memory_space<vmem>>, vector<16xf32>,
      %parallel_loop3A_483 = arith.addf %parallel_loop3A_482, %parallel_loop3A_480 : vector<16xf32>
      %parallel_loop3A_484 = arith.index_cast %parallel_loop3A_477 : i32 to index
      %parallel_loop3A_485 = tpu.vector_load %arg13[%parallel_loop3A_484] {strides = array<i32>} : memref<4096xf32, #tpu.memory_space<vmem>>, vector<16xf32>,
      tpu.vector_store %arg13[%parallel_loop3A_484], %parallel_loop3A_483 {strides = array<i32>} : memref<4096xf32, #tpu.memory_space<vmem>>, vector<16xf32>,
    } {sc.loop_unroll_factor = 8 : i64, sc.parallel_access}
    %add3A_342 = arith.constant 69632 : i32
    %add3A_343 = arith.addi %mul3A_2, %add3A_342 : i32
    %dma_start3A_344 = tpu.memref_slice %arg5[%add3A_343] : memref<3276800xf32, #tpu.memory_space<hbm>> -> memref<4096xf32, #tpu.memory_space<hbm>>
    %dma_start3A_345 = tpu.memref_slice %arg5[%add3A_343] : memref<3276800xf32, #tpu.memory_space<hbm>> -> memref<4096xf32, #tpu.memory_space<hbm>>
    tpu.enqueue_dma source(%arg13 : memref<4096xf32, #tpu.memory_space<vmem>>) target(%dma_start3A_345 : memref<4096xf32, #tpu.memory_space<hbm>>) target_semaphore(%arg17 : memref<!tpu.dma_semaphore, #tpu.memory_space<semaphore_mem>>)
    %add3A_346 = arith.constant 77824 : i32
    %add3A_347 = arith.addi %mul3A_2, %add3A_346 : i32
    %dma_start3A_348 = tpu.memref_slice %arg4[%add3A_347] : memref<3276800xi32, #tpu.memory_space<hbm>> -> memref<4096xi32, #tpu.memory_space<hbm>>
    %dma_start3A_349 = tpu.memref_slice %arg4[%add3A_347] : memref<3276800xi32, #tpu.memory_space<hbm>> -> memref<4096xi32, #tpu.memory_space<hbm>>
    tpu.enqueue_dma source(%dma_start3A_349 : memref<4096xi32, #tpu.memory_space<hbm>>) target(%arg9 : memref<4096xi32, #tpu.memory_space<vmem>>) target_semaphore(%arg15 : memref<!tpu.dma_semaphore, #tpu.memory_space<semaphore_mem>>)
    %dma_start3A_350 = tpu.memref_slice %arg2[%add3A_347] : memref<3276800xf32, #tpu.memory_space<hbm>> -> memref<4096xf32, #tpu.memory_space<hbm>>
    %dma_start3A_351 = tpu.memref_slice %arg2[%add3A_347] : memref<3276800xf32, #tpu.memory_space<hbm>> -> memref<4096xf32, #tpu.memory_space<hbm>>
    tpu.enqueue_dma source(%dma_start3A_351 : memref<4096xf32, #tpu.memory_space<hbm>>) target(%arg11 : memref<4096xf32, #tpu.memory_space<vmem>>) target_semaphore(%arg15 : memref<!tpu.dma_semaphore, #tpu.memory_space<semaphore_mem>>)
    %dma_wait3A_352 = tpu.memref_slice %arg4[%add3A_328] : memref<3276800xi32, #tpu.memory_space<hbm>> -> memref<4096xi32, #tpu.memory_space<hbm>>
    %dma_wait3A_353 = tpu.memref_slice %arg4[%add3A_328] : memref<3276800xi32, #tpu.memory_space<hbm>> -> memref<4096xi32, #tpu.memory_space<hbm>>
    tpu.wait_dma2 semaphore(%arg14 : memref<!tpu.dma_semaphore, #tpu.memory_space<semaphore_mem>>) src(%dma_wait3A_353 : memref<4096xi32, #tpu.memory_space<hbm>>) dst(%arg8 : memref<4096xi32, #tpu.memory_space<vmem>>)
    %dma_wait3A_354 = tpu.memref_slice %arg2[%add3A_328] : memref<3276800xf32, #tpu.memory_space<hbm>> -> memref<4096xf32, #tpu.memory_space<hbm>>
    %dma_wait3A_355 = tpu.memref_slice %arg2[%add3A_328] : memref<3276800xf32, #tpu.memory_space<hbm>> -> memref<4096xf32, #tpu.memory_space<hbm>>
    tpu.wait_dma2 semaphore(%arg14 : memref<!tpu.dma_semaphore, #tpu.memory_space<semaphore_mem>>) src(%dma_wait3A_355 : memref<4096xf32, #tpu.memory_space<hbm>>) dst(%arg10 : memref<4096xf32, #tpu.memory_space<vmem>>)
    %dma_wait3A_356 = tpu.memref_slice %arg5[%add3A_324] : memref<3276800xf32, #tpu.memory_space<hbm>> -> memref<4096xf32, #tpu.memory_space<hbm>>
    %dma_wait3A_357 = tpu.memref_slice %arg5[%add3A_324] : memref<3276800xf32, #tpu.memory_space<hbm>> -> memref<4096xf32, #tpu.memory_space<hbm>>
    tpu.wait_dma2 semaphore(%arg16 : memref<!tpu.dma_semaphore, #tpu.memory_space<semaphore_mem>>) src(%arg12 : memref<4096xf32, #tpu.memory_space<vmem>>) dst(%dma_wait3A_357 : memref<4096xf32, #tpu.memory_space<hbm>>)
    %parallel_loop3A_358 = arith.constant 0 : i32
    %parallel_loop3A_359 = arith.constant 4096 : i32
    %parallel_loop3A_360 = arith.constant 16 : i32
    scf.for %parallel_loop3A_477 = %parallel_loop3A_358 to %parallel_loop3A_359 step %parallel_loop3A_360  : i32 {
      %parallel_loop3A_478 = arith.index_cast %parallel_loop3A_477 : i32 to index
      %parallel_loop3A_479 = tpu.vector_load %arg8[%parallel_loop3A_478] {strides = array<i32>} : memref<4096xi32, #tpu.memory_space<vmem>>, vector<16xi32>,
      %parallel_loop3A_480 = tpu.vector_load_idx %arg7[%parallel_loop3A_479] : memref<100000xf32, #tpu.memory_space<vmem>>[vector<16xi32>], vector<16xf32>,
      %parallel_loop3A_481 = arith.index_cast %parallel_loop3A_477 : i32 to index
      %parallel_loop3A_482 = tpu.vector_load %arg10[%parallel_loop3A_481] {strides = array<i32>} : memref<4096xf32, #tpu.memory_space<vmem>>, vector<16xf32>,
      %parallel_loop3A_483 = arith.addf %parallel_loop3A_482, %parallel_loop3A_480 : vector<16xf32>
      %parallel_loop3A_484 = arith.index_cast %parallel_loop3A_477 : i32 to index
      %parallel_loop3A_485 = tpu.vector_load %arg12[%parallel_loop3A_484] {strides = array<i32>} : memref<4096xf32, #tpu.memory_space<vmem>>, vector<16xf32>,
      tpu.vector_store %arg12[%parallel_loop3A_484], %parallel_loop3A_483 {strides = array<i32>} : memref<4096xf32, #tpu.memory_space<vmem>>, vector<16xf32>,
    } {sc.loop_unroll_factor = 8 : i64, sc.parallel_access}
    %add3A_361 = arith.constant 73728 : i32
    %add3A_362 = arith.addi %mul3A_2, %add3A_361 : i32
    %dma_start3A_363 = tpu.memref_slice %arg5[%add3A_362] : memref<3276800xf32, #tpu.memory_space<hbm>> -> memref<4096xf32, #tpu.memory_space<hbm>>
    %dma_start3A_364 = tpu.memref_slice %arg5[%add3A_362] : memref<3276800xf32, #tpu.memory_space<hbm>> -> memref<4096xf32, #tpu.memory_space<hbm>>
    tpu.enqueue_dma source(%arg12 : memref<4096xf32, #tpu.memory_space<vmem>>) target(%dma_start3A_364 : memref<4096xf32, #tpu.memory_space<hbm>>) target_semaphore(%arg16 : memref<!tpu.dma_semaphore, #tpu.memory_space<semaphore_mem>>)
    %add3A_365 = arith.constant 81920 : i32
    %add3A_366 = arith.addi %mul3A_2, %add3A_365 : i32
    %dma_start3A_367 = tpu.memref_slice %arg4[%add3A_366] : memref<3276800xi32, #tpu.memory_space<hbm>> -> memref<4096xi32, #tpu.memory_space<hbm>>
    %dma_start3A_368 = tpu.memref_slice %arg4[%add3A_366] : memref<3276800xi32, #tpu.memory_space<hbm>> -> memref<4096xi32, #tpu.memory_space<hbm>>
    tpu.enqueue_dma source(%dma_start3A_368 : memref<4096xi32, #tpu.memory_space<hbm>>) target(%arg8 : memref<4096xi32, #tpu.memory_space<vmem>>) target_semaphore(%arg14 : memref<!tpu.dma_semaphore, #tpu.memory_space<semaphore_mem>>)
    %dma_start3A_369 = tpu.memref_slice %arg2[%add3A_366] : memref<3276800xf32, #tpu.memory_space<hbm>> -> memref<4096xf32, #tpu.memory_space<hbm>>
    %dma_start3A_370 = tpu.memref_slice %arg2[%add3A_366] : memref<3276800xf32, #tpu.memory_space<hbm>> -> memref<4096xf32, #tpu.memory_space<hbm>>
    tpu.enqueue_dma source(%dma_start3A_370 : memref<4096xf32, #tpu.memory_space<hbm>>) target(%arg10 : memref<4096xf32, #tpu.memory_space<vmem>>) target_semaphore(%arg14 : memref<!tpu.dma_semaphore, #tpu.memory_space<semaphore_mem>>)
    %dma_wait3A_371 = tpu.memref_slice %arg4[%add3A_347] : memref<3276800xi32, #tpu.memory_space<hbm>> -> memref<4096xi32, #tpu.memory_space<hbm>>
    %dma_wait3A_372 = tpu.memref_slice %arg4[%add3A_347] : memref<3276800xi32, #tpu.memory_space<hbm>> -> memref<4096xi32, #tpu.memory_space<hbm>>
    tpu.wait_dma2 semaphore(%arg15 : memref<!tpu.dma_semaphore, #tpu.memory_space<semaphore_mem>>) src(%dma_wait3A_372 : memref<4096xi32, #tpu.memory_space<hbm>>) dst(%arg9 : memref<4096xi32, #tpu.memory_space<vmem>>)
    %dma_wait3A_373 = tpu.memref_slice %arg2[%add3A_347] : memref<3276800xf32, #tpu.memory_space<hbm>> -> memref<4096xf32, #tpu.memory_space<hbm>>
    %dma_wait3A_374 = tpu.memref_slice %arg2[%add3A_347] : memref<3276800xf32, #tpu.memory_space<hbm>> -> memref<4096xf32, #tpu.memory_space<hbm>>
    tpu.wait_dma2 semaphore(%arg15 : memref<!tpu.dma_semaphore, #tpu.memory_space<semaphore_mem>>) src(%dma_wait3A_374 : memref<4096xf32, #tpu.memory_space<hbm>>) dst(%arg11 : memref<4096xf32, #tpu.memory_space<vmem>>)
    %dma_wait3A_375 = tpu.memref_slice %arg5[%add3A_343] : memref<3276800xf32, #tpu.memory_space<hbm>> -> memref<4096xf32, #tpu.memory_space<hbm>>
    %dma_wait3A_376 = tpu.memref_slice %arg5[%add3A_343] : memref<3276800xf32, #tpu.memory_space<hbm>> -> memref<4096xf32, #tpu.memory_space<hbm>>
    tpu.wait_dma2 semaphore(%arg17 : memref<!tpu.dma_semaphore, #tpu.memory_space<semaphore_mem>>) src(%arg13 : memref<4096xf32, #tpu.memory_space<vmem>>) dst(%dma_wait3A_376 : memref<4096xf32, #tpu.memory_space<hbm>>)
    %parallel_loop3A_377 = arith.constant 0 : i32
    %parallel_loop3A_378 = arith.constant 4096 : i32
    %parallel_loop3A_379 = arith.constant 16 : i32
    scf.for %parallel_loop3A_477 = %parallel_loop3A_377 to %parallel_loop3A_378 step %parallel_loop3A_379  : i32 {
      %parallel_loop3A_478 = arith.index_cast %parallel_loop3A_477 : i32 to index
      %parallel_loop3A_479 = tpu.vector_load %arg9[%parallel_loop3A_478] {strides = array<i32>} : memref<4096xi32, #tpu.memory_space<vmem>>, vector<16xi32>,
      %parallel_loop3A_480 = tpu.vector_load_idx %arg7[%parallel_loop3A_479] : memref<100000xf32, #tpu.memory_space<vmem>>[vector<16xi32>], vector<16xf32>,
      %parallel_loop3A_481 = arith.index_cast %parallel_loop3A_477 : i32 to index
      %parallel_loop3A_482 = tpu.vector_load %arg11[%parallel_loop3A_481] {strides = array<i32>} : memref<4096xf32, #tpu.memory_space<vmem>>, vector<16xf32>,
      %parallel_loop3A_483 = arith.addf %parallel_loop3A_482, %parallel_loop3A_480 : vector<16xf32>
      %parallel_loop3A_484 = arith.index_cast %parallel_loop3A_477 : i32 to index
      %parallel_loop3A_485 = tpu.vector_load %arg13[%parallel_loop3A_484] {strides = array<i32>} : memref<4096xf32, #tpu.memory_space<vmem>>, vector<16xf32>,
      tpu.vector_store %arg13[%parallel_loop3A_484], %parallel_loop3A_483 {strides = array<i32>} : memref<4096xf32, #tpu.memory_space<vmem>>, vector<16xf32>,
    } {sc.loop_unroll_factor = 8 : i64, sc.parallel_access}
    %add3A_380 = arith.constant 77824 : i32
    %add3A_381 = arith.addi %mul3A_2, %add3A_380 : i32
    %dma_start3A_382 = tpu.memref_slice %arg5[%add3A_381] : memref<3276800xf32, #tpu.memory_space<hbm>> -> memref<4096xf32, #tpu.memory_space<hbm>>
    %dma_start3A_383 = tpu.memref_slice %arg5[%add3A_381] : memref<3276800xf32, #tpu.memory_space<hbm>> -> memref<4096xf32, #tpu.memory_space<hbm>>
    tpu.enqueue_dma source(%arg13 : memref<4096xf32, #tpu.memory_space<vmem>>) target(%dma_start3A_383 : memref<4096xf32, #tpu.memory_space<hbm>>) target_semaphore(%arg17 : memref<!tpu.dma_semaphore, #tpu.memory_space<semaphore_mem>>)
    %add3A_384 = arith.constant 86016 : i32
    %add3A_385 = arith.addi %mul3A_2, %add3A_384 : i32
    %dma_start3A_386 = tpu.memref_slice %arg4[%add3A_385] : memref<3276800xi32, #tpu.memory_space<hbm>> -> memref<4096xi32, #tpu.memory_space<hbm>>
    %dma_start3A_387 = tpu.memref_slice %arg4[%add3A_385] : memref<3276800xi32, #tpu.memory_space<hbm>> -> memref<4096xi32, #tpu.memory_space<hbm>>
    tpu.enqueue_dma source(%dma_start3A_387 : memref<4096xi32, #tpu.memory_space<hbm>>) target(%arg9 : memref<4096xi32, #tpu.memory_space<vmem>>) target_semaphore(%arg15 : memref<!tpu.dma_semaphore, #tpu.memory_space<semaphore_mem>>)
    %dma_start3A_388 = tpu.memref_slice %arg2[%add3A_385] : memref<3276800xf32, #tpu.memory_space<hbm>> -> memref<4096xf32, #tpu.memory_space<hbm>>
    %dma_start3A_389 = tpu.memref_slice %arg2[%add3A_385] : memref<3276800xf32, #tpu.memory_space<hbm>> -> memref<4096xf32, #tpu.memory_space<hbm>>
    tpu.enqueue_dma source(%dma_start3A_389 : memref<4096xf32, #tpu.memory_space<hbm>>) target(%arg11 : memref<4096xf32, #tpu.memory_space<vmem>>) target_semaphore(%arg15 : memref<!tpu.dma_semaphore, #tpu.memory_space<semaphore_mem>>)
    %dma_wait3A_390 = tpu.memref_slice %arg4[%add3A_366] : memref<3276800xi32, #tpu.memory_space<hbm>> -> memref<4096xi32, #tpu.memory_space<hbm>>
    %dma_wait3A_391 = tpu.memref_slice %arg4[%add3A_366] : memref<3276800xi32, #tpu.memory_space<hbm>> -> memref<4096xi32, #tpu.memory_space<hbm>>
    tpu.wait_dma2 semaphore(%arg14 : memref<!tpu.dma_semaphore, #tpu.memory_space<semaphore_mem>>) src(%dma_wait3A_391 : memref<4096xi32, #tpu.memory_space<hbm>>) dst(%arg8 : memref<4096xi32, #tpu.memory_space<vmem>>)
    %dma_wait3A_392 = tpu.memref_slice %arg2[%add3A_366] : memref<3276800xf32, #tpu.memory_space<hbm>> -> memref<4096xf32, #tpu.memory_space<hbm>>
    %dma_wait3A_393 = tpu.memref_slice %arg2[%add3A_366] : memref<3276800xf32, #tpu.memory_space<hbm>> -> memref<4096xf32, #tpu.memory_space<hbm>>
    tpu.wait_dma2 semaphore(%arg14 : memref<!tpu.dma_semaphore, #tpu.memory_space<semaphore_mem>>) src(%dma_wait3A_393 : memref<4096xf32, #tpu.memory_space<hbm>>) dst(%arg10 : memref<4096xf32, #tpu.memory_space<vmem>>)
    %dma_wait3A_394 = tpu.memref_slice %arg5[%add3A_362] : memref<3276800xf32, #tpu.memory_space<hbm>> -> memref<4096xf32, #tpu.memory_space<hbm>>
    %dma_wait3A_395 = tpu.memref_slice %arg5[%add3A_362] : memref<3276800xf32, #tpu.memory_space<hbm>> -> memref<4096xf32, #tpu.memory_space<hbm>>
    tpu.wait_dma2 semaphore(%arg16 : memref<!tpu.dma_semaphore, #tpu.memory_space<semaphore_mem>>) src(%arg12 : memref<4096xf32, #tpu.memory_space<vmem>>) dst(%dma_wait3A_395 : memref<4096xf32, #tpu.memory_space<hbm>>)
    %parallel_loop3A_396 = arith.constant 0 : i32
    %parallel_loop3A_397 = arith.constant 4096 : i32
    %parallel_loop3A_398 = arith.constant 16 : i32
    scf.for %parallel_loop3A_477 = %parallel_loop3A_396 to %parallel_loop3A_397 step %parallel_loop3A_398  : i32 {
      %parallel_loop3A_478 = arith.index_cast %parallel_loop3A_477 : i32 to index
      %parallel_loop3A_479 = tpu.vector_load %arg8[%parallel_loop3A_478] {strides = array<i32>} : memref<4096xi32, #tpu.memory_space<vmem>>, vector<16xi32>,
      %parallel_loop3A_480 = tpu.vector_load_idx %arg7[%parallel_loop3A_479] : memref<100000xf32, #tpu.memory_space<vmem>>[vector<16xi32>], vector<16xf32>,
      %parallel_loop3A_481 = arith.index_cast %parallel_loop3A_477 : i32 to index
      %parallel_loop3A_482 = tpu.vector_load %arg10[%parallel_loop3A_481] {strides = array<i32>} : memref<4096xf32, #tpu.memory_space<vmem>>, vector<16xf32>,
      %parallel_loop3A_483 = arith.addf %parallel_loop3A_482, %parallel_loop3A_480 : vector<16xf32>
      %parallel_loop3A_484 = arith.index_cast %parallel_loop3A_477 : i32 to index
      %parallel_loop3A_485 = tpu.vector_load %arg12[%parallel_loop3A_484] {strides = array<i32>} : memref<4096xf32, #tpu.memory_space<vmem>>, vector<16xf32>,
      tpu.vector_store %arg12[%parallel_loop3A_484], %parallel_loop3A_483 {strides = array<i32>} : memref<4096xf32, #tpu.memory_space<vmem>>, vector<16xf32>,
    } {sc.loop_unroll_factor = 8 : i64, sc.parallel_access}
    %add3A_399 = arith.constant 81920 : i32
    %add3A_400 = arith.addi %mul3A_2, %add3A_399 : i32
    %dma_start3A_401 = tpu.memref_slice %arg5[%add3A_400] : memref<3276800xf32, #tpu.memory_space<hbm>> -> memref<4096xf32, #tpu.memory_space<hbm>>
    %dma_start3A_402 = tpu.memref_slice %arg5[%add3A_400] : memref<3276800xf32, #tpu.memory_space<hbm>> -> memref<4096xf32, #tpu.memory_space<hbm>>
    tpu.enqueue_dma source(%arg12 : memref<4096xf32, #tpu.memory_space<vmem>>) target(%dma_start3A_402 : memref<4096xf32, #tpu.memory_space<hbm>>) target_semaphore(%arg16 : memref<!tpu.dma_semaphore, #tpu.memory_space<semaphore_mem>>)
    %add3A_403 = arith.constant 90112 : i32
    %add3A_404 = arith.addi %mul3A_2, %add3A_403 : i32
    %dma_start3A_405 = tpu.memref_slice %arg4[%add3A_404] : memref<3276800xi32, #tpu.memory_space<hbm>> -> memref<4096xi32, #tpu.memory_space<hbm>>
    %dma_start3A_406 = tpu.memref_slice %arg4[%add3A_404] : memref<3276800xi32, #tpu.memory_space<hbm>> -> memref<4096xi32, #tpu.memory_space<hbm>>
    tpu.enqueue_dma source(%dma_start3A_406 : memref<4096xi32, #tpu.memory_space<hbm>>) target(%arg8 : memref<4096xi32, #tpu.memory_space<vmem>>) target_semaphore(%arg14 : memref<!tpu.dma_semaphore, #tpu.memory_space<semaphore_mem>>)
    %dma_start3A_407 = tpu.memref_slice %arg2[%add3A_404] : memref<3276800xf32, #tpu.memory_space<hbm>> -> memref<4096xf32, #tpu.memory_space<hbm>>
    %dma_start3A_408 = tpu.memref_slice %arg2[%add3A_404] : memref<3276800xf32, #tpu.memory_space<hbm>> -> memref<4096xf32, #tpu.memory_space<hbm>>
    tpu.enqueue_dma source(%dma_start3A_408 : memref<4096xf32, #tpu.memory_space<hbm>>) target(%arg10 : memref<4096xf32, #tpu.memory_space<vmem>>) target_semaphore(%arg14 : memref<!tpu.dma_semaphore, #tpu.memory_space<semaphore_mem>>)
    %dma_wait3A_409 = tpu.memref_slice %arg4[%add3A_385] : memref<3276800xi32, #tpu.memory_space<hbm>> -> memref<4096xi32, #tpu.memory_space<hbm>>
    %dma_wait3A_410 = tpu.memref_slice %arg4[%add3A_385] : memref<3276800xi32, #tpu.memory_space<hbm>> -> memref<4096xi32, #tpu.memory_space<hbm>>
    tpu.wait_dma2 semaphore(%arg15 : memref<!tpu.dma_semaphore, #tpu.memory_space<semaphore_mem>>) src(%dma_wait3A_410 : memref<4096xi32, #tpu.memory_space<hbm>>) dst(%arg9 : memref<4096xi32, #tpu.memory_space<vmem>>)
    %dma_wait3A_411 = tpu.memref_slice %arg2[%add3A_385] : memref<3276800xf32, #tpu.memory_space<hbm>> -> memref<4096xf32, #tpu.memory_space<hbm>>
    %dma_wait3A_412 = tpu.memref_slice %arg2[%add3A_385] : memref<3276800xf32, #tpu.memory_space<hbm>> -> memref<4096xf32, #tpu.memory_space<hbm>>
    tpu.wait_dma2 semaphore(%arg15 : memref<!tpu.dma_semaphore, #tpu.memory_space<semaphore_mem>>) src(%dma_wait3A_412 : memref<4096xf32, #tpu.memory_space<hbm>>) dst(%arg11 : memref<4096xf32, #tpu.memory_space<vmem>>)
    %dma_wait3A_413 = tpu.memref_slice %arg5[%add3A_381] : memref<3276800xf32, #tpu.memory_space<hbm>> -> memref<4096xf32, #tpu.memory_space<hbm>>
    %dma_wait3A_414 = tpu.memref_slice %arg5[%add3A_381] : memref<3276800xf32, #tpu.memory_space<hbm>> -> memref<4096xf32, #tpu.memory_space<hbm>>
    tpu.wait_dma2 semaphore(%arg17 : memref<!tpu.dma_semaphore, #tpu.memory_space<semaphore_mem>>) src(%arg13 : memref<4096xf32, #tpu.memory_space<vmem>>) dst(%dma_wait3A_414 : memref<4096xf32, #tpu.memory_space<hbm>>)
    %parallel_loop3A_415 = arith.constant 0 : i32
    %parallel_loop3A_416 = arith.constant 4096 : i32
    %parallel_loop3A_417 = arith.constant 16 : i32
    scf.for %parallel_loop3A_477 = %parallel_loop3A_415 to %parallel_loop3A_416 step %parallel_loop3A_417  : i32 {
      %parallel_loop3A_478 = arith.index_cast %parallel_loop3A_477 : i32 to index
      %parallel_loop3A_479 = tpu.vector_load %arg9[%parallel_loop3A_478] {strides = array<i32>} : memref<4096xi32, #tpu.memory_space<vmem>>, vector<16xi32>,
      %parallel_loop3A_480 = tpu.vector_load_idx %arg7[%parallel_loop3A_479] : memref<100000xf32, #tpu.memory_space<vmem>>[vector<16xi32>], vector<16xf32>,
      %parallel_loop3A_481 = arith.index_cast %parallel_loop3A_477 : i32 to index
      %parallel_loop3A_482 = tpu.vector_load %arg11[%parallel_loop3A_481] {strides = array<i32>} : memref<4096xf32, #tpu.memory_space<vmem>>, vector<16xf32>,
      %parallel_loop3A_483 = arith.addf %parallel_loop3A_482, %parallel_loop3A_480 : vector<16xf32>
      %parallel_loop3A_484 = arith.index_cast %parallel_loop3A_477 : i32 to index
      %parallel_loop3A_485 = tpu.vector_load %arg13[%parallel_loop3A_484] {strides = array<i32>} : memref<4096xf32, #tpu.memory_space<vmem>>, vector<16xf32>,
      tpu.vector_store %arg13[%parallel_loop3A_484], %parallel_loop3A_483 {strides = array<i32>} : memref<4096xf32, #tpu.memory_space<vmem>>, vector<16xf32>,
    } {sc.loop_unroll_factor = 8 : i64, sc.parallel_access}
    %add3A_418 = arith.constant 86016 : i32
    %add3A_419 = arith.addi %mul3A_2, %add3A_418 : i32
    %dma_start3A_420 = tpu.memref_slice %arg5[%add3A_419] : memref<3276800xf32, #tpu.memory_space<hbm>> -> memref<4096xf32, #tpu.memory_space<hbm>>
    %dma_start3A_421 = tpu.memref_slice %arg5[%add3A_419] : memref<3276800xf32, #tpu.memory_space<hbm>> -> memref<4096xf32, #tpu.memory_space<hbm>>
    tpu.enqueue_dma source(%arg13 : memref<4096xf32, #tpu.memory_space<vmem>>) target(%dma_start3A_421 : memref<4096xf32, #tpu.memory_space<hbm>>) target_semaphore(%arg17 : memref<!tpu.dma_semaphore, #tpu.memory_space<semaphore_mem>>)
    %add3A_422 = arith.constant 94208 : i32
    %add3A_423 = arith.addi %mul3A_2, %add3A_422 : i32
    %dma_start3A_424 = tpu.memref_slice %arg4[%add3A_423] : memref<3276800xi32, #tpu.memory_space<hbm>> -> memref<4096xi32, #tpu.memory_space<hbm>>
    %dma_start3A_425 = tpu.memref_slice %arg4[%add3A_423] : memref<3276800xi32, #tpu.memory_space<hbm>> -> memref<4096xi32, #tpu.memory_space<hbm>>
    tpu.enqueue_dma source(%dma_start3A_425 : memref<4096xi32, #tpu.memory_space<hbm>>) target(%arg9 : memref<4096xi32, #tpu.memory_space<vmem>>) target_semaphore(%arg15 : memref<!tpu.dma_semaphore, #tpu.memory_space<semaphore_mem>>)
    %dma_start3A_426 = tpu.memref_slice %arg2[%add3A_423] : memref<3276800xf32, #tpu.memory_space<hbm>> -> memref<4096xf32, #tpu.memory_space<hbm>>
    %dma_start3A_427 = tpu.memref_slice %arg2[%add3A_423] : memref<3276800xf32, #tpu.memory_space<hbm>> -> memref<4096xf32, #tpu.memory_space<hbm>>
    tpu.enqueue_dma source(%dma_start3A_427 : memref<4096xf32, #tpu.memory_space<hbm>>) target(%arg11 : memref<4096xf32, #tpu.memory_space<vmem>>) target_semaphore(%arg15 : memref<!tpu.dma_semaphore, #tpu.memory_space<semaphore_mem>>)
    %dma_wait3A_428 = tpu.memref_slice %arg4[%add3A_404] : memref<3276800xi32, #tpu.memory_space<hbm>> -> memref<4096xi32, #tpu.memory_space<hbm>>
    %dma_wait3A_429 = tpu.memref_slice %arg4[%add3A_404] : memref<3276800xi32, #tpu.memory_space<hbm>> -> memref<4096xi32, #tpu.memory_space<hbm>>
    tpu.wait_dma2 semaphore(%arg14 : memref<!tpu.dma_semaphore, #tpu.memory_space<semaphore_mem>>) src(%dma_wait3A_429 : memref<4096xi32, #tpu.memory_space<hbm>>) dst(%arg8 : memref<4096xi32, #tpu.memory_space<vmem>>)
    %dma_wait3A_430 = tpu.memref_slice %arg2[%add3A_404] : memref<3276800xf32, #tpu.memory_space<hbm>> -> memref<4096xf32, #tpu.memory_space<hbm>>
    %dma_wait3A_431 = tpu.memref_slice %arg2[%add3A_404] : memref<3276800xf32, #tpu.memory_space<hbm>> -> memref<4096xf32, #tpu.memory_space<hbm>>
    tpu.wait_dma2 semaphore(%arg14 : memref<!tpu.dma_semaphore, #tpu.memory_space<semaphore_mem>>) src(%dma_wait3A_431 : memref<4096xf32, #tpu.memory_space<hbm>>) dst(%arg10 : memref<4096xf32, #tpu.memory_space<vmem>>)
    %dma_wait3A_432 = tpu.memref_slice %arg5[%add3A_400] : memref<3276800xf32, #tpu.memory_space<hbm>> -> memref<4096xf32, #tpu.memory_space<hbm>>
    %dma_wait3A_433 = tpu.memref_slice %arg5[%add3A_400] : memref<3276800xf32, #tpu.memory_space<hbm>> -> memref<4096xf32, #tpu.memory_space<hbm>>
    tpu.wait_dma2 semaphore(%arg16 : memref<!tpu.dma_semaphore, #tpu.memory_space<semaphore_mem>>) src(%arg12 : memref<4096xf32, #tpu.memory_space<vmem>>) dst(%dma_wait3A_433 : memref<4096xf32, #tpu.memory_space<hbm>>)
    %parallel_loop3A_434 = arith.constant 0 : i32
    %parallel_loop3A_435 = arith.constant 4096 : i32
    %parallel_loop3A_436 = arith.constant 16 : i32
    scf.for %parallel_loop3A_477 = %parallel_loop3A_434 to %parallel_loop3A_435 step %parallel_loop3A_436  : i32 {
      %parallel_loop3A_478 = arith.index_cast %parallel_loop3A_477 : i32 to index
      %parallel_loop3A_479 = tpu.vector_load %arg8[%parallel_loop3A_478] {strides = array<i32>} : memref<4096xi32, #tpu.memory_space<vmem>>, vector<16xi32>,
      %parallel_loop3A_480 = tpu.vector_load_idx %arg7[%parallel_loop3A_479] : memref<100000xf32, #tpu.memory_space<vmem>>[vector<16xi32>], vector<16xf32>,
      %parallel_loop3A_481 = arith.index_cast %parallel_loop3A_477 : i32 to index
      %parallel_loop3A_482 = tpu.vector_load %arg10[%parallel_loop3A_481] {strides = array<i32>} : memref<4096xf32, #tpu.memory_space<vmem>>, vector<16xf32>,
      %parallel_loop3A_483 = arith.addf %parallel_loop3A_482, %parallel_loop3A_480 : vector<16xf32>
      %parallel_loop3A_484 = arith.index_cast %parallel_loop3A_477 : i32 to index
      %parallel_loop3A_485 = tpu.vector_load %arg12[%parallel_loop3A_484] {strides = array<i32>} : memref<4096xf32, #tpu.memory_space<vmem>>, vector<16xf32>,
      tpu.vector_store %arg12[%parallel_loop3A_484], %parallel_loop3A_483 {strides = array<i32>} : memref<4096xf32, #tpu.memory_space<vmem>>, vector<16xf32>,
    } {sc.loop_unroll_factor = 8 : i64, sc.parallel_access}
    %add3A_437 = arith.constant 90112 : i32
    %add3A_438 = arith.addi %mul3A_2, %add3A_437 : i32
    %dma_start3A_439 = tpu.memref_slice %arg5[%add3A_438] : memref<3276800xf32, #tpu.memory_space<hbm>> -> memref<4096xf32, #tpu.memory_space<hbm>>
    %dma_start3A_440 = tpu.memref_slice %arg5[%add3A_438] : memref<3276800xf32, #tpu.memory_space<hbm>> -> memref<4096xf32, #tpu.memory_space<hbm>>
    tpu.enqueue_dma source(%arg12 : memref<4096xf32, #tpu.memory_space<vmem>>) target(%dma_start3A_440 : memref<4096xf32, #tpu.memory_space<hbm>>) target_semaphore(%arg16 : memref<!tpu.dma_semaphore, #tpu.memory_space<semaphore_mem>>)
    %add3A_441 = arith.constant 98304 : i32
    %add3A_442 = arith.addi %mul3A_2, %add3A_441 : i32
    %dma_start3A_443 = tpu.memref_slice %arg4[%add3A_442] : memref<3276800xi32, #tpu.memory_space<hbm>> -> memref<4096xi32, #tpu.memory_space<hbm>>
    %dma_start3A_444 = tpu.memref_slice %arg4[%add3A_442] : memref<3276800xi32, #tpu.memory_space<hbm>> -> memref<4096xi32, #tpu.memory_space<hbm>>
    tpu.enqueue_dma source(%dma_start3A_444 : memref<4096xi32, #tpu.memory_space<hbm>>) target(%arg8 : memref<4096xi32, #tpu.memory_space<vmem>>) target_semaphore(%arg14 : memref<!tpu.dma_semaphore, #tpu.memory_space<semaphore_mem>>)
    %dma_start3A_445 = tpu.memref_slice %arg2[%add3A_442] : memref<3276800xf32, #tpu.memory_space<hbm>> -> memref<4096xf32, #tpu.memory_space<hbm>>
    %dma_start3A_446 = tpu.memref_slice %arg2[%add3A_442] : memref<3276800xf32, #tpu.memory_space<hbm>> -> memref<4096xf32, #tpu.memory_space<hbm>>
    tpu.enqueue_dma source(%dma_start3A_446 : memref<4096xf32, #tpu.memory_space<hbm>>) target(%arg10 : memref<4096xf32, #tpu.memory_space<vmem>>) target_semaphore(%arg14 : memref<!tpu.dma_semaphore, #tpu.memory_space<semaphore_mem>>)
    %dma_wait3A_447 = tpu.memref_slice %arg4[%add3A_423] : memref<3276800xi32, #tpu.memory_space<hbm>> -> memref<4096xi32, #tpu.memory_space<hbm>>
    %dma_wait3A_448 = tpu.memref_slice %arg4[%add3A_423] : memref<3276800xi32, #tpu.memory_space<hbm>> -> memref<4096xi32, #tpu.memory_space<hbm>>
    tpu.wait_dma2 semaphore(%arg15 : memref<!tpu.dma_semaphore, #tpu.memory_space<semaphore_mem>>) src(%dma_wait3A_448 : memref<4096xi32, #tpu.memory_space<hbm>>) dst(%arg9 : memref<4096xi32, #tpu.memory_space<vmem>>)
    %dma_wait3A_449 = tpu.memref_slice %arg2[%add3A_423] : memref<3276800xf32, #tpu.memory_space<hbm>> -> memref<4096xf32, #tpu.memory_space<hbm>>
    %dma_wait3A_450 = tpu.memref_slice %arg2[%add3A_423] : memref<3276800xf32, #tpu.memory_space<hbm>> -> memref<4096xf32, #tpu.memory_space<hbm>>
    tpu.wait_dma2 semaphore(%arg15 : memref<!tpu.dma_semaphore, #tpu.memory_space<semaphore_mem>>) src(%dma_wait3A_450 : memref<4096xf32, #tpu.memory_space<hbm>>) dst(%arg11 : memref<4096xf32, #tpu.memory_space<vmem>>)
    %dma_wait3A_451 = tpu.memref_slice %arg5[%add3A_419] : memref<3276800xf32, #tpu.memory_space<hbm>> -> memref<4096xf32, #tpu.memory_space<hbm>>
    %dma_wait3A_452 = tpu.memref_slice %arg5[%add3A_419] : memref<3276800xf32, #tpu.memory_space<hbm>> -> memref<4096xf32, #tpu.memory_space<hbm>>
    tpu.wait_dma2 semaphore(%arg17 : memref<!tpu.dma_semaphore, #tpu.memory_space<semaphore_mem>>) src(%arg13 : memref<4096xf32, #tpu.memory_space<vmem>>) dst(%dma_wait3A_452 : memref<4096xf32, #tpu.memory_space<hbm>>)
    %parallel_loop3A_453 = arith.constant 0 : i32
    %parallel_loop3A_454 = arith.constant 4096 : i32
    %parallel_loop3A_455 = arith.constant 16 : i32
    scf.for %parallel_loop3A_477 = %parallel_loop3A_453 to %parallel_loop3A_454 step %parallel_loop3A_455  : i32 {
      %parallel_loop3A_478 = arith.index_cast %parallel_loop3A_477 : i32 to index
      %parallel_loop3A_479 = tpu.vector_load %arg9[%parallel_loop3A_478] {strides = array<i32>} : memref<4096xi32, #tpu.memory_space<vmem>>, vector<16xi32>,
      %parallel_loop3A_480 = tpu.vector_load_idx %arg7[%parallel_loop3A_479] : memref<100000xf32, #tpu.memory_space<vmem>>[vector<16xi32>], vector<16xf32>,
      %parallel_loop3A_481 = arith.index_cast %parallel_loop3A_477 : i32 to index
      %parallel_loop3A_482 = tpu.vector_load %arg11[%parallel_loop3A_481] {strides = array<i32>} : memref<4096xf32, #tpu.memory_space<vmem>>, vector<16xf32>,
      %parallel_loop3A_483 = arith.addf %parallel_loop3A_482, %parallel_loop3A_480 : vector<16xf32>
      %parallel_loop3A_484 = arith.index_cast %parallel_loop3A_477 : i32 to index
      %parallel_loop3A_485 = tpu.vector_load %arg13[%parallel_loop3A_484] {strides = array<i32>} : memref<4096xf32, #tpu.memory_space<vmem>>, vector<16xf32>,
      tpu.vector_store %arg13[%parallel_loop3A_484], %parallel_loop3A_483 {strides = array<i32>} : memref<4096xf32, #tpu.memory_space<vmem>>, vector<16xf32>,
    } {sc.loop_unroll_factor = 8 : i64, sc.parallel_access}
    %add3A_456 = arith.constant 94208 : i32
    %add3A_457 = arith.addi %mul3A_2, %add3A_456 : i32
    %dma_start3A_458 = tpu.memref_slice %arg5[%add3A_457] : memref<3276800xf32, #tpu.memory_space<hbm>> -> memref<4096xf32, #tpu.memory_space<hbm>>
    %dma_start3A_459 = tpu.memref_slice %arg5[%add3A_457] : memref<3276800xf32, #tpu.memory_space<hbm>> -> memref<4096xf32, #tpu.memory_space<hbm>>
    tpu.enqueue_dma source(%arg13 : memref<4096xf32, #tpu.memory_space<vmem>>) target(%dma_start3A_459 : memref<4096xf32, #tpu.memory_space<hbm>>) target_semaphore(%arg17 : memref<!tpu.dma_semaphore, #tpu.memory_space<semaphore_mem>>)
    %dma_wait3A_460 = tpu.memref_slice %arg4[%add3A_442] : memref<3276800xi32, #tpu.memory_space<hbm>> -> memref<4096xi32, #tpu.memory_space<hbm>>
    %dma_wait3A_461 = tpu.memref_slice %arg4[%add3A_442] : memref<3276800xi32, #tpu.memory_space<hbm>> -> memref<4096xi32, #tpu.memory_space<hbm>>
    tpu.wait_dma2 semaphore(%arg14 : memref<!tpu.dma_semaphore, #tpu.memory_space<semaphore_mem>>) src(%dma_wait3A_461 : memref<4096xi32, #tpu.memory_space<hbm>>) dst(%arg8 : memref<4096xi32, #tpu.memory_space<vmem>>)
    %dma_wait3A_462 = tpu.memref_slice %arg2[%add3A_442] : memref<3276800xf32, #tpu.memory_space<hbm>> -> memref<4096xf32, #tpu.memory_space<hbm>>
    %dma_wait3A_463 = tpu.memref_slice %arg2[%add3A_442] : memref<3276800xf32, #tpu.memory_space<hbm>> -> memref<4096xf32, #tpu.memory_space<hbm>>
    tpu.wait_dma2 semaphore(%arg14 : memref<!tpu.dma_semaphore, #tpu.memory_space<semaphore_mem>>) src(%dma_wait3A_463 : memref<4096xf32, #tpu.memory_space<hbm>>) dst(%arg10 : memref<4096xf32, #tpu.memory_space<vmem>>)
    %dma_wait3A_464 = tpu.memref_slice %arg5[%add3A_438] : memref<3276800xf32, #tpu.memory_space<hbm>> -> memref<4096xf32, #tpu.memory_space<hbm>>
    %dma_wait3A_465 = tpu.memref_slice %arg5[%add3A_438] : memref<3276800xf32, #tpu.memory_space<hbm>> -> memref<4096xf32, #tpu.memory_space<hbm>>
    tpu.wait_dma2 semaphore(%arg16 : memref<!tpu.dma_semaphore, #tpu.memory_space<semaphore_mem>>) src(%arg12 : memref<4096xf32, #tpu.memory_space<vmem>>) dst(%dma_wait3A_465 : memref<4096xf32, #tpu.memory_space<hbm>>)
    %parallel_loop3A_466 = arith.constant 0 : i32
    %parallel_loop3A_467 = arith.constant 4096 : i32
    %parallel_loop3A_468 = arith.constant 16 : i32
    scf.for %parallel_loop3A_477 = %parallel_loop3A_466 to %parallel_loop3A_467 step %parallel_loop3A_468  : i32 {
      %parallel_loop3A_478 = arith.index_cast %parallel_loop3A_477 : i32 to index
      %parallel_loop3A_479 = tpu.vector_load %arg8[%parallel_loop3A_478] {strides = array<i32>} : memref<4096xi32, #tpu.memory_space<vmem>>, vector<16xi32>,
      %parallel_loop3A_480 = tpu.vector_load_idx %arg7[%parallel_loop3A_479] : memref<100000xf32, #tpu.memory_space<vmem>>[vector<16xi32>], vector<16xf32>,
      %parallel_loop3A_481 = arith.index_cast %parallel_loop3A_477 : i32 to index
      %parallel_loop3A_482 = tpu.vector_load %arg10[%parallel_loop3A_481] {strides = array<i32>} : memref<4096xf32, #tpu.memory_space<vmem>>, vector<16xf32>,
      %parallel_loop3A_483 = arith.addf %parallel_loop3A_482, %parallel_loop3A_480 : vector<16xf32>
      %parallel_loop3A_484 = arith.index_cast %parallel_loop3A_477 : i32 to index
      %parallel_loop3A_485 = tpu.vector_load %arg12[%parallel_loop3A_484] {strides = array<i32>} : memref<4096xf32, #tpu.memory_space<vmem>>, vector<16xf32>,
      tpu.vector_store %arg12[%parallel_loop3A_484], %parallel_loop3A_483 {strides = array<i32>} : memref<4096xf32, #tpu.memory_space<vmem>>, vector<16xf32>,
    } {sc.loop_unroll_factor = 8 : i64, sc.parallel_access}
    %add3A_469 = arith.constant 98304 : i32
    %add3A_470 = arith.addi %mul3A_2, %add3A_469 : i32
    %dma_start3A_471 = tpu.memref_slice %arg5[%add3A_470] : memref<3276800xf32, #tpu.memory_space<hbm>> -> memref<4096xf32, #tpu.memory_space<hbm>>
    %dma_start3A_472 = tpu.memref_slice %arg5[%add3A_470] : memref<3276800xf32, #tpu.memory_space<hbm>> -> memref<4096xf32, #tpu.memory_space<hbm>>
    tpu.enqueue_dma source(%arg12 : memref<4096xf32, #tpu.memory_space<vmem>>) target(%dma_start3A_472 : memref<4096xf32, #tpu.memory_space<hbm>>) target_semaphore(%arg16 : memref<!tpu.dma_semaphore, #tpu.memory_space<semaphore_mem>>)
    %dma_wait3A_473 = tpu.memref_slice %arg5[%add3A_457] : memref<3276800xf32, #tpu.memory_space<hbm>> -> memref<4096xf32, #tpu.memory_space<hbm>>
    %dma_wait3A_474 = tpu.memref_slice %arg5[%add3A_457] : memref<3276800xf32, #tpu.memory_space<hbm>> -> memref<4096xf32, #tpu.memory_space<hbm>>
    tpu.wait_dma2 semaphore(%arg17 : memref<!tpu.dma_semaphore, #tpu.memory_space<semaphore_mem>>) src(%arg13 : memref<4096xf32, #tpu.memory_space<vmem>>) dst(%dma_wait3A_474 : memref<4096xf32, #tpu.memory_space<hbm>>)
    %dma_wait3A_475 = tpu.memref_slice %arg5[%add3A_470] : memref<3276800xf32, #tpu.memory_space<hbm>> -> memref<4096xf32, #tpu.memory_space<hbm>>
    %dma_wait3A_476 = tpu.memref_slice %arg5[%add3A_470] : memref<3276800xf32, #tpu.memory_space<hbm>> -> memref<4096xf32, #tpu.memory_space<hbm>>
    tpu.wait_dma2 semaphore(%arg16 : memref<!tpu.dma_semaphore, #tpu.memory_space<semaphore_mem>>) src(%arg12 : memref<4096xf32, #tpu.memory_space<vmem>>) dst(%dma_wait3A_476 : memref<4096xf32, #tpu.memory_space<hbm>>)
    return
  }
}

</mosaic_0001>

<sc_bundles>
// kernel: _radar_bias_add.3.cloned.1.call-start
scs
__scs_entry_jumppad:
0x0: {  	(pc) =	sbr.rel $0x88, $3  }
0x1: {  	(tag) =	ssettag $0x0;
	lr =	simm.s32 $0x1  }
0x2: {  	[smem:$0x3F9E] =	sst lr;
	_ =	strace $0xD0000000  }
0x3: {  	_ = 	snop  }
0x4: {  	_ = 	snop  }
0x5: {  	_ = 	snop  }
0x6: {  	_ = 	snop  }
0x7: {  	_ = 	snop  }
__scs_overlays_trampoline_lowered:
0x8: {  	[smem:$0x3FAD] =	sst s0  }
0x9: {  	[smem:$0x3FAE] =	sst s1  }
0xa: {  	[smem:$0x3FAF] =	sst s2  }
0xb: {  	[smem:$0x3FB0] =	sst s3  }
0xc: {  	[smem:$0x3FB1] =	sst s4  }
0xd: {  	[smem:$0x3FB2] =	sst s5  }
0xe: {  	[smem:$0x3FB3] =	sst s6  }
0xf: {  	[smem:$0x3FB4] =	sst s7  }
0x10: {  	[smem:$0x3FB5] =	sst s8  }
0x11: {  	[smem:$0x3FB6] =	sst s9;
	s0 =	simm.s32 @!p0 $0x0  }
0x12: {  	s1 =	sld [smem:$0x3F9C];
	s0 =	simm.s32 @p0 $0x1  }
0x13: {  	[smem:$0x3FB7] =	sst s0;
	s0 =	simm.s32 @!p1 $0x0  }
0x14: {  	s2 =	sld [smem:$0x3F9B];
	s0 =	simm.s32 @p1 $0x1  }
0x15: {  	[smem:$0x3FB8] =	sst s0;
	s0 =	simm.s32 @!p2 $0x0  }
0x16: {  	s3 =	sld [smem:$0x3FDB];
	s0 =	simm.s32 @p2 $0x1  }
0x17: {  	s4 =	simm.s32 $0x1BF5;
	[smem:$0x3FBA] =	sst s0  }
0x18: {  	s0 =	sld [smem:$0x3F9D];
	_ =	swait.ge [sflag:s4], $0x0  }
0x19: {  	s7 =	sld [smem:$0x3F9E]  }
0x1a: {  	s8 =	sadd.s32 $0xFFFFE003, lr  }
0x1b: {  	s9 =	sadd.s32 $0xFFFFFEF7, lr;
	s5 =	simm.s32 $0xFFFFFFFF;
	p2 =	slt.u32 s8, $0xFFFFF086  }
0x1c: {  	p1 =	slt.u32 s9, $0xF7A;
	s5 =	simm.s32 @!p2 $0x0  }
0x1d: {  	s5 =	simm.s32 @p1 $0x1;
	p0 =	seq.s32 s7, s2  }
0x1e: {  	s7 =	smul.u32 @!p0 $0xF7A, s2;
	p2 =	seq.s32 @!p0 s5, $0x0  }
0x1f: {  	s9 =	smul.u32 $0xF7A, s1;
	s8 =	simm.s32 @!p0 $0x1BF5;
	p2 =	por !p2, p0  }
0x20: {  	[sflag:s8] =	ssyncset.s32 @!p0 $0xFFFFF086;
	s6 =	sadd.s32 @!p0 s3, s7;
	s7 =	simm.s32 @!p0 $0x108  }
0x21: {  	s3 =	sadd.s32 s3, s9;
	s6 =	sadd.s32 @!p0 $0x88, s6;
	s7 =	simm.s32 @p2 $0x1082  }
0x22: {  	[simem:s7], [sflag:s8] =	dma.local @!p0 [hbm:s6], $0xF7A  }
0x23: {  	s9 =	sor.u32 $0xD0000000, s2;
	s6 =	simm.s32 $0x108;
	_ =	swait.ge @!p0 [sflag:s8], $0x0  }
0x24: {  	s3 =	sadd.s32 $0x88, s3;
	s6 =	simm.s32 @!p1 $0x1082;
	[sflag:s4] =	ssyncset.s32 $0xFFFFF086  }
0x25: {  	[simem:s6], [sflag:s4] =	dma.local [hbm:s3], $0xF7A  }
0x26: {  	[smem:$0x3F9E] =	sst s1;
	(tag) =	ssettag s2;
	_ =	strace s9  }
0x27: {  	s1 =	sld [smem:$0x3FAE]  }
0x28: {  	s2 =	sld [smem:$0x3FAF]  }
0x29: {  	s4 =	sld [smem:$0x3FB1]  }
0x2a: {  	p0 =	seq.s32 s5, $0x0;
	s5 =	sld [smem:$0x3FB2]  }
0x2b: {  	s6 =	sld [smem:$0x3FB3]  }
0x2c: {  	s7 =	sld [smem:$0x3FB4]  }
0x2d: {  	s3 =	simm.s32 $0x108;
	s8 =	sld [smem:$0x3FB5]  }
0x2e: {  	s3 =	simm.s32 @!p0 $0x1082;
	s9 =	sld [smem:$0x3FB6]  }
0x2f: {  	lr =	sadd.s32 s0, s3;
	s0 =	sld [smem:$0x3FAD]  }
0x30: {  	s3 =	sld [smem:$0x3FB0]  }
0x31: {  	[smem:$0x3FB9] =	sst s10  }
0x32: {  	s10 =	sld [smem:$0x3FB7];
	_ =	sdelay $0x3  }
0x33: {  	p0 =	seq.s32 s10, $0x1;
	s10 =	sld [smem:$0x3FB9];
	_ =	sdelay $0x3  }
0x34: {  	[smem:$0x3FB9] =	sst s10  }
0x35: {  	s10 =	sld [smem:$0x3FB8];
	_ =	sdelay $0x3  }
0x36: {  	p1 =	seq.s32 s10, $0x1;
	s10 =	sld [smem:$0x3FB9];
	_ =	sdelay $0x3  }
0x37: {  	[smem:$0x3FB9] =	sst s10  }
0x38: {  	s10 =	sld [smem:$0x3FBA]  }
0x39: {  	_ = 	snop;
	(pc) =	sbr.ind lr, $3  }
0x3a: {  	_ = 	snop  }
0x3b: {  	_ = 	snop  }
0x3c: {  	p2 =	seq.s32 s10, $0x1;
	s10 =	sld [smem:$0x3FB9]  }
0x3d: {  	_ =	shalt  }
0x3e: {  	_ =	shalt  }
0x3f: {  	_ =	shalt  }
0x40: {  	_ =	shalt  }
0x41: {  	_ =	shalt  }
0x42: {  	_ =	shalt  }
0x43: {  	_ =	shalt  }
0x44: {  	_ =	shalt  }
0x45: {  	_ =	shalt  }
0x46: {  	_ =	shalt  }
0x47: {  	_ =	shalt  }
0x48: {  	_ =	shalt  }
0x49: {  	_ =	shalt  }
0x4a: {  	_ =	shalt  }
0x4b: {  	_ =	shalt  }
0x4c: {  	_ =	shalt  }
0x4d: {  	_ =	shalt  }
0x4e: {  	_ =	shalt  }
0x4f: {  	_ =	shalt  }
0x50: {  	_ =	shalt  }
0x51: {  	_ =	shalt  }
0x52: {  	_ =	shalt  }
0x53: {  	_ =	shalt  }
0x54: {  	_ =	shalt  }
0x55: {  	_ =	shalt  }
0x56: {  	_ =	shalt  }
0x57: {  	_ =	shalt  }
0x58: {  	_ =	shalt  }
0x59: {  	_ =	shalt  }
0x5a: {  	_ =	shalt  }
0x5b: {  	_ =	shalt  }
0x5c: {  	_ =	shalt  }
0x5d: {  	_ =	shalt  }
0x5e: {  	_ =	shalt  }
0x5f: {  	_ =	shalt  }
0x60: {  	_ =	shalt  }
0x61: {  	_ =	shalt  }
0x62: {  	_ =	shalt  }
0x63: {  	_ =	shalt  }
0x64: {  	_ =	shalt  }
0x65: {  	_ =	shalt  }
0x66: {  	_ =	shalt  }
0x67: {  	_ =	shalt  }
0x68: {  	_ =	shalt  }
0x69: {  	_ =	shalt  }
0x6a: {  	_ =	shalt  }
0x6b: {  	_ =	shalt  }
0x6c: {  	_ =	shalt  }
0x6d: {  	_ =	shalt  }
0x6e: {  	_ =	shalt  }
0x6f: {  	_ =	shalt  }
0x70: {  	_ =	shalt  }
0x71: {  	_ =	shalt  }
0x72: {  	_ =	shalt  }
0x73: {  	_ =	shalt  }
0x74: {  	_ =	shalt  }
0x75: {  	_ =	shalt  }
0x76: {  	_ =	shalt  }
0x77: {  	_ =	shalt  }
0x78: {  	_ =	shalt  }
0x79: {  	_ =	shalt  }
0x7a: {  	_ =	shalt  }
0x7b: {  	_ =	shalt  }
0x7c: {  	_ =	shalt  }
0x7d: {  	_ =	shalt  }
0x7e: {  	_ =	shalt  }
0x7f: {  	_ =	shalt  }
0x80: {  	_ =	shalt  }
0x81: {  	_ =	shalt  }
0x82: {  	_ =	shalt  }
0x83: {  	_ =	shalt  }
0x84: {  	_ =	shalt  }
0x85: {  	_ =	shalt  }
0x86: {  	_ =	shalt  }
0x87: {  	_ =	shalt  }
.Lfunc_end0:
.L_simem_size_0:
called_computation_lowered:
.L_overlay_start_0:
0x88: {  	s2 =	sld [smem:$0x3FD9]  }
0x89: {  	s3 =	sld [smem:$0x3FFE];
	_ =	sdelay $0x1  }
0x8a: {  	s1 =	srdreg.scid  }
0x8b: {  	s0 =	sand.u32 $0x1, s1  }
0x8c: {  	s18 =	sshll.u32 s0, $0xA;
	s2 =	sadd.s32 s3, s2  }
0x8d: {  	s2 =	sadd.s32 s2, s18  }
0x8e: {  	[smem:$0x3FC5] =	sst s2  }
0x8f: {  	_ = 	snop  }
0x90: {  	s2 =	sld [smem:$0x3FC9]  }
0x91: {  	s19 =	sld [smem:$0x3FC8]  }
0x92: {  	s4 =	sld [smem:$0x3FC7]  }
0x93: {  	s5 =	sld [smem:$0x3FD0];
	(tm) =	ssettm $0x1  }
0x94: {  	s6 =	sld [smem:$0x3FFB];
	_ =	sdelay $0x3  }
0x95: {  	_ =	strace s6  }
0x96: {  	s6 =	sld [smem:$0x3FFC];
	_ =	sdelay $0x3  }
0x97: {  	_ =	strace s6  }
0x98: {  	s6 =	sld [smem:$0x3FFD];
	_ =	sdelay $0x3  }
0x99: {  	_ =	strace s6  }
0x9a: {  	_ =	strace $0x8FFFFFFF  }
0x9b: {  	s20 =	sld [smem:$0x3FDB];
	_ =	sdelay $0x1  }
0x9c: {  	s7 =	simm.s32 $_scs_section_size  }
0x9d: {  	s8 =	simm.s32 $_size__tile_overlayer_lowered;
	s9 =	simm.s32 $_tile_overlayer_lowered  }
0x9e: {  	s23 =	simm.s32 $0x1BFF;
	s22 =	sshll.u32 s9, $0x1;
	s6 =	sadd.s32 s7, s20  }
0x9f: {  	s10 =	simm.s32 $0x0;
	s21 =	sshll.u32 s8, $0x1;
	s8 =	sadd.s32 s22, s6  }
0xa0: {  	[timem:s10], [sflag:s23] =	dma.local [hbm:s8], s21  }
0xa1: {  	_ =	swait.ge [sflag:s23], s21  }
0xa2: {  	s7 =	ssub.s32 $0x0, s21;
	[sflag:s23] =	ssyncset.done $0x0  }
0xa3: {  	[sflag:s23] =	ssyncadd.s32 s7;
	_ =	sdelay $0x1  }
0xa4: {  	s24 =	simm.s32 $0x1B8B  }
0xa5: {  	_ =	swait.ge [sflag:s24], $0x1  }
0xa6: {  	[sflag:s24] =	ssyncset.done $0x0  }
0xa7: {  	s25 =	simm.s32 $0x1B8E;
	[sflag:s24] =	ssyncadd.s32 $0xFFFFFFFF  }
0xa8: {  	s26 =	simm.s32 $execute0_lowered;
	[smem:$0x3FD2] =	sst s25  }
0xa9: {  	s7 =	sshll.u32 s26, $0x1;
	_ =	strace $0x80000046;
	[dreg:$0x1] =	wrdreg $0xFFFFFFFF  }
0xaa: {  	s28 =	simm.s32 $_size_execute0_lowered;
	s6 =	sadd.s32 s6, s7;
	[dreg:$0x0] =	wrdreg $0x0  }
0xab: {  	s7 =	sshll.u32 s28, $0x1;
	[dreg:$0x2] =	wrdreg s6  }
0xac: {  	[dreg:$0x3] =	wrdreg s7  }
0xad: {  	[dreg:$0x4] =	wrdreg $0xC0  }
0xae: {  	_ =	task [dreg:s10], $0x5FFFF  }
0xaf: {  	[dreg:$0x1] =	wrdreg $0xFFFFFFFF  }
0xb0: {  	[dreg:$0x0] =	wrdreg $0x60  }
0xb1: {  	[dreg:$0x2] =	wrdreg s2  }
0xb2: {  	[dreg:$0x3] =	wrdreg s19  }
0xb3: {  	[dreg:$0x4] =	wrdreg s4  }
0xb4: {  	[dreg:$0x5] =	wrdreg s5  }
0xb5: {  	[dreg:$0x6] =	wrdreg $0x0  }
0xb6: {  	[dreg:$0x7] =	wrdreg $0x9  }
0xb7: {  	_ =	task.clear_ibuf [dreg:s10], $0x8FFFF;
	_ =	strace $0x90000046  }
0xb8: {  	s29 =	simm.s32 $0x9;
	_ =	strace $0x80000048  }
0xb9: {  	_ =	swait.ge [sflag:s29], $0x1  }
0xba: {  	[sflag:s29] =	ssyncadd.s32 $0xFFFFFFFF  }
0xbb: {  	_ =	strace $0x90000048  }
0xbc: {  	_ =	sfence  }
0xbd: {  	s30 =	sld [smem:$0x0];
	_ =	sdelay $0x2  }
0xbe: {  	s31 =	sshll.u32 s1, $0xD;
	s1 =	sshrl.u32 s1, $0x2  }
0xbf: {  	s3 =	sand.u32 $0x4000, s31;
	s1 =	sadd.s32 s1, s30  }
0xc0: {  	s0 =	sor.u32 s3, s0;
	s1 =	sshll.u32 s1, $0x11  }
0xc1: {  	s0 =	sor.u32 s1, s0  }
0xc2: {  	s0 =	sadd.s32 $0x8F2B, s0  }
0xc3: {  	[sflag:s0] =	ssyncadd.remote.s32 $0x1  }
0xc4: {  	_ =	sfence.sel $0xFFFF  }
0xc5: {  	[dreg:$0x0] =	wrdreg $0xFFFFFFFF;
	(pc) =	sbr.abs _section_cstart, $3  }
0xc6: {  	[dreg:$0x1] =	wrdreg $0xFFFFFFFF  }
0xc7: {  	_ =	task.clear_ibuf [dreg:s10], $0x2FFFF;
	_ =	strace $0x9FFFFFFF  }
0xc8: {  	(tm) =	ssettm $0x7FFFFFFF  }
0xc9: {  	_ =	shalt  }
tec
execute0_lowered:
.L_overlay_start_1:
0x0: {  	(tag) =	ssettag $0x1  }
0x1: {  	s0 =	srdreg.scid;
	s16 =	stileid.u32  }
0x2: {  	s0 =	sand.u32 $0x1, s0;
	s1 =	sshll.u32 s16, $0x1  }
0x3: {  	s1 =	sor.u32 s0, s1  }
0x4: {  	s13 =	rddreg [dreg:$0x0];
	s1 =	smul.u32 $0x19000, s1  }
0x5: {  	s11 =	rddreg [dreg:$0x2]  }
0x6: {  	s15 =	rddreg [dreg:$0x3];
	s10 =	sshrl.u32 s1, $0x3  }
0x7: {  	s2 =	ssub.s32 $0x2, s0;
	s0 =	simm.s32 $0x0;
	s1 =	sadd.s32 $0x200, s10  }
0x8: {  	[smem:$0x7FF] =	sst s0;
	s18 =	sadd.s32 s11, s1  }
0x9: {  	s20 =	sadd.s32 $0x400, s10;
	s19 =	sadd.s32 s13, s1;
	[dreg:$0x6] =	wrdreg s18  }
0xa: {  	s21 =	sadd.s32 s11, s20;
	[dreg:$0x7] =	wrdreg s19  }
0xb: {  	s22 =	sadd.s32 s13, s20;
	[dreg:$0x8] =	wrdreg s21  }
0xc: {  	s23 =	sadd.s32 $0x600, s10;
	s1 =	sadd.s32 s15, s1;
	[dreg:$0x9] =	wrdreg s22  }
0xd: {  	s3 =	sshrl.u32 s2, $0x1;
	s24 =	sadd.s32 s11, s23;
	[dreg:$0xa] =	wrdreg s1  }
0xe: {  	s17 =	ssub.s32 s2, s3;
	s4 =	sadd.s32 s13, s23;
	[dreg:$0xb] =	wrdreg s24  }
0xf: {  	s25 =	sadd.s32 $0x800, s10;
	s2 =	sadd.s32 s15, s20;
	[dreg:$0xc] =	wrdreg s4  }
0x10: {  	s26 =	sadd.s32 s11, s25;
	[dreg:$0xd] =	wrdreg s2  }
0x11: {  	s31 =	sadd.s32 s13, s25;
	[dreg:$0xe] =	wrdreg s26  }
0x12: {  	s7 =	sadd.s32 $0xC00, s10;
	s3 =	sadd.s32 s15, s23;
	[dreg:$0xf] =	wrdreg s31  }
0x13: {  	s8 =	sadd.s32 s11, s7;
	[dreg:$0x10] =	wrdreg s3  }
0x14: {  	s14 =	sadd.s32 $0xE00, s10;
	s9 =	sadd.s32 s13, s7;
	[dreg:$0x14] =	wrdreg s8  }
0x15: {  	s20 =	sadd.s32 s13, s14;
	[dreg:$0x15] =	wrdreg s9  }
0x16: {  	s1 =	sadd.s32 s15, s25;
	[dreg:$0x19] =	wrdreg s20  }
0x17: {  	s18 =	sadd.s32 s15, s7;
	[dreg:$0x13] =	wrdreg s1  }
0x18: {  	s23 =	sadd.s32 $0x1200, s10;
	s19 =	sadd.s32 s11, s14;
	[dreg:$0x17] =	wrdreg s18  }
0x19: {  	s25 =	sadd.s32 s11, s23;
	[dreg:$0x18] =	wrdreg s19  }
0x1a: {  	s4 =	sadd.s32 $0xA00, s10;
	s26 =	sadd.s32 s13, s23;
	[dreg:$0x1e] =	wrdreg s25  }
0x1b: {  	s5 =	sadd.s32 s11, s4;
	[dreg:$0x1f] =	wrdreg s26  }
0x1c: {  	s6 =	sadd.s32 s13, s4;
	[dreg:$0x11] =	wrdreg s5  }
0x1d: {  	s12 =	sadd.s32 s15, s4;
	[dreg:$0x12] =	wrdreg s6  }
0x1e: {  	s21 =	sadd.s32 $0x1000, s10;
	s1 =	sadd.s32 s15, s14;
	[dreg:$0x16] =	wrdreg s12  }
0x1f: {  	s22 =	sadd.s32 s11, s21;
	[dreg:$0x1a] =	wrdreg s1  }
0x20: {  	s24 =	sadd.s32 s13, s21;
	[dreg:$0x1b] =	wrdreg s22  }
0x21: {  	s31 =	sadd.s32 $0x1400, s10;
	s2 =	sadd.s32 s15, s21;
	[dreg:$0x1c] =	wrdreg s24  }
0x22: {  	s3 =	sadd.s32 s11, s31;
	[dreg:$0x1d] =	wrdreg s2  }
0x23: {  	s7 =	sadd.s32 $0x1800, s10;
	s4 =	sadd.s32 s13, s31;
	[smem:$0x7DA] =	sst s3  }
0x24: {  	s20 =	sadd.s32 $0x1C00, s10;
	s9 =	sadd.s32 s11, s7;
	[smem:$0x7DB] =	sst s4  }
0x25: {  	s21 =	sadd.s32 s11, s20;
	[smem:$0x7E0] =	sst s9  }
0x26: {  	s1 =	sadd.s32 s15, s23;
	[smem:$0x7E6] =	sst s21  }
0x27: {  	s14 =	sadd.s32 $0x1A00, s10;
	s12 =	sadd.s32 s13, s7;
	[smem:$0x7D9] =	sst s1  }
0x28: {  	s28 =	simm.s32 $0x3;
	s18 =	sadd.s32 s11, s14;
	[smem:$0x7E1] =	sst s12  }
0x29: {  	s29 =	simm.s32 $0x4;
	s19 =	sadd.s32 s13, s14;
	[smem:$0x7E3] =	sst s18  }
0x2a: {  	s26 =	sadd.s32 $0x2000, s10;
	s23 =	sadd.s32 s13, s20;
	[smem:$0x7E4] =	sst s19  }
0x2b: {  	s30 =	simm.s32 $0x0;
	s3 =	sadd.s32 s13, s26;
	[smem:$0x7E7] =	sst s23  }
0x2c: {  	s5 =	sadd.s32 $0x1600, s10;
	s1 =	sadd.s32 s15, s31;
	[smem:$0x7ED] =	sst s3  }
0x2d: {  	p0 =	sne.s32 s16, $0x0;
	s6 =	sadd.s32 s11, s5;
	[smem:$0x7DC] =	sst s1  }
0x2e: {  	s16 =	smax.u32 s17, $0x1;
	s8 =	sadd.s32 s13, s5;
	[smem:$0x7DD] =	sst s6  }
0x2f: {  	s22 =	sadd.s32 $0x1E00, s10;
	s2 =	sadd.s32 s15, s5;
	[smem:$0x7DE] =	sst s8  }
0x30: {  	s17 =	simm.s32 $0x19F70;
	s24 =	sadd.s32 s11, s22;
	[smem:$0x7DF] =	sst s2  }
0x31: {  	s4 =	sadd.s32 $0x2200, s10;
	s25 =	sadd.s32 s13, s22;
	[smem:$0x7E9] =	sst s24  }
0x32: {  	s21 =	sadd.s32 $0x2A00, s10;
	s31 =	sadd.s32 s11, s26;
	[smem:$0x7EA] =	sst s25  }
0x33: {  	s5 =	sadd.s32 s11, s4;
	s12 =	sadd.s32 $0x2600, s10;
	[smem:$0x7EC] =	sst s31  }
0x34: {  	s19 =	sadd.s32 $0x2800, s10;
	s23 =	sadd.s32 s11, s21;
	[smem:$0x7EF] =	sst s5  }
0x35: {  	s1 =	sadd.s32 s15, s7;
	s2 =	sadd.s32 s15, s20;
	[smem:$0x7FB] =	sst s23  }
0x36: {  	s6 =	sadd.s32 $0x2400, s10;
	s7 =	sadd.s32 s13, s4;
	[smem:$0x7E2] =	sst s1  }
0x37: {  	s18 =	sadd.s32 s13, s12;
	s20 =	sadd.s32 s11, s19;
	[smem:$0x7E8] =	sst s2  }
0x38: {  	s24 =	sadd.s32 s13, s21;
	s25 =	sadd.s32 $0x2C00, s10;
	[smem:$0x7F0] =	sst s7  }
0x39: {  	s31 =	sadd.s32 $0x3000, s10;
	s23 =	simm.s32 $0x5;
	[smem:$0x7F6] =	sst s18  }
0x3a: {  	s1 =	sadd.s32 s15, s14;
	s2 =	sadd.s32 s15, s4;
	[smem:$0x7F8] =	sst s20  }
0x3b: {  	s8 =	sadd.s32 s11, s6;
	s9 =	sadd.s32 s13, s6;
	[smem:$0x7FC] =	sst s24  }
0x3c: {  	s14 =	sadd.s32 s11, s12;
	s4 =	sadd.s32 s11, s25;
	[smem:$0x7E5] =	sst s1  }
0x3d: {  	s5 =	sadd.s32 s13, s25;
	s7 =	sadd.s32 s11, s10;
	[smem:$0x7F1] =	sst s2  }
0x3e: {  	s18 =	simm.s32 $0x1BF70;
	s20 =	simm.s32 $0x1AF70;
	[smem:$0x7F2] =	sst s8  }
0x3f: {  	s24 =	simm.s32 $0x1DF70;
	s1 =	sadd.s32 s15, s22;
	[smem:$0x7F3] =	sst s9  }
0x40: {  	[smem:$0x7F5] =	sst s14;
	s22 =	sadd.s32 s13, s19;
	s2 =	sadd.s32 s15, s19  }
0x41: {  	s8 =	sadd.s32 s13, s10;
	s9 =	sadd.s32 s15, s10;
	[smem:$0x7EB] =	sst s1  }
0x42: {  	s19 =	simm.s32 $0x1870;
	s1 =	sadd.s32 s15, s26;
	[smem:$0x7F9] =	sst s22  }
0x43: {  	[smem:$0x7FA] =	sst s2;
	s26 =	sadd.s32 $0x2E00, s10;
	s22 =	simm.s32 $0x1  }
0x44: {  	[smem:$0x7EE] =	sst s1;
	s1 =	sadd.s32 s15, s6;
	s6 =	sadd.s32 s15, s25  }
0x45: {  	s10 =	sadd.s32 s11, s26;
	s11 =	sadd.s32 s11, s31;
	s14 =	sadd.s32 s15, s26  }
0x46: {  	s25 =	simm.s32 $0x2;
	[smem:$0x7F4] =	sst s1;
	s1 =	sadd.s32 s15, s12  }
0x47: {  	s12 =	sadd.s32 s13, s26;
	[smem:$0x7F7] =	sst s1;
	s1 =	sadd.s32 s15, s21  }
0x48: {  	s13 =	sadd.s32 s13, s31;
	s26 =	simm.s32 $0x1EF70;
	[smem:$0x7FD] =	sst s1  }
0x49: {  	s15 =	sadd.s32 s15, s31;
	s21 =	simm.s32 $0x1CF70;
	_ =	strace $0x80000047  }
.LBB2_1:
0x4a: {  	[tilespmem:s17], [sflag:$0x1] =	stream.linear.gather [hbm4b:s7+s0], $0x1000, $0x38;
	[tilespmem:$0x1FF70] =	vst v63  }
0x4b: {  	s31 =	rddreg [dreg:$0x4]  }
0x4c: {  	s2 =	simm.s32 @!p0 $0x1C06;
	s3 =	rddreg [dreg:$0x1];
	s1 =	sshrl.u32 @!p0 s31, $0x3  }
0x4d: {  	[tilespmem:s18], [sflag:$0x1] =	stream.linear.gather [hbm4b:s8+s0], $0x1000, $0x38;
	[tilespmem:$0x1FF70] =	vst v63  }
0x4e: {  	[spmem:s1], [sflag:s2] =	dma.local @!p0 [hbm:s3], $0x30E0  }
0x4f: {  	s1 =	simm.s32 @!p0 $0x6  }
0x50: {  	_ =	swait.ge @!p0 [sflag:s1], $0x30E0  }
0x51: {  	[sflag:s1] =	ssyncset.done @!p0 $0x0  }
0x52: {  	[sflag:s1] =	ssyncadd.s32 @!p0 $0xFFFFCF20  }
0x53: {  	[bflag:$0x0] =	sbarrier.arrive $0xFFFF  }
0x54: {  	[tilespmem:s19], [sflag:$0x5] =	stream.linear.gather [spmem:s31], $0x18700, $0x38;
	[tilespmem:$0x1FF70] =	vst v63  }
0x55: {  	s3 =	rddreg [dreg:$0x6]  }
0x56: {  	[tilespmem:s20], [sflag:$0x2] =	stream.linear.gather [hbm4b:s3+s0], $0x1000, $0x38;
	[tilespmem:$0x1FF70] =	vst v63  }
0x57: {  	s2 =	rddreg [dreg:$0x7]  }
0x58: {  	[tilespmem:s21], [sflag:$0x2] =	stream.linear.gather [hbm4b:s2+s0], $0x1000, $0x38;
	[tilespmem:$0x1FF70] =	vst v63  }
0x59: {  	_ =	swait.ge [sflag:s22], $0x1000  }
0x5a: {  	[sflag:s22] =	ssyncset.done $0x0  }
0x5b: {  	[sflag:s22] =	ssyncadd.s32 $0xFFFFF000  }
0x5c: {  	_ =	swait.ge [sflag:s22], $0x1000  }
0x5d: {  	[sflag:s22] =	ssyncset.done $0x0  }
0x5e: {  	[sflag:s22] =	ssyncadd.s32 $0xFFFFF000  }
0x5f: {  	_ =	swait.ge [sflag:s23], $0x18700  }
0x60: {  	[sflag:s23] =	ssyncset.done $0x0  }
0x61: {  	s3 =	simm.s32 $0x19FB0;
	[sflag:s23] =	ssyncadd.s32 $0xFFFE7900  }
0x62: {  	v0 =	vld [tilespmem:s3+$0x30]  }
0x63: {  	v1 =	vld [tilespmem:s3+$0xFFFFFFD0]  }
0x64: {  	v2 =	vld [tilespmem:s3+$0xFFFFFFE0]  }
0x65: {  	v3 =	vld [tilespmem:s3+$0xFFFFFFF0]  }
0x66: {  	v5 =	vld [tilespmem:s3+$0x0]  }
0x67: {  	v6 =	vld [tilespmem:s3+$0x10]  }
0x68: {  	v7 =	vld [tilespmem:s3+$0x20]  }
0x69: {  	s31 =	simm.s32 $0x1BFB0;
	v8 =	vld [tilespmem:s3+$0xFFFFFFC0]  }
0x6a: {  	v11 =	vld [tilespmem:s31+$0x30]  }
0x6b: {  	v14 =	vld [tilespmem:s31+$0xFFFFFFD0]  }
0x6c: {  	v9 =	vld [tilespmem:s31+$0xFFFFFFE0]  }
0x6d: {  	v10 =	vld.idx.msk [tilespmem:v0+s19+$0x0], $0xffff  }
0x6e: {  	v12 =	vld.idx.msk [tilespmem:v1+s19+$0x0], $0xffff  }
0x6f: {  	v4 =	vld.idx.msk [tilespmem:v2+s19+$0x0], $0xffff  }
0x70: {  	v3 =	vld.idx.msk [tilespmem:v3+s19+$0x0], $0xffff  }
0x71: {  	v13 =	vld.idx.msk [tilespmem:v8+s19+$0x0], $0xffff  }
0x72: {  	v1 =	vld.idx.msk [tilespmem:v7+s19+$0x0], $0xffff  }
0x73: {  	v7 =	vld [tilespmem:s31+$0xFFFFFFC0]  }
0x74: {  	v2 =	vld.idx.msk [tilespmem:v5+s19+$0x0], $0xffff  }
0x75: {  	v0 =	vld.idx.msk [tilespmem:v6+s19+$0x0], $0xffff  }
0x76: {  	v8 =	vld [tilespmem:s31+$0xFFFFFFF0]  }
0x77: {  	v6 =	vld [tilespmem:s31+$0x0];
	v10 =	vadd.f32 v11, v10  }
0x78: {  	s1 =	simm.s32 $0x1DFB0;
	v5 =	vld [tilespmem:s31+$0x10];
	v11 =	vadd.f32 v7, v13  }
0x79: {  	s2 =	simm.s32 $0x0;
	s3 =	simm.s32 $0x1A030;
	v7 =	vld [tilespmem:s31+$0x20];
	[tilespmem:s1+$0x30] =	vst v10;
	v10 =	vadd.f32 v14, v12  }
.LBB2_2:
0x7a: {  	v12 =	vld [tilespmem:s3+$0x30];
	s2 =	sadd.s32 $0x80, s2;
	[tilespmem:s1+$0xFFFFFFC0] =	vst v11;
	v4 =	vadd.f32 v9, v4  }
0x7b: {  	v9 =	vld [tilespmem:s3+$0xFFFFFFD0];
	p1 =	slt.u32 s2, $0xF80;
	[tilespmem:s1+$0xFFFFFFD0] =	vst v10;
	v3 =	vadd.f32 v8, v3  }
0x7c: {  	v8 =	vld [tilespmem:s3+$0xFFFFFFE0];
	[tilespmem:s1+$0xFFFFFFE0] =	vst v4;
	v2 =	vadd.f32 v6, v2  }
0x7d: {  	v6 =	vld [tilespmem:s3+$0xFFFFFFF0];
	[tilespmem:s1+$0xFFFFFFF0] =	vst v3;
	v0 =	vadd.f32 v5, v0  }
0x7e: {  	v5 =	vld [tilespmem:s3+$0x0];
	[tilespmem:s1+$0x0] =	vst v2;
	v1 =	vadd.f32 v7, v1  }
0x7f: {  	v7 =	vld [tilespmem:s3+$0x10];
	[tilespmem:s1+$0x10] =	vst v0  }
0x80: {  	v10 =	vld [tilespmem:s3+$0x20];
	[tilespmem:s1+$0x20] =	vst v1  }
0x81: {  	v1 =	vld [tilespmem:s3+$0xFFFFFFC0]  }
0x82: {  	s31 =	sadd.s32 $0x80, s31;
	v11 =	vld.idx.msk [tilespmem:v12+s19+$0x0], $0xffff  }
0x83: {  	v12 =	vld [tilespmem:s31+$0x30]  }
0x84: {  	v13 =	vld.idx.msk [tilespmem:v9+s19+$0x0], $0xffff  }
0x85: {  	v4 =	vld.idx.msk [tilespmem:v8+s19+$0x0], $0xffff  }
0x86: {  	v3 =	vld.idx.msk [tilespmem:v6+s19+$0x0], $0xffff  }
0x87: {  	v2 =	vld.idx.msk [tilespmem:v5+s19+$0x0], $0xffff  }
0x88: {  	v0 =	vld.idx.msk [tilespmem:v7+s19+$0x0], $0xffff;
	v5 =	vadd.f32 v12, v11  }
0x89: {  	s1 =	sadd.s32 $0x80, s1;
	v7 =	vld.idx.msk [tilespmem:v1+s19+$0x0], $0xffff  }
0x8a: {  	v1 =	vld.idx.msk [tilespmem:v10+s19+$0x0], $0xffff;
	[tilespmem:s1+$0x30] =	vst v5  }
0x8b: {  	v5 =	vld [tilespmem:s31+$0xFFFFFFC0]  }
0x8c: {  	v10 =	vld [tilespmem:s31+$0xFFFFFFD0]  }
.Ltmp0:
0x8d: {  	v9 =	vld [tilespmem:s31+$0xFFFFFFE0];
	(pc) =	sbr.rel @p1 .LBB2_2-.Ltmp0, $4  }
0x8e: {  	v8 =	vld [tilespmem:s31+$0xFFFFFFF0]  }
0x8f: {  	v6 =	vld [tilespmem:s31+$0x0]  }
0x90: {  	v11 =	vadd.f32 v5, v7;
	v5 =	vld [tilespmem:s31+$0x10]  }
0x91: {  	s3 =	sadd.s32 $0x80, s3;
	v10 =	vadd.f32 v10, v13;
	v7 =	vld [tilespmem:s31+$0x20]  }
0x92: {  	[tilespmem:s1+$0xFFFFFFC0] =	vst v11;
	v4 =	vadd.f32 v9, v4  }
0x93: {  	[tilespmem:s1+$0xFFFFFFD0] =	vst v10;
	v3 =	vadd.f32 v8, v3  }
0x94: {  	[tilespmem:s1+$0xFFFFFFE0] =	vst v4;
	v2 =	vadd.f32 v6, v2  }
0x95: {  	[tilespmem:s1+$0xFFFFFFF0] =	vst v3;
	v0 =	vadd.f32 v5, v0  }
0x96: {  	[tilespmem:s1+$0x0] =	vst v2;
	v1 =	vadd.f32 v7, v1  }
0x97: {  	[tilespmem:s1+$0x10] =	vst v0  }
0x98: {  	[tilespmem:s1+$0x20] =	vst v1  }
0x99: {  	[hbm4b:s9+s0] =	stream.linear.scatter [tilespmem:s24], [sflag:$0x3], $0x1000, $0x38;
	[tilespmem:$0x1FF70] =	vst v63  }
0x9a: {  	s1 =	rddreg [dreg:$0x8]  }
0x9b: {  	[tilespmem:s17], [sflag:$0x1] =	stream.linear.gather [hbm4b:s1+s0], $0x1000, $0x38;
	[tilespmem:$0x1FF70] =	vst v63  }
0x9c: {  	s2 =	rddreg [dreg:$0x9]  }
0x9d: {  	[tilespmem:s18], [sflag:$0x1] =	stream.linear.gather [hbm4b:s2+s0], $0x1000, $0x38;
	[tilespmem:$0x1FF70] =	vst v63  }
0x9e: {  	_ =	swait.ge [sflag:s25], $0x1000  }
0x9f: {  	[sflag:s25] =	ssyncset.done $0x0  }
0xa0: {  	[sflag:s25] =	ssyncadd.s32 $0xFFFFF000  }
0xa1: {  	_ =	swait.ge [sflag:s25], $0x1000  }
0xa2: {  	[sflag:s25] =	ssyncset.done $0x0  }
0xa3: {  	s3 =	simm.s32 $0x1AFB0;
	[sflag:s25] =	ssyncadd.s32 $0xFFFFF000  }
0xa4: {  	v0 =	vld [tilespmem:s3+$0x30]  }
0xa5: {  	v1 =	vld [tilespmem:s3+$0xFFFFFFD0]  }
0xa6: {  	v2 =	vld [tilespmem:s3+$0xFFFFFFE0]  }
0xa7: {  	v3 =	vld [tilespmem:s3+$0xFFFFFFF0]  }
0xa8: {  	v5 =	vld [tilespmem:s3+$0x0]  }
0xa9: {  	v6 =	vld [tilespmem:s3+$0x10]  }
0xaa: {  	v7 =	vld [tilespmem:s3+$0x20]  }
0xab: {  	s31 =	simm.s32 $0x1CFB0;
	v8 =	vld [tilespmem:s3+$0xFFFFFFC0]  }
0xac: {  	v11 =	vld [tilespmem:s31+$0x30]  }
0xad: {  	v14 =	vld [tilespmem:s31+$0xFFFFFFD0]  }
0xae: {  	v9 =	vld [tilespmem:s31+$0xFFFFFFE0]  }
0xaf: {  	v10 =	vld.idx.msk [tilespmem:v0+s19+$0x0], $0xffff  }
0xb0: {  	v12 =	vld.idx.msk [tilespmem:v1+s19+$0x0], $0xffff  }
0xb1: {  	v4 =	vld.idx.msk [tilespmem:v2+s19+$0x0], $0xffff  }
0xb2: {  	v3 =	vld.idx.msk [tilespmem:v3+s19+$0x0], $0xffff  }
0xb3: {  	v13 =	vld.idx.msk [tilespmem:v8+s19+$0x0], $0xffff  }
0xb4: {  	v1 =	vld.idx.msk [tilespmem:v7+s19+$0x0], $0xffff  }
0xb5: {  	v7 =	vld [tilespmem:s31+$0xFFFFFFC0]  }
0xb6: {  	v2 =	vld.idx.msk [tilespmem:v5+s19+$0x0], $0xffff  }
0xb7: {  	v0 =	vld.idx.msk [tilespmem:v6+s19+$0x0], $0xffff  }
0xb8: {  	v8 =	vld [tilespmem:s31+$0xFFFFFFF0]  }
0xb9: {  	v6 =	vld [tilespmem:s31+$0x0];
	v10 =	vadd.f32 v11, v10  }
0xba: {  	s1 =	simm.s32 $0x1EFB0;
	v5 =	vld [tilespmem:s31+$0x10];
	v11 =	vadd.f32 v7, v13  }
0xbb: {  	s2 =	simm.s32 $0x0;
	s3 =	simm.s32 $0x1B030;
	v7 =	vld [tilespmem:s31+$0x20];
	[tilespmem:s1+$0x30] =	vst v10;
	v10 =	vadd.f32 v14, v12  }
.LBB2_4:
0xbc: {  	v12 =	vld [tilespmem:s3+$0x30];
	s2 =	sadd.s32 $0x80, s2;
	[tilespmem:s1+$0xFFFFFFC0] =	vst v11;
	v4 =	vadd.f32 v9, v4  }
0xbd: {  	v9 =	vld [tilespmem:s3+$0xFFFFFFD0];
	p1 =	slt.u32 s2, $0xF80;
	[tilespmem:s1+$0xFFFFFFD0] =	vst v10;
	v3 =	vadd.f32 v8, v3  }
0xbe: {  	v8 =	vld [tilespmem:s3+$0xFFFFFFE0];
	[tilespmem:s1+$0xFFFFFFE0] =	vst v4;
	v2 =	vadd.f32 v6, v2  }
0xbf: {  	v6 =	vld [tilespmem:s3+$0xFFFFFFF0];
	[tilespmem:s1+$0xFFFFFFF0] =	vst v3;
	v0 =	vadd.f32 v5, v0  }
0xc0: {  	v5 =	vld [tilespmem:s3+$0x0];
	[tilespmem:s1+$0x0] =	vst v2;
	v1 =	vadd.f32 v7, v1  }
0xc1: {  	v7 =	vld [tilespmem:s3+$0x10];
	[tilespmem:s1+$0x10] =	vst v0  }
0xc2: {  	v10 =	vld [tilespmem:s3+$0x20];
	[tilespmem:s1+$0x20] =	vst v1  }
0xc3: {  	v1 =	vld [tilespmem:s3+$0xFFFFFFC0]  }
0xc4: {  	s31 =	sadd.s32 $0x80, s31;
	v11 =	vld.idx.msk [tilespmem:v12+s19+$0x0], $0xffff  }
0xc5: {  	v12 =	vld [tilespmem:s31+$0x30]  }
0xc6: {  	v13 =	vld.idx.msk [tilespmem:v9+s19+$0x0], $0xffff  }
0xc7: {  	v4 =	vld.idx.msk [tilespmem:v8+s19+$0x0], $0xffff  }
0xc8: {  	v3 =	vld.idx.msk [tilespmem:v6+s19+$0x0], $0xffff  }
0xc9: {  	v2 =	vld.idx.msk [tilespmem:v5+s19+$0x0], $0xffff  }
0xca: {  	v0 =	vld.idx.msk [tilespmem:v7+s19+$0x0], $0xffff;
	v5 =	vadd.f32 v12, v11  }
0xcb: {  	s1 =	sadd.s32 $0x80, s1;
	v7 =	vld.idx.msk [tilespmem:v1+s19+$0x0], $0xffff  }
0xcc: {  	v1 =	vld.idx.msk [tilespmem:v10+s19+$0x0], $0xffff;
	[tilespmem:s1+$0x30] =	vst v5  }
0xcd: {  	v5 =	vld [tilespmem:s31+$0xFFFFFFC0]  }
0xce: {  	v10 =	vld [tilespmem:s31+$0xFFFFFFD0]  }
.Ltmp1:
0xcf: {  	v9 =	vld [tilespmem:s31+$0xFFFFFFE0];
	(pc) =	sbr.rel @p1 .LBB2_4-.Ltmp1, $4  }
0xd0: {  	v8 =	vld [tilespmem:s31+$0xFFFFFFF0]  }
0xd1: {  	v6 =	vld [tilespmem:s31+$0x0]  }
0xd2: {  	v11 =	vadd.f32 v5, v7;
	v5 =	vld [tilespmem:s31+$0x10]  }
0xd3: {  	s3 =	sadd.s32 $0x80, s3;
	v10 =	vadd.f32 v10, v13;
	v7 =	vld [tilespmem:s31+$0x20]  }
0xd4: {  	[tilespmem:s1+$0xFFFFFFC0] =	vst v11;
	v4 =	vadd.f32 v9, v4  }
0xd5: {  	[tilespmem:s1+$0xFFFFFFD0] =	vst v10;
	v3 =	vadd.f32 v8, v3  }
0xd6: {  	[tilespmem:s1+$0xFFFFFFE0] =	vst v4;
	v2 =	vadd.f32 v6, v2  }
0xd7: {  	[tilespmem:s1+$0xFFFFFFF0] =	vst v3;
	v0 =	vadd.f32 v5, v0  }
0xd8: {  	[tilespmem:s1+$0x0] =	vst v2;
	v1 =	vadd.f32 v7, v1  }
0xd9: {  	[tilespmem:s1+$0x10] =	vst v0  }
0xda: {  	[tilespmem:s1+$0x20] =	vst v1  }
0xdb: {  	s1 =	rddreg [dreg:$0xa]  }
0xdc: {  	[hbm4b:s1+s0] =	stream.linear.scatter [tilespmem:s26], [sflag:$0x4], $0x1000, $0x38;
	[tilespmem:$0x1FF70] =	vst v63  }
0xdd: {  	s3 =	rddreg [dreg:$0xb]  }
0xde: {  	[tilespmem:s20], [sflag:$0x2] =	stream.linear.gather [hbm4b:s3+s0], $0x1000, $0x38;
	[tilespmem:$0x1FF70] =	vst v63  }
0xdf: {  	s2 =	rddreg [dreg:$0xc]  }
0xe0: {  	[tilespmem:s21], [sflag:$0x2] =	stream.linear.gather [hbm4b:s2+s0], $0x1000, $0x38;
	[tilespmem:$0x1FF70] =	vst v63  }
0xe1: {  	_ =	swait.ge [sflag:s22], $0x1000  }
0xe2: {  	[sflag:s22] =	ssyncset.done $0x0  }
0xe3: {  	[sflag:s22] =	ssyncadd.s32 $0xFFFFF000  }
0xe4: {  	_ =	swait.ge [sflag:s22], $0x1000  }
0xe5: {  	[sflag:s22] =	ssyncset.done $0x0  }
0xe6: {  	[sflag:s22] =	ssyncadd.s32 $0xFFFFF000  }
0xe7: {  	_ =	swait.ge [sflag:s28], $0x1000  }
0xe8: {  	[sflag:s28] =	ssyncset.done $0x0  }
0xe9: {  	s3 =	simm.s32 $0x19FB0;
	[sflag:s28] =	ssyncadd.s32 $0xFFFFF000  }
0xea: {  	v0 =	vld [tilespmem:s3+$0x30]  }
0xeb: {  	v1 =	vld [tilespmem:s3+$0xFFFFFFD0]  }
0xec: {  	v2 =	vld [tilespmem:s3+$0xFFFFFFE0]  }
0xed: {  	v3 =	vld [tilespmem:s3+$0xFFFFFFF0]  }
0xee: {  	v5 =	vld [tilespmem:s3+$0x0]  }
0xef: {  	v6 =	vld [tilespmem:s3+$0x10]  }
0xf0: {  	v7 =	vld [tilespmem:s3+$0x20]  }
0xf1: {  	s31 =	simm.s32 $0x1BFB0;
	v8 =	vld [tilespmem:s3+$0xFFFFFFC0]  }
0xf2: {  	v11 =	vld [tilespmem:s31+$0x30]  }
0xf3: {  	v14 =	vld [tilespmem:s31+$0xFFFFFFD0]  }
0xf4: {  	v9 =	vld [tilespmem:s31+$0xFFFFFFE0]  }
0xf5: {  	v10 =	vld.idx.msk [tilespmem:v0+s19+$0x0], $0xffff  }
0xf6: {  	v12 =	vld.idx.msk [tilespmem:v1+s19+$0x0], $0xffff  }
0xf7: {  	v4 =	vld.idx.msk [tilespmem:v2+s19+$0x0], $0xffff  }
0xf8: {  	v3 =	vld.idx.msk [tilespmem:v3+s19+$0x0], $0xffff  }
0xf9: {  	v13 =	vld.idx.msk [tilespmem:v8+s19+$0x0], $0xffff  }
0xfa: {  	v1 =	vld.idx.msk [tilespmem:v7+s19+$0x0], $0xffff  }
0xfb: {  	v7 =	vld [tilespmem:s31+$0xFFFFFFC0]  }
0xfc: {  	v2 =	vld.idx.msk [tilespmem:v5+s19+$0x0], $0xffff  }
0xfd: {  	v0 =	vld.idx.msk [tilespmem:v6+s19+$0x0], $0xffff  }
0xfe: {  	v8 =	vld [tilespmem:s31+$0xFFFFFFF0]  }
0xff: {  	v6 =	vld [tilespmem:s31+$0x0];
	v10 =	vadd.f32 v11, v10  }
0x100: {  	s1 =	simm.s32 $0x1DFB0;
	v5 =	vld [tilespmem:s31+$0x10];
	v11 =	vadd.f32 v7, v13  }
0x101: {  	s2 =	simm.s32 $0x0;
	s3 =	simm.s32 $0x1A030;
	v7 =	vld [tilespmem:s31+$0x20];
	[tilespmem:s1+$0x30] =	vst v10;
	v10 =	vadd.f32 v14, v12  }
.LBB2_6:
0x102: {  	v12 =	vld [tilespmem:s3+$0x30];
	s2 =	sadd.s32 $0x80, s2;
	[tilespmem:s1+$0xFFFFFFC0] =	vst v11;
	v4 =	vadd.f32 v9, v4  }
0x103: {  	v9 =	vld [tilespmem:s3+$0xFFFFFFD0];
	p1 =	slt.u32 s2, $0xF80;
	[tilespmem:s1+$0xFFFFFFD0] =	vst v10;
	v3 =	vadd.f32 v8, v3  }
0x104: {  	v8 =	vld [tilespmem:s3+$0xFFFFFFE0];
	[tilespmem:s1+$0xFFFFFFE0] =	vst v4;
	v2 =	vadd.f32 v6, v2  }
0x105: {  	v6 =	vld [tilespmem:s3+$0xFFFFFFF0];
	[tilespmem:s1+$0xFFFFFFF0] =	vst v3;
	v0 =	vadd.f32 v5, v0  }
0x106: {  	v5 =	vld [tilespmem:s3+$0x0];
	[tilespmem:s1+$0x0] =	vst v2;
	v1 =	vadd.f32 v7, v1  }
0x107: {  	v7 =	vld [tilespmem:s3+$0x10];
	[tilespmem:s1+$0x10] =	vst v0  }
0x108: {  	v10 =	vld [tilespmem:s3+$0x20];
	[tilespmem:s1+$0x20] =	vst v1  }
0x109: {  	v1 =	vld [tilespmem:s3+$0xFFFFFFC0]  }
0x10a: {  	s31 =	sadd.s32 $0x80, s31;
	v11 =	vld.idx.msk [tilespmem:v12+s19+$0x0], $0xffff  }
0x10b: {  	v12 =	vld [tilespmem:s31+$0x30]  }
0x10c: {  	v13 =	vld.idx.msk [tilespmem:v9+s19+$0x0], $0xffff  }
0x10d: {  	v4 =	vld.idx.msk [tilespmem:v8+s19+$0x0], $0xffff  }
0x10e: {  	v3 =	vld.idx.msk [tilespmem:v6+s19+$0x0], $0xffff  }
0x10f: {  	v2 =	vld.idx.msk [tilespmem:v5+s19+$0x0], $0xffff  }
0x110: {  	v0 =	vld.idx.msk [tilespmem:v7+s19+$0x0], $0xffff;
	v5 =	vadd.f32 v12, v11  }
0x111: {  	s1 =	sadd.s32 $0x80, s1;
	v7 =	vld.idx.msk [tilespmem:v1+s19+$0x0], $0xffff  }
0x112: {  	v1 =	vld.idx.msk [tilespmem:v10+s19+$0x0], $0xffff;
	[tilespmem:s1+$0x30] =	vst v5  }
0x113: {  	v5 =	vld [tilespmem:s31+$0xFFFFFFC0]  }
0x114: {  	v10 =	vld [tilespmem:s31+$0xFFFFFFD0]  }
.Ltmp2:
0x115: {  	v9 =	vld [tilespmem:s31+$0xFFFFFFE0];
	(pc) =	sbr.rel @p1 .LBB2_6-.Ltmp2, $4  }
0x116: {  	v8 =	vld [tilespmem:s31+$0xFFFFFFF0]  }
0x117: {  	v6 =	vld [tilespmem:s31+$0x0]  }
0x118: {  	v11 =	vadd.f32 v5, v7;
	v5 =	vld [tilespmem:s31+$0x10]  }
0x119: {  	s3 =	sadd.s32 $0x80, s3;
	v10 =	vadd.f32 v10, v13;
	v7 =	vld [tilespmem:s31+$0x20]  }
0x11a: {  	[tilespmem:s1+$0xFFFFFFC0] =	vst v11;
	v4 =	vadd.f32 v9, v4  }
0x11b: {  	[tilespmem:s1+$0xFFFFFFD0] =	vst v10;
	v3 =	vadd.f32 v8, v3  }
0x11c: {  	[tilespmem:s1+$0xFFFFFFE0] =	vst v4;
	v2 =	vadd.f32 v6, v2  }
0x11d: {  	[tilespmem:s1+$0xFFFFFFF0] =	vst v3;
	v0 =	vadd.f32 v5, v0  }
0x11e: {  	[tilespmem:s1+$0x0] =	vst v2;
	v1 =	vadd.f32 v7, v1  }
0x11f: {  	[tilespmem:s1+$0x10] =	vst v0  }
0x120: {  	[tilespmem:s1+$0x20] =	vst v1  }
0x121: {  	s1 =	rddreg [dreg:$0xd]  }
0x122: {  	[hbm4b:s1+s0] =	stream.linear.scatter [tilespmem:s24], [sflag:$0x3], $0x1000, $0x38;
	[tilespmem:$0x1FF70] =	vst v63  }
0x123: {  	s3 =	rddreg [dreg:$0xe]  }
0x124: {  	[tilespmem:s17], [sflag:$0x1] =	stream.linear.gather [hbm4b:s3+s0], $0x1000, $0x38;
	[tilespmem:$0x1FF70] =	vst v63  }
0x125: {  	s2 =	rddreg [dreg:$0xf]  }
0x126: {  	[tilespmem:s18], [sflag:$0x1] =	stream.linear.gather [hbm4b:s2+s0], $0x1000, $0x38;
	[tilespmem:$0x1FF70] =	vst v63  }
0x127: {  	_ =	swait.ge [sflag:s25], $0x1000  }
0x128: {  	[sflag:s25] =	ssyncset.done $0x0  }
0x129: {  	[sflag:s25] =	ssyncadd.s32 $0xFFFFF000  }
0x12a: {  	_ =	swait.ge [sflag:s25], $0x1000  }
0x12b: {  	[sflag:s25] =	ssyncset.done $0x0  }
0x12c: {  	[sflag:s25] =	ssyncadd.s32 $0xFFFFF000  }
0x12d: {  	_ =	swait.ge [sflag:s29], $0x1000  }
0x12e: {  	[sflag:s29] =	ssyncset.done $0x0  }
0x12f: {  	s3 =	simm.s32 $0x1AFB0;
	[sflag:s29] =	ssyncadd.s32 $0xFFFFF000  }
0x130: {  	v0 =	vld [tilespmem:s3+$0x30]  }
0x131: {  	v1 =	vld [tilespmem:s3+$0xFFFFFFD0]  }
0x132: {  	v2 =	vld [tilespmem:s3+$0xFFFFFFE0]  }
0x133: {  	v3 =	vld [tilespmem:s3+$0xFFFFFFF0]  }
0x134: {  	v5 =	vld [tilespmem:s3+$0x0]  }
0x135: {  	v6 =	vld [tilespmem:s3+$0x10]  }
0x136: {  	v7 =	vld [tilespmem:s3+$0x20]  }
0x137: {  	s31 =	simm.s32 $0x1CFB0;
	v8 =	vld [tilespmem:s3+$0xFFFFFFC0]  }
0x138: {  	v11 =	vld [tilespmem:s31+$0x30]  }
0x139: {  	v14 =	vld [tilespmem:s31+$0xFFFFFFD0]  }
0x13a: {  	v9 =	vld [tilespmem:s31+$0xFFFFFFE0]  }
0x13b: {  	v10 =	vld.idx.msk [tilespmem:v0+s19+$0x0], $0xffff  }
0x13c: {  	v12 =	vld.idx.msk [tilespmem:v1+s19+$0x0], $0xffff  }
0x13d: {  	v4 =	vld.idx.msk [tilespmem:v2+s19+$0x0], $0xffff  }
0x13e: {  	v3 =	vld.idx.msk [tilespmem:v3+s19+$0x0], $0xffff  }
0x13f: {  	v13 =	vld.idx.msk [tilespmem:v8+s19+$0x0], $0xffff  }
0x140: {  	v1 =	vld.idx.msk [tilespmem:v7+s19+$0x0], $0xffff  }
0x141: {  	v7 =	vld [tilespmem:s31+$0xFFFFFFC0]  }
0x142: {  	v2 =	vld.idx.msk [tilespmem:v5+s19+$0x0], $0xffff  }
0x143: {  	v0 =	vld.idx.msk [tilespmem:v6+s19+$0x0], $0xffff  }
0x144: {  	v8 =	vld [tilespmem:s31+$0xFFFFFFF0]  }
0x145: {  	v6 =	vld [tilespmem:s31+$0x0];
	v10 =	vadd.f32 v11, v10  }
0x146: {  	s1 =	simm.s32 $0x1EFB0;
	v5 =	vld [tilespmem:s31+$0x10];
	v11 =	vadd.f32 v7, v13  }
0x147: {  	s2 =	simm.s32 $0x0;
	s3 =	simm.s32 $0x1B030;
	v7 =	vld [tilespmem:s31+$0x20];
	[tilespmem:s1+$0x30] =	vst v10;
	v10 =	vadd.f32 v14, v12  }
.LBB2_8:
0x148: {  	v12 =	vld [tilespmem:s3+$0x30];
	s2 =	sadd.s32 $0x80, s2;
	[tilespmem:s1+$0xFFFFFFC0] =	vst v11;
	v4 =	vadd.f32 v9, v4  }
0x149: {  	v9 =	vld [tilespmem:s3+$0xFFFFFFD0];
	p1 =	slt.u32 s2, $0xF80;
	[tilespmem:s1+$0xFFFFFFD0] =	vst v10;
	v3 =	vadd.f32 v8, v3  }
0x14a: {  	v8 =	vld [tilespmem:s3+$0xFFFFFFE0];
	[tilespmem:s1+$0xFFFFFFE0] =	vst v4;
	v2 =	vadd.f32 v6, v2  }
0x14b: {  	v6 =	vld [tilespmem:s3+$0xFFFFFFF0];
	[tilespmem:s1+$0xFFFFFFF0] =	vst v3;
	v0 =	vadd.f32 v5, v0  }
0x14c: {  	v5 =	vld [tilespmem:s3+$0x0];
	[tilespmem:s1+$0x0] =	vst v2;
	v1 =	vadd.f32 v7, v1  }
0x14d: {  	v7 =	vld [tilespmem:s3+$0x10];
	[tilespmem:s1+$0x10] =	vst v0  }
0x14e: {  	v10 =	vld [tilespmem:s3+$0x20];
	[tilespmem:s1+$0x20] =	vst v1  }
0x14f: {  	v1 =	vld [tilespmem:s3+$0xFFFFFFC0]  }
0x150: {  	s31 =	sadd.s32 $0x80, s31;
	v11 =	vld.idx.msk [tilespmem:v12+s19+$0x0], $0xffff  }
0x151: {  	v12 =	vld [tilespmem:s31+$0x30]  }
0x152: {  	v13 =	vld.idx.msk [tilespmem:v9+s19+$0x0], $0xffff  }
0x153: {  	v4 =	vld.idx.msk [tilespmem:v8+s19+$0x0], $0xffff  }
0x154: {  	v3 =	vld.idx.msk [tilespmem:v6+s19+$0x0], $0xffff  }
0x155: {  	v2 =	vld.idx.msk [tilespmem:v5+s19+$0x0], $0xffff  }
0x156: {  	v0 =	vld.idx.msk [tilespmem:v7+s19+$0x0], $0xffff;
	v5 =	vadd.f32 v12, v11  }
0x157: {  	s1 =	sadd.s32 $0x80, s1;
	v7 =	vld.idx.msk [tilespmem:v1+s19+$0x0], $0xffff  }
0x158: {  	v1 =	vld.idx.msk [tilespmem:v10+s19+$0x0], $0xffff;
	[tilespmem:s1+$0x30] =	vst v5  }
0x159: {  	v5 =	vld [tilespmem:s31+$0xFFFFFFC0]  }
0x15a: {  	v10 =	vld [tilespmem:s31+$0xFFFFFFD0]  }
.Ltmp3:
0x15b: {  	v9 =	vld [tilespmem:s31+$0xFFFFFFE0];
	(pc) =	sbr.rel @p1 .LBB2_8-.Ltmp3, $4  }
0x15c: {  	v8 =	vld [tilespmem:s31+$0xFFFFFFF0]  }
0x15d: {  	v6 =	vld [tilespmem:s31+$0x0]  }
0x15e: {  	v11 =	vadd.f32 v5, v7;
	v5 =	vld [tilespmem:s31+$0x10]  }
0x15f: {  	s3 =	sadd.s32 $0x80, s3;
	v10 =	vadd.f32 v10, v13;
	v7 =	vld [tilespmem:s31+$0x20]  }
0x160: {  	[tilespmem:s1+$0xFFFFFFC0] =	vst v11;
	v4 =	vadd.f32 v9, v4  }
0x161: {  	[tilespmem:s1+$0xFFFFFFD0] =	vst v10;
	v3 =	vadd.f32 v8, v3  }
0x162: {  	[tilespmem:s1+$0xFFFFFFE0] =	vst v4;
	v2 =	vadd.f32 v6, v2  }
0x163: {  	[tilespmem:s1+$0xFFFFFFF0] =	vst v3;
	v0 =	vadd.f32 v5, v0  }
0x164: {  	[tilespmem:s1+$0x0] =	vst v2;
	v1 =	vadd.f32 v7, v1  }
0x165: {  	[tilespmem:s1+$0x10] =	vst v0  }
0x166: {  	[tilespmem:s1+$0x20] =	vst v1  }
0x167: {  	s1 =	rddreg [dreg:$0x10]  }
0x168: {  	[hbm4b:s1+s0] =	stream.linear.scatter [tilespmem:s26], [sflag:$0x4], $0x1000, $0x38;
	[tilespmem:$0x1FF70] =	vst v63  }
0x169: {  	s3 =	rddreg [dreg:$0x11]  }
0x16a: {  	[tilespmem:s20], [sflag:$0x2] =	stream.linear.gather [hbm4b:s3+s0], $0x1000, $0x38;
	[tilespmem:$0x1FF70] =	vst v63  }
0x16b: {  	s2 =	rddreg [dreg:$0x12]  }
0x16c: {  	[tilespmem:s21], [sflag:$0x2] =	stream.linear.gather [hbm4b:s2+s0], $0x1000, $0x38;
	[tilespmem:$0x1FF70] =	vst v63  }
0x16d: {  	_ =	swait.ge [sflag:s22], $0x1000  }
0x16e: {  	[sflag:s22] =	ssyncset.done $0x0  }
0x16f: {  	[sflag:s22] =	ssyncadd.s32 $0xFFFFF000  }
0x170: {  	_ =	swait.ge [sflag:s22], $0x1000  }
0x171: {  	[sflag:s22] =	ssyncset.done $0x0  }
0x172: {  	[sflag:s22] =	ssyncadd.s32 $0xFFFFF000  }
0x173: {  	_ =	swait.ge [sflag:s28], $0x1000  }
0x174: {  	[sflag:s28] =	ssyncset.done $0x0  }
0x175: {  	s3 =	simm.s32 $0x19FB0;
	[sflag:s28] =	ssyncadd.s32 $0xFFFFF000  }
0x176: {  	v0 =	vld [tilespmem:s3+$0x30]  }
0x177: {  	v1 =	vld [tilespmem:s3+$0xFFFFFFD0]  }
0x178: {  	v2 =	vld [tilespmem:s3+$0xFFFFFFE0]  }
0x179: {  	v3 =	vld [tilespmem:s3+$0xFFFFFFF0]  }
0x17a: {  	v5 =	vld [tilespmem:s3+$0x0]  }
0x17b: {  	v6 =	vld [tilespmem:s3+$0x10]  }
0x17c: {  	v7 =	vld [tilespmem:s3+$0x20]  }
0x17d: {  	s31 =	simm.s32 $0x1BFB0;
	v8 =	vld [tilespmem:s3+$0xFFFFFFC0]  }
0x17e: {  	v11 =	vld [tilespmem:s31+$0x30]  }
0x17f: {  	v14 =	vld [tilespmem:s31+$0xFFFFFFD0]  }
0x180: {  	v9 =	vld [tilespmem:s31+$0xFFFFFFE0]  }
0x181: {  	v10 =	vld.idx.msk [tilespmem:v0+s19+$0x0], $0xffff  }
0x182: {  	v12 =	vld.idx.msk [tilespmem:v1+s19+$0x0], $0xffff  }
0x183: {  	v4 =	vld.idx.msk [tilespmem:v2+s19+$0x0], $0xffff  }
0x184: {  	v3 =	vld.idx.msk [tilespmem:v3+s19+$0x0], $0xffff  }
0x185: {  	v13 =	vld.idx.msk [tilespmem:v8+s19+$0x0], $0xffff  }
0x186: {  	v1 =	vld.idx.msk [tilespmem:v7+s19+$0x0], $0xffff  }
0x187: {  	v7 =	vld [tilespmem:s31+$0xFFFFFFC0]  }
0x188: {  	v2 =	vld.idx.msk [tilespmem:v5+s19+$0x0], $0xffff  }
0x189: {  	v0 =	vld.idx.msk [tilespmem:v6+s19+$0x0], $0xffff  }
0x18a: {  	v8 =	vld [tilespmem:s31+$0xFFFFFFF0]  }
0x18b: {  	v6 =	vld [tilespmem:s31+$0x0];
	v10 =	vadd.f32 v11, v10  }
0x18c: {  	s1 =	simm.s32 $0x1DFB0;
	v5 =	vld [tilespmem:s31+$0x10];
	v11 =	vadd.f32 v7, v13  }
0x18d: {  	s2 =	simm.s32 $0x0;
	s3 =	simm.s32 $0x1A030;
	v7 =	vld [tilespmem:s31+$0x20];
	[tilespmem:s1+$0x30] =	vst v10;
	v10 =	vadd.f32 v14, v12  }
.LBB2_10:
0x18e: {  	v12 =	vld [tilespmem:s3+$0x30];
	s2 =	sadd.s32 $0x80, s2;
	[tilespmem:s1+$0xFFFFFFC0] =	vst v11;
	v4 =	vadd.f32 v9, v4  }
0x18f: {  	v9 =	vld [tilespmem:s3+$0xFFFFFFD0];
	p1 =	slt.u32 s2, $0xF80;
	[tilespmem:s1+$0xFFFFFFD0] =	vst v10;
	v3 =	vadd.f32 v8, v3  }
0x190: {  	v8 =	vld [tilespmem:s3+$0xFFFFFFE0];
	[tilespmem:s1+$0xFFFFFFE0] =	vst v4;
	v2 =	vadd.f32 v6, v2  }
0x191: {  	v6 =	vld [tilespmem:s3+$0xFFFFFFF0];
	[tilespmem:s1+$0xFFFFFFF0] =	vst v3;
	v0 =	vadd.f32 v5, v0  }
0x192: {  	v5 =	vld [tilespmem:s3+$0x0];
	[tilespmem:s1+$0x0] =	vst v2;
	v1 =	vadd.f32 v7, v1  }
0x193: {  	v7 =	vld [tilespmem:s3+$0x10];
	[tilespmem:s1+$0x10] =	vst v0  }
0x194: {  	v10 =	vld [tilespmem:s3+$0x20];
	[tilespmem:s1+$0x20] =	vst v1  }
0x195: {  	v1 =	vld [tilespmem:s3+$0xFFFFFFC0]  }
0x196: {  	s31 =	sadd.s32 $0x80, s31;
	v11 =	vld.idx.msk [tilespmem:v12+s19+$0x0], $0xffff  }
0x197: {  	v12 =	vld [tilespmem:s31+$0x30]  }
0x198: {  	v13 =	vld.idx.msk [tilespmem:v9+s19+$0x0], $0xffff  }
0x199: {  	v4 =	vld.idx.msk [tilespmem:v8+s19+$0x0], $0xffff  }
0x19a: {  	v3 =	vld.idx.msk [tilespmem:v6+s19+$0x0], $0xffff  }
0x19b: {  	v2 =	vld.idx.msk [tilespmem:v5+s19+$0x0], $0xffff  }
0x19c: {  	v0 =	vld.idx.msk [tilespmem:v7+s19+$0x0], $0xffff;
	v5 =	vadd.f32 v12, v11  }
0x19d: {  	s1 =	sadd.s32 $0x80, s1;
	v7 =	vld.idx.msk [tilespmem:v1+s19+$0x0], $0xffff  }
0x19e: {  	v1 =	vld.idx.msk [tilespmem:v10+s19+$0x0], $0xffff;
	[tilespmem:s1+$0x30] =	vst v5  }
0x19f: {  	v5 =	vld [tilespmem:s31+$0xFFFFFFC0]  }
0x1a0: {  	v10 =	vld [tilespmem:s31+$0xFFFFFFD0]  }
.Ltmp4:
0x1a1: {  	v9 =	vld [tilespmem:s31+$0xFFFFFFE0];
	(pc) =	sbr.rel @p1 .LBB2_10-.Ltmp4, $4  }
0x1a2: {  	v8 =	vld [tilespmem:s31+$0xFFFFFFF0]  }
0x1a3: {  	v6 =	vld [tilespmem:s31+$0x0]  }
0x1a4: {  	v11 =	vadd.f32 v5, v7;
	v5 =	vld [tilespmem:s31+$0x10]  }
0x1a5: {  	s3 =	sadd.s32 $0x80, s3;
	v10 =	vadd.f32 v10, v13;
	v7 =	vld [tilespmem:s31+$0x20]  }
0x1a6: {  	[tilespmem:s1+$0xFFFFFFC0] =	vst v11;
	v4 =	vadd.f32 v9, v4  }
0x1a7: {  	[tilespmem:s1+$0xFFFFFFD0] =	vst v10;
	v3 =	vadd.f32 v8, v3  }
0x1a8: {  	[tilespmem:s1+$0xFFFFFFE0] =	vst v4;
	v2 =	vadd.f32 v6, v2  }
0x1a9: {  	[tilespmem:s1+$0xFFFFFFF0] =	vst v3;
	v0 =	vadd.f32 v5, v0  }
0x1aa: {  	[tilespmem:s1+$0x0] =	vst v2;
	v1 =	vadd.f32 v7, v1  }
0x1ab: {  	[tilespmem:s1+$0x10] =	vst v0  }
0x1ac: {  	[tilespmem:s1+$0x20] =	vst v1  }
0x1ad: {  	s1 =	rddreg [dreg:$0x13]  }
0x1ae: {  	[hbm4b:s1+s0] =	stream.linear.scatter [tilespmem:s24], [sflag:$0x3], $0x1000, $0x38;
	[tilespmem:$0x1FF70] =	vst v63  }
0x1af: {  	s3 =	rddreg [dreg:$0x14]  }
0x1b0: {  	[tilespmem:s17], [sflag:$0x1] =	stream.linear.gather [hbm4b:s3+s0], $0x1000, $0x38;
	[tilespmem:$0x1FF70] =	vst v63  }
0x1b1: {  	s2 =	rddreg [dreg:$0x15]  }
0x1b2: {  	[tilespmem:s18], [sflag:$0x1] =	stream.linear.gather [hbm4b:s2+s0], $0x1000, $0x38;
	[tilespmem:$0x1FF70] =	vst v63  }
0x1b3: {  	_ =	swait.ge [sflag:s25], $0x1000  }
0x1b4: {  	[sflag:s25] =	ssyncset.done $0x0  }
0x1b5: {  	[sflag:s25] =	ssyncadd.s32 $0xFFFFF000  }
0x1b6: {  	_ =	swait.ge [sflag:s25], $0x1000  }
0x1b7: {  	[sflag:s25] =	ssyncset.done $0x0  }
0x1b8: {  	[sflag:s25] =	ssyncadd.s32 $0xFFFFF000  }
0x1b9: {  	_ =	swait.ge [sflag:s29], $0x1000  }
0x1ba: {  	[sflag:s29] =	ssyncset.done $0x0  }
0x1bb: {  	s3 =	simm.s32 $0x1AFB0;
	[sflag:s29] =	ssyncadd.s32 $0xFFFFF000  }
0x1bc: {  	v0 =	vld [tilespmem:s3+$0x30]  }
0x1bd: {  	v1 =	vld [tilespmem:s3+$0xFFFFFFD0]  }
0x1be: {  	v2 =	vld [tilespmem:s3+$0xFFFFFFE0]  }
0x1bf: {  	v3 =	vld [tilespmem:s3+$0xFFFFFFF0]  }
0x1c0: {  	v5 =	vld [tilespmem:s3+$0x0]  }
0x1c1: {  	v6 =	vld [tilespmem:s3+$0x10]  }
0x1c2: {  	v7 =	vld [tilespmem:s3+$0x20]  }
0x1c3: {  	s31 =	simm.s32 $0x1CFB0;
	v8 =	vld [tilespmem:s3+$0xFFFFFFC0]  }
0x1c4: {  	v11 =	vld [tilespmem:s31+$0x30]  }
0x1c5: {  	v14 =	vld [tilespmem:s31+$0xFFFFFFD0]  }
0x1c6: {  	v9 =	vld [tilespmem:s31+$0xFFFFFFE0]  }
0x1c7: {  	v10 =	vld.idx.msk [tilespmem:v0+s19+$0x0], $0xffff  }
0x1c8: {  	v12 =	vld.idx.msk [tilespmem:v1+s19+$0x0], $0xffff  }
0x1c9: {  	v4 =	vld.idx.msk [tilespmem:v2+s19+$0x0], $0xffff  }
0x1ca: {  	v3 =	vld.idx.msk [tilespmem:v3+s19+$0x0], $0xffff  }
0x1cb: {  	v13 =	vld.idx.msk [tilespmem:v8+s19+$0x0], $0xffff  }
0x1cc: {  	v1 =	vld.idx.msk [tilespmem:v7+s19+$0x0], $0xffff  }
0x1cd: {  	v7 =	vld [tilespmem:s31+$0xFFFFFFC0]  }
0x1ce: {  	v2 =	vld.idx.msk [tilespmem:v5+s19+$0x0], $0xffff  }
0x1cf: {  	v0 =	vld.idx.msk [tilespmem:v6+s19+$0x0], $0xffff  }
0x1d0: {  	v8 =	vld [tilespmem:s31+$0xFFFFFFF0]  }
0x1d1: {  	v6 =	vld [tilespmem:s31+$0x0];
	v10 =	vadd.f32 v11, v10  }
0x1d2: {  	s1 =	simm.s32 $0x1EFB0;
	v5 =	vld [tilespmem:s31+$0x10];
	v11 =	vadd.f32 v7, v13  }
0x1d3: {  	s2 =	simm.s32 $0x0;
	s3 =	simm.s32 $0x1B030;
	v7 =	vld [tilespmem:s31+$0x20];
	[tilespmem:s1+$0x30] =	vst v10;
	v10 =	vadd.f32 v14, v12  }
.LBB2_12:
0x1d4: {  	v12 =	vld [tilespmem:s3+$0x30];
	s2 =	sadd.s32 $0x80, s2;
	[tilespmem:s1+$0xFFFFFFC0] =	vst v11;
	v4 =	vadd.f32 v9, v4  }
0x1d5: {  	v9 =	vld [tilespmem:s3+$0xFFFFFFD0];
	p1 =	slt.u32 s2, $0xF80;
	[tilespmem:s1+$0xFFFFFFD0] =	vst v10;
	v3 =	vadd.f32 v8, v3  }
0x1d6: {  	v8 =	vld [tilespmem:s3+$0xFFFFFFE0];
	[tilespmem:s1+$0xFFFFFFE0] =	vst v4;
	v2 =	vadd.f32 v6, v2  }
0x1d7: {  	v6 =	vld [tilespmem:s3+$0xFFFFFFF0];
	[tilespmem:s1+$0xFFFFFFF0] =	vst v3;
	v0 =	vadd.f32 v5, v0  }
0x1d8: {  	v5 =	vld [tilespmem:s3+$0x0];
	[tilespmem:s1+$0x0] =	vst v2;
	v1 =	vadd.f32 v7, v1  }
0x1d9: {  	v7 =	vld [tilespmem:s3+$0x10];
	[tilespmem:s1+$0x10] =	vst v0  }
0x1da: {  	v10 =	vld [tilespmem:s3+$0x20];
	[tilespmem:s1+$0x20] =	vst v1  }
0x1db: {  	v1 =	vld [tilespmem:s3+$0xFFFFFFC0]  }
0x1dc: {  	s31 =	sadd.s32 $0x80, s31;
	v11 =	vld.idx.msk [tilespmem:v12+s19+$0x0], $0xffff  }
0x1dd: {  	v12 =	vld [tilespmem:s31+$0x30]  }
0x1de: {  	v13 =	vld.idx.msk [tilespmem:v9+s19+$0x0], $0xffff  }
0x1df: {  	v4 =	vld.idx.msk [tilespmem:v8+s19+$0x0], $0xffff  }
0x1e0: {  	v3 =	vld.idx.msk [tilespmem:v6+s19+$0x0], $0xffff  }
0x1e1: {  	v2 =	vld.idx.msk [tilespmem:v5+s19+$0x0], $0xffff  }
0x1e2: {  	v0 =	vld.idx.msk [tilespmem:v7+s19+$0x0], $0xffff;
	v5 =	vadd.f32 v12, v11  }
0x1e3: {  	s1 =	sadd.s32 $0x80, s1;
	v7 =	vld.idx.msk [tilespmem:v1+s19+$0x0], $0xffff  }
0x1e4: {  	v1 =	vld.idx.msk [tilespmem:v10+s19+$0x0], $0xffff;
	[tilespmem:s1+$0x30] =	vst v5  }
0x1e5: {  	v5 =	vld [tilespmem:s31+$0xFFFFFFC0]  }
0x1e6: {  	v10 =	vld [tilespmem:s31+$0xFFFFFFD0]  }
.Ltmp5:
0x1e7: {  	v9 =	vld [tilespmem:s31+$0xFFFFFFE0];
	(pc) =	sbr.rel @p1 .LBB2_12-.Ltmp5, $4  }
0x1e8: {  	v8 =	vld [tilespmem:s31+$0xFFFFFFF0]  }
0x1e9: {  	v6 =	vld [tilespmem:s31+$0x0]  }
0x1ea: {  	v11 =	vadd.f32 v5, v7;
	v5 =	vld [tilespmem:s31+$0x10]  }
0x1eb: {  	s3 =	sadd.s32 $0x80, s3;
	v10 =	vadd.f32 v10, v13;
	v7 =	vld [tilespmem:s31+$0x20]  }
0x1ec: {  	[tilespmem:s1+$0xFFFFFFC0] =	vst v11;
	v4 =	vadd.f32 v9, v4  }
0x1ed: {  	[tilespmem:s1+$0xFFFFFFD0] =	vst v10;
	v3 =	vadd.f32 v8, v3  }
0x1ee: {  	[tilespmem:s1+$0xFFFFFFE0] =	vst v4;
	v2 =	vadd.f32 v6, v2  }
0x1ef: {  	[tilespmem:s1+$0xFFFFFFF0] =	vst v3;
	v0 =	vadd.f32 v5, v0  }
0x1f0: {  	[tilespmem:s1+$0x0] =	vst v2;
	v1 =	vadd.f32 v7, v1  }
0x1f1: {  	[tilespmem:s1+$0x10] =	vst v0  }
0x1f2: {  	[tilespmem:s1+$0x20] =	vst v1  }
0x1f3: {  	s1 =	rddreg [dreg:$0x16]  }
0x1f4: {  	[hbm4b:s1+s0] =	stream.linear.scatter [tilespmem:s26], [sflag:$0x4], $0x1000, $0x38;
	[tilespmem:$0x1FF70] =	vst v63  }
0x1f5: {  	s3 =	rddreg [dreg:$0x18]  }
0x1f6: {  	[tilespmem:s20], [sflag:$0x2] =	stream.linear.gather [hbm4b:s3+s0], $0x1000, $0x38;
	[tilespmem:$0x1FF70] =	vst v63  }
0x1f7: {  	s2 =	rddreg [dreg:$0x19]  }
0x1f8: {  	[tilespmem:s21], [sflag:$0x2] =	stream.linear.gather [hbm4b:s2+s0], $0x1000, $0x38;
	[tilespmem:$0x1FF70] =	vst v63  }
0x1f9: {  	_ =	swait.ge [sflag:s22], $0x1000  }
0x1fa: {  	[sflag:s22] =	ssyncset.done $0x0  }
0x1fb: {  	[sflag:s22] =	ssyncadd.s32 $0xFFFFF000  }
0x1fc: {  	_ =	swait.ge [sflag:s22], $0x1000  }
0x1fd: {  	[sflag:s22] =	ssyncset.done $0x0  }
0x1fe: {  	[sflag:s22] =	ssyncadd.s32 $0xFFFFF000  }
0x1ff: {  	_ =	swait.ge [sflag:s28], $0x1000  }
0x200: {  	[sflag:s28] =	ssyncset.done $0x0  }
0x201: {  	s3 =	simm.s32 $0x19FB0;
	[sflag:s28] =	ssyncadd.s32 $0xFFFFF000  }
0x202: {  	v0 =	vld [tilespmem:s3+$0x30]  }
0x203: {  	v1 =	vld [tilespmem:s3+$0xFFFFFFD0]  }
0x204: {  	v2 =	vld [tilespmem:s3+$0xFFFFFFE0]  }
0x205: {  	v3 =	vld [tilespmem:s3+$0xFFFFFFF0]  }
0x206: {  	v5 =	vld [tilespmem:s3+$0x0]  }
0x207: {  	v6 =	vld [tilespmem:s3+$0x10]  }
0x208: {  	v7 =	vld [tilespmem:s3+$0x20]  }
0x209: {  	s31 =	simm.s32 $0x1BFB0;
	v8 =	vld [tilespmem:s3+$0xFFFFFFC0]  }
0x20a: {  	v11 =	vld [tilespmem:s31+$0x30]  }
0x20b: {  	v14 =	vld [tilespmem:s31+$0xFFFFFFD0]  }
0x20c: {  	v9 =	vld [tilespmem:s31+$0xFFFFFFE0]  }
0x20d: {  	v10 =	vld.idx.msk [tilespmem:v0+s19+$0x0], $0xffff  }
0x20e: {  	v12 =	vld.idx.msk [tilespmem:v1+s19+$0x0], $0xffff  }
0x20f: {  	v4 =	vld.idx.msk [tilespmem:v2+s19+$0x0], $0xffff  }
0x210: {  	v3 =	vld.idx.msk [tilespmem:v3+s19+$0x0], $0xffff  }
0x211: {  	v13 =	vld.idx.msk [tilespmem:v8+s19+$0x0], $0xffff  }
0x212: {  	v1 =	vld.idx.msk [tilespmem:v7+s19+$0x0], $0xffff  }
0x213: {  	v7 =	vld [tilespmem:s31+$0xFFFFFFC0]  }
0x214: {  	v2 =	vld.idx.msk [tilespmem:v5+s19+$0x0], $0xffff  }
0x215: {  	v0 =	vld.idx.msk [tilespmem:v6+s19+$0x0], $0xffff  }
0x216: {  	v8 =	vld [tilespmem:s31+$0xFFFFFFF0]  }
0x217: {  	v6 =	vld [tilespmem:s31+$0x0];
	v10 =	vadd.f32 v11, v10  }
0x218: {  	s1 =	simm.s32 $0x1DFB0;
	v5 =	vld [tilespmem:s31+$0x10];
	v11 =	vadd.f32 v7, v13  }
0x219: {  	s2 =	simm.s32 $0x0;
	s3 =	simm.s32 $0x1A030;
	v7 =	vld [tilespmem:s31+$0x20];
	[tilespmem:s1+$0x30] =	vst v10;
	v10 =	vadd.f32 v14, v12  }
.LBB2_14:
0x21a: {  	v12 =	vld [tilespmem:s3+$0x30];
	s2 =	sadd.s32 $0x80, s2;
	[tilespmem:s1+$0xFFFFFFC0] =	vst v11;
	v4 =	vadd.f32 v9, v4  }
0x21b: {  	v9 =	vld [tilespmem:s3+$0xFFFFFFD0];
	p1 =	slt.u32 s2, $0xF80;
	[tilespmem:s1+$0xFFFFFFD0] =	vst v10;
	v3 =	vadd.f32 v8, v3  }
0x21c: {  	v8 =	vld [tilespmem:s3+$0xFFFFFFE0];
	[tilespmem:s1+$0xFFFFFFE0] =	vst v4;
	v2 =	vadd.f32 v6, v2  }
0x21d: {  	v6 =	vld [tilespmem:s3+$0xFFFFFFF0];
	[tilespmem:s1+$0xFFFFFFF0] =	vst v3;
	v0 =	vadd.f32 v5, v0  }
0x21e: {  	v5 =	vld [tilespmem:s3+$0x0];
	[tilespmem:s1+$0x0] =	vst v2;
	v1 =	vadd.f32 v7, v1  }
0x21f: {  	v7 =	vld [tilespmem:s3+$0x10];
	[tilespmem:s1+$0x10] =	vst v0  }
0x220: {  	v10 =	vld [tilespmem:s3+$0x20];
	[tilespmem:s1+$0x20] =	vst v1  }
0x221: {  	v1 =	vld [tilespmem:s3+$0xFFFFFFC0]  }
0x222: {  	s31 =	sadd.s32 $0x80, s31;
	v11 =	vld.idx.msk [tilespmem:v12+s19+$0x0], $0xffff  }
0x223: {  	v12 =	vld [tilespmem:s31+$0x30]  }
0x224: {  	v13 =	vld.idx.msk [tilespmem:v9+s19+$0x0], $0xffff  }
0x225: {  	v4 =	vld.idx.msk [tilespmem:v8+s19+$0x0], $0xffff  }
0x226: {  	v3 =	vld.idx.msk [tilespmem:v6+s19+$0x0], $0xffff  }
0x227: {  	v2 =	vld.idx.msk [tilespmem:v5+s19+$0x0], $0xffff  }
0x228: {  	v0 =	vld.idx.msk [tilespmem:v7+s19+$0x0], $0xffff;
	v5 =	vadd.f32 v12, v11  }
0x229: {  	s1 =	sadd.s32 $0x80, s1;
	v7 =	vld.idx.msk [tilespmem:v1+s19+$0x0], $0xffff  }
0x22a: {  	v1 =	vld.idx.msk [tilespmem:v10+s19+$0x0], $0xffff;
	[tilespmem:s1+$0x30] =	vst v5  }
0x22b: {  	v5 =	vld [tilespmem:s31+$0xFFFFFFC0]  }
0x22c: {  	v10 =	vld [tilespmem:s31+$0xFFFFFFD0]  }
.Ltmp6:
0x22d: {  	v9 =	vld [tilespmem:s31+$0xFFFFFFE0];
	(pc) =	sbr.rel @p1 .LBB2_14-.Ltmp6, $4  }
0x22e: {  	v8 =	vld [tilespmem:s31+$0xFFFFFFF0]  }
0x22f: {  	v6 =	vld [tilespmem:s31+$0x0]  }
0x230: {  	v11 =	vadd.f32 v5, v7;
	v5 =	vld [tilespmem:s31+$0x10]  }
0x231: {  	s3 =	sadd.s32 $0x80, s3;
	v10 =	vadd.f32 v10, v13;
	v7 =	vld [tilespmem:s31+$0x20]  }
0x232: {  	[tilespmem:s1+$0xFFFFFFC0] =	vst v11;
	v4 =	vadd.f32 v9, v4  }
0x233: {  	[tilespmem:s1+$0xFFFFFFD0] =	vst v10;
	v3 =	vadd.f32 v8, v3  }
0x234: {  	[tilespmem:s1+$0xFFFFFFE0] =	vst v4;
	v2 =	vadd.f32 v6, v2  }
0x235: {  	[tilespmem:s1+$0xFFFFFFF0] =	vst v3;
	v0 =	vadd.f32 v5, v0  }
0x236: {  	[tilespmem:s1+$0x0] =	vst v2;
	v1 =	vadd.f32 v7, v1  }
0x237: {  	[tilespmem:s1+$0x10] =	vst v0  }
0x238: {  	[tilespmem:s1+$0x20] =	vst v1  }
0x239: {  	s1 =	rddreg [dreg:$0x17]  }
0x23a: {  	[hbm4b:s1+s0] =	stream.linear.scatter [tilespmem:s24], [sflag:$0x3], $0x1000, $0x38;
	[tilespmem:$0x1FF70] =	vst v63  }
0x23b: {  	s3 =	rddreg [dreg:$0x1b]  }
0x23c: {  	[tilespmem:s17], [sflag:$0x1] =	stream.linear.gather [hbm4b:s3+s0], $0x1000, $0x38;
	[tilespmem:$0x1FF70] =	vst v63  }
0x23d: {  	s2 =	rddreg [dreg:$0x1c]  }
0x23e: {  	[tilespmem:s18], [sflag:$0x1] =	stream.linear.gather [hbm4b:s2+s0], $0x1000, $0x38;
	[tilespmem:$0x1FF70] =	vst v63  }
0x23f: {  	_ =	swait.ge [sflag:s25], $0x1000  }
0x240: {  	[sflag:s25] =	ssyncset.done $0x0  }
0x241: {  	[sflag:s25] =	ssyncadd.s32 $0xFFFFF000  }
0x242: {  	_ =	swait.ge [sflag:s25], $0x1000  }
0x243: {  	[sflag:s25] =	ssyncset.done $0x0  }
0x244: {  	[sflag:s25] =	ssyncadd.s32 $0xFFFFF000  }
0x245: {  	_ =	swait.ge [sflag:s29], $0x1000  }
0x246: {  	[sflag:s29] =	ssyncset.done $0x0  }
0x247: {  	s3 =	simm.s32 $0x1AFB0;
	[sflag:s29] =	ssyncadd.s32 $0xFFFFF000  }
0x248: {  	v0 =	vld [tilespmem:s3+$0x30]  }
0x249: {  	v1 =	vld [tilespmem:s3+$0xFFFFFFD0]  }
0x24a: {  	v2 =	vld [tilespmem:s3+$0xFFFFFFE0]  }
0x24b: {  	v3 =	vld [tilespmem:s3+$0xFFFFFFF0]  }
0x24c: {  	v5 =	vld [tilespmem:s3+$0x0]  }
0x24d: {  	v6 =	vld [tilespmem:s3+$0x10]  }
0x24e: {  	v7 =	vld [tilespmem:s3+$0x20]  }
0x24f: {  	s31 =	simm.s32 $0x1CFB0;
	v8 =	vld [tilespmem:s3+$0xFFFFFFC0]  }
0x250: {  	v11 =	vld [tilespmem:s31+$0x30]  }
0x251: {  	v14 =	vld [tilespmem:s31+$0xFFFFFFD0]  }
0x252: {  	v9 =	vld [tilespmem:s31+$0xFFFFFFE0]  }
0x253: {  	v10 =	vld.idx.msk [tilespmem:v0+s19+$0x0], $0xffff  }
0x254: {  	v12 =	vld.idx.msk [tilespmem:v1+s19+$0x0], $0xffff  }
0x255: {  	v4 =	vld.idx.msk [tilespmem:v2+s19+$0x0], $0xffff  }
0x256: {  	v3 =	vld.idx.msk [tilespmem:v3+s19+$0x0], $0xffff  }
0x257: {  	v13 =	vld.idx.msk [tilespmem:v8+s19+$0x0], $0xffff  }
0x258: {  	v1 =	vld.idx.msk [tilespmem:v7+s19+$0x0], $0xffff  }
0x259: {  	v7 =	vld [tilespmem:s31+$0xFFFFFFC0]  }
0x25a: {  	v2 =	vld.idx.msk [tilespmem:v5+s19+$0x0], $0xffff  }
0x25b: {  	v0 =	vld.idx.msk [tilespmem:v6+s19+$0x0], $0xffff  }
0x25c: {  	v8 =	vld [tilespmem:s31+$0xFFFFFFF0]  }
0x25d: {  	v6 =	vld [tilespmem:s31+$0x0];
	v10 =	vadd.f32 v11, v10  }
0x25e: {  	s1 =	simm.s32 $0x1EFB0;
	v5 =	vld [tilespmem:s31+$0x10];
	v11 =	vadd.f32 v7, v13  }
0x25f: {  	s2 =	simm.s32 $0x0;
	s3 =	simm.s32 $0x1B030;
	v7 =	vld [tilespmem:s31+$0x20];
	[tilespmem:s1+$0x30] =	vst v10;
	v10 =	vadd.f32 v14, v12  }
.LBB2_16:
0x260: {  	v12 =	vld [tilespmem:s3+$0x30];
	s2 =	sadd.s32 $0x80, s2;
	[tilespmem:s1+$0xFFFFFFC0] =	vst v11;
	v4 =	vadd.f32 v9, v4  }
0x261: {  	v9 =	vld [tilespmem:s3+$0xFFFFFFD0];
	p1 =	slt.u32 s2, $0xF80;
	[tilespmem:s1+$0xFFFFFFD0] =	vst v10;
	v3 =	vadd.f32 v8, v3  }
0x262: {  	v8 =	vld [tilespmem:s3+$0xFFFFFFE0];
	[tilespmem:s1+$0xFFFFFFE0] =	vst v4;
	v2 =	vadd.f32 v6, v2  }
0x263: {  	v6 =	vld [tilespmem:s3+$0xFFFFFFF0];
	[tilespmem:s1+$0xFFFFFFF0] =	vst v3;
	v0 =	vadd.f32 v5, v0  }
0x264: {  	v5 =	vld [tilespmem:s3+$0x0];
	[tilespmem:s1+$0x0] =	vst v2;
	v1 =	vadd.f32 v7, v1  }
0x265: {  	v7 =	vld [tilespmem:s3+$0x10];
	[tilespmem:s1+$0x10] =	vst v0  }
0x266: {  	v10 =	vld [tilespmem:s3+$0x20];
	[tilespmem:s1+$0x20] =	vst v1  }
0x267: {  	v1 =	vld [tilespmem:s3+$0xFFFFFFC0]  }
0x268: {  	s31 =	sadd.s32 $0x80, s31;
	v11 =	vld.idx.msk [tilespmem:v12+s19+$0x0], $0xffff  }
0x269: {  	v12 =	vld [tilespmem:s31+$0x30]  }
0x26a: {  	v13 =	vld.idx.msk [tilespmem:v9+s19+$0x0], $0xffff  }
0x26b: {  	v4 =	vld.idx.msk [tilespmem:v8+s19+$0x0], $0xffff  }
0x26c: {  	v3 =	vld.idx.msk [tilespmem:v6+s19+$0x0], $0xffff  }
0x26d: {  	v2 =	vld.idx.msk [tilespmem:v5+s19+$0x0], $0xffff  }
0x26e: {  	v0 =	vld.idx.msk [tilespmem:v7+s19+$0x0], $0xffff;
	v5 =	vadd.f32 v12, v11  }
0x26f: {  	s1 =	sadd.s32 $0x80, s1;
	v7 =	vld.idx.msk [tilespmem:v1+s19+$0x0], $0xffff  }
0x270: {  	v1 =	vld.idx.msk [tilespmem:v10+s19+$0x0], $0xffff;
	[tilespmem:s1+$0x30] =	vst v5  }
0x271: {  	v5 =	vld [tilespmem:s31+$0xFFFFFFC0]  }
0x272: {  	v10 =	vld [tilespmem:s31+$0xFFFFFFD0]  }
.Ltmp7:
0x273: {  	v9 =	vld [tilespmem:s31+$0xFFFFFFE0];
	(pc) =	sbr.rel @p1 .LBB2_16-.Ltmp7, $4  }
0x274: {  	v8 =	vld [tilespmem:s31+$0xFFFFFFF0]  }
0x275: {  	v6 =	vld [tilespmem:s31+$0x0]  }
0x276: {  	v11 =	vadd.f32 v5, v7;
	v5 =	vld [tilespmem:s31+$0x10]  }
0x277: {  	s3 =	sadd.s32 $0x80, s3;
	v10 =	vadd.f32 v10, v13;
	v7 =	vld [tilespmem:s31+$0x20]  }
0x278: {  	[tilespmem:s1+$0xFFFFFFC0] =	vst v11;
	v4 =	vadd.f32 v9, v4  }
0x279: {  	[tilespmem:s1+$0xFFFFFFD0] =	vst v10;
	v3 =	vadd.f32 v8, v3  }
0x27a: {  	[tilespmem:s1+$0xFFFFFFE0] =	vst v4;
	v2 =	vadd.f32 v6, v2  }
0x27b: {  	[tilespmem:s1+$0xFFFFFFF0] =	vst v3;
	v0 =	vadd.f32 v5, v0  }
0x27c: {  	[tilespmem:s1+$0x0] =	vst v2;
	v1 =	vadd.f32 v7, v1  }
0x27d: {  	[tilespmem:s1+$0x10] =	vst v0  }
0x27e: {  	[tilespmem:s1+$0x20] =	vst v1  }
0x27f: {  	s1 =	rddreg [dreg:$0x1a]  }
0x280: {  	[hbm4b:s1+s0] =	stream.linear.scatter [tilespmem:s26], [sflag:$0x4], $0x1000, $0x38;
	[tilespmem:$0x1FF70] =	vst v63  }
0x281: {  	s3 =	rddreg [dreg:$0x1e]  }
0x282: {  	[tilespmem:s20], [sflag:$0x2] =	stream.linear.gather [hbm4b:s3+s0], $0x1000, $0x38;
	[tilespmem:$0x1FF70] =	vst v63  }
0x283: {  	s2 =	rddreg [dreg:$0x1f]  }
0x284: {  	[tilespmem:s21], [sflag:$0x2] =	stream.linear.gather [hbm4b:s2+s0], $0x1000, $0x38;
	[tilespmem:$0x1FF70] =	vst v63  }
0x285: {  	_ =	swait.ge [sflag:s22], $0x1000  }
0x286: {  	[sflag:s22] =	ssyncset.done $0x0  }
0x287: {  	[sflag:s22] =	ssyncadd.s32 $0xFFFFF000  }
0x288: {  	_ =	swait.ge [sflag:s22], $0x1000  }
0x289: {  	[sflag:s22] =	ssyncset.done $0x0  }
0x28a: {  	[sflag:s22] =	ssyncadd.s32 $0xFFFFF000  }
0x28b: {  	_ =	swait.ge [sflag:s28], $0x1000  }
0x28c: {  	[sflag:s28] =	ssyncset.done $0x0  }
0x28d: {  	s3 =	simm.s32 $0x19FB0;
	[sflag:s28] =	ssyncadd.s32 $0xFFFFF000  }
0x28e: {  	v0 =	vld [tilespmem:s3+$0x30]  }
0x28f: {  	v1 =	vld [tilespmem:s3+$0xFFFFFFD0]  }
0x290: {  	v2 =	vld [tilespmem:s3+$0xFFFFFFE0]  }
0x291: {  	v3 =	vld [tilespmem:s3+$0xFFFFFFF0]  }
0x292: {  	v5 =	vld [tilespmem:s3+$0x0]  }
0x293: {  	v6 =	vld [tilespmem:s3+$0x10]  }
0x294: {  	v7 =	vld [tilespmem:s3+$0x20]  }
0x295: {  	s31 =	simm.s32 $0x1BFB0;
	v8 =	vld [tilespmem:s3+$0xFFFFFFC0]  }
0x296: {  	v11 =	vld [tilespmem:s31+$0x30]  }
0x297: {  	v14 =	vld [tilespmem:s31+$0xFFFFFFD0]  }
0x298: {  	v9 =	vld [tilespmem:s31+$0xFFFFFFE0]  }
0x299: {  	v10 =	vld.idx.msk [tilespmem:v0+s19+$0x0], $0xffff  }
0x29a: {  	v12 =	vld.idx.msk [tilespmem:v1+s19+$0x0], $0xffff  }
0x29b: {  	v4 =	vld.idx.msk [tilespmem:v2+s19+$0x0], $0xffff  }
0x29c: {  	v3 =	vld.idx.msk [tilespmem:v3+s19+$0x0], $0xffff  }
0x29d: {  	v13 =	vld.idx.msk [tilespmem:v8+s19+$0x0], $0xffff  }
0x29e: {  	v1 =	vld.idx.msk [tilespmem:v7+s19+$0x0], $0xffff  }
0x29f: {  	v7 =	vld [tilespmem:s31+$0xFFFFFFC0]  }
0x2a0: {  	v2 =	vld.idx.msk [tilespmem:v5+s19+$0x0], $0xffff  }
0x2a1: {  	v0 =	vld.idx.msk [tilespmem:v6+s19+$0x0], $0xffff  }
0x2a2: {  	v8 =	vld [tilespmem:s31+$0xFFFFFFF0]  }
0x2a3: {  	v6 =	vld [tilespmem:s31+$0x0];
	v10 =	vadd.f32 v11, v10  }
0x2a4: {  	s1 =	simm.s32 $0x1DFB0;
	v5 =	vld [tilespmem:s31+$0x10];
	v11 =	vadd.f32 v7, v13  }
0x2a5: {  	s2 =	simm.s32 $0x0;
	s3 =	simm.s32 $0x1A030;
	v7 =	vld [tilespmem:s31+$0x20];
	[tilespmem:s1+$0x30] =	vst v10;
	v10 =	vadd.f32 v14, v12  }
.LBB2_18:
0x2a6: {  	v12 =	vld [tilespmem:s3+$0x30];
	s2 =	sadd.s32 $0x80, s2;
	[tilespmem:s1+$0xFFFFFFC0] =	vst v11;
	v4 =	vadd.f32 v9, v4  }
0x2a7: {  	v9 =	vld [tilespmem:s3+$0xFFFFFFD0];
	p1 =	slt.u32 s2, $0xF80;
	[tilespmem:s1+$0xFFFFFFD0] =	vst v10;
	v3 =	vadd.f32 v8, v3  }
0x2a8: {  	v8 =	vld [tilespmem:s3+$0xFFFFFFE0];
	[tilespmem:s1+$0xFFFFFFE0] =	vst v4;
	v2 =	vadd.f32 v6, v2  }
0x2a9: {  	v6 =	vld [tilespmem:s3+$0xFFFFFFF0];
	[tilespmem:s1+$0xFFFFFFF0] =	vst v3;
	v0 =	vadd.f32 v5, v0  }
0x2aa: {  	v5 =	vld [tilespmem:s3+$0x0];
	[tilespmem:s1+$0x0] =	vst v2;
	v1 =	vadd.f32 v7, v1  }
0x2ab: {  	v7 =	vld [tilespmem:s3+$0x10];
	[tilespmem:s1+$0x10] =	vst v0  }
0x2ac: {  	v10 =	vld [tilespmem:s3+$0x20];
	[tilespmem:s1+$0x20] =	vst v1  }
0x2ad: {  	v1 =	vld [tilespmem:s3+$0xFFFFFFC0]  }
0x2ae: {  	s31 =	sadd.s32 $0x80, s31;
	v11 =	vld.idx.msk [tilespmem:v12+s19+$0x0], $0xffff  }
0x2af: {  	v12 =	vld [tilespmem:s31+$0x30]  }
0x2b0: {  	v13 =	vld.idx.msk [tilespmem:v9+s19+$0x0], $0xffff  }
0x2b1: {  	v4 =	vld.idx.msk [tilespmem:v8+s19+$0x0], $0xffff  }
0x2b2: {  	v3 =	vld.idx.msk [tilespmem:v6+s19+$0x0], $0xffff  }
0x2b3: {  	v2 =	vld.idx.msk [tilespmem:v5+s19+$0x0], $0xffff  }
0x2b4: {  	v0 =	vld.idx.msk [tilespmem:v7+s19+$0x0], $0xffff;
	v5 =	vadd.f32 v12, v11  }
0x2b5: {  	s1 =	sadd.s32 $0x80, s1;
	v7 =	vld.idx.msk [tilespmem:v1+s19+$0x0], $0xffff  }
0x2b6: {  	v1 =	vld.idx.msk [tilespmem:v10+s19+$0x0], $0xffff;
	[tilespmem:s1+$0x30] =	vst v5  }
0x2b7: {  	v5 =	vld [tilespmem:s31+$0xFFFFFFC0]  }
0x2b8: {  	v10 =	vld [tilespmem:s31+$0xFFFFFFD0]  }
.Ltmp8:
0x2b9: {  	v9 =	vld [tilespmem:s31+$0xFFFFFFE0];
	(pc) =	sbr.rel @p1 .LBB2_18-.Ltmp8, $4  }
0x2ba: {  	v8 =	vld [tilespmem:s31+$0xFFFFFFF0]  }
0x2bb: {  	v6 =	vld [tilespmem:s31+$0x0]  }
0x2bc: {  	v11 =	vadd.f32 v5, v7;
	v5 =	vld [tilespmem:s31+$0x10]  }
0x2bd: {  	s3 =	sadd.s32 $0x80, s3;
	v10 =	vadd.f32 v10, v13;
	v7 =	vld [tilespmem:s31+$0x20]  }
0x2be: {  	[tilespmem:s1+$0xFFFFFFC0] =	vst v11;
	v4 =	vadd.f32 v9, v4  }
0x2bf: {  	[tilespmem:s1+$0xFFFFFFD0] =	vst v10;
	v3 =	vadd.f32 v8, v3  }
0x2c0: {  	[tilespmem:s1+$0xFFFFFFE0] =	vst v4;
	v2 =	vadd.f32 v6, v2  }
0x2c1: {  	[tilespmem:s1+$0xFFFFFFF0] =	vst v3;
	v0 =	vadd.f32 v5, v0  }
0x2c2: {  	[tilespmem:s1+$0x0] =	vst v2;
	v1 =	vadd.f32 v7, v1  }
0x2c3: {  	[tilespmem:s1+$0x10] =	vst v0  }
0x2c4: {  	[tilespmem:s1+$0x20] =	vst v1  }
0x2c5: {  	s1 =	rddreg [dreg:$0x1d]  }
0x2c6: {  	s3 =	sld [smem:$0x7DA]  }
0x2c7: {  	[hbm4b:s1+s0] =	stream.linear.scatter [tilespmem:s24], [sflag:$0x3], $0x1000, $0x38;
	[tilespmem:$0x1FF70] =	vst v63  }
0x2c8: {  	s2 =	sld [smem:$0x7DB]  }
0x2c9: {  	[tilespmem:s17], [sflag:$0x1] =	stream.linear.gather [hbm4b:s3+s0], $0x1000, $0x38;
	[tilespmem:$0x1FF70] =	vst v63  }
0x2ca: {  	_ = 	snop  }
0x2cb: {  	[tilespmem:s18], [sflag:$0x1] =	stream.linear.gather [hbm4b:s2+s0], $0x1000, $0x38;
	[tilespmem:$0x1FF70] =	vst v63  }
0x2cc: {  	_ =	swait.ge [sflag:s25], $0x1000  }
0x2cd: {  	[sflag:s25] =	ssyncset.done $0x0  }
0x2ce: {  	[sflag:s25] =	ssyncadd.s32 $0xFFFFF000  }
0x2cf: {  	_ =	swait.ge [sflag:s25], $0x1000  }
0x2d0: {  	[sflag:s25] =	ssyncset.done $0x0  }
0x2d1: {  	[sflag:s25] =	ssyncadd.s32 $0xFFFFF000  }
0x2d2: {  	_ =	swait.ge [sflag:s29], $0x1000  }
0x2d3: {  	[sflag:s29] =	ssyncset.done $0x0  }
0x2d4: {  	s3 =	simm.s32 $0x1AFB0;
	[sflag:s29] =	ssyncadd.s32 $0xFFFFF000  }
0x2d5: {  	v0 =	vld [tilespmem:s3+$0x30]  }
0x2d6: {  	v1 =	vld [tilespmem:s3+$0xFFFFFFD0]  }
0x2d7: {  	v2 =	vld [tilespmem:s3+$0xFFFFFFE0]  }
0x2d8: {  	v3 =	vld [tilespmem:s3+$0xFFFFFFF0]  }
0x2d9: {  	v5 =	vld [tilespmem:s3+$0x0]  }
0x2da: {  	v6 =	vld [tilespmem:s3+$0x10]  }
0x2db: {  	v7 =	vld [tilespmem:s3+$0x20]  }
0x2dc: {  	s31 =	simm.s32 $0x1CFB0;
	v8 =	vld [tilespmem:s3+$0xFFFFFFC0]  }
0x2dd: {  	v11 =	vld [tilespmem:s31+$0x30]  }
0x2de: {  	v14 =	vld [tilespmem:s31+$0xFFFFFFD0]  }
0x2df: {  	v9 =	vld [tilespmem:s31+$0xFFFFFFE0]  }
0x2e0: {  	v10 =	vld.idx.msk [tilespmem:v0+s19+$0x0], $0xffff  }
0x2e1: {  	v12 =	vld.idx.msk [tilespmem:v1+s19+$0x0], $0xffff  }
0x2e2: {  	v4 =	vld.idx.msk [tilespmem:v2+s19+$0x0], $0xffff  }
0x2e3: {  	v3 =	vld.idx.msk [tilespmem:v3+s19+$0x0], $0xffff  }
0x2e4: {  	v13 =	vld.idx.msk [tilespmem:v8+s19+$0x0], $0xffff  }
0x2e5: {  	v1 =	vld.idx.msk [tilespmem:v7+s19+$0x0], $0xffff  }
0x2e6: {  	v7 =	vld [tilespmem:s31+$0xFFFFFFC0]  }
0x2e7: {  	v2 =	vld.idx.msk [tilespmem:v5+s19+$0x0], $0xffff  }
0x2e8: {  	v0 =	vld.idx.msk [tilespmem:v6+s19+$0x0], $0xffff  }
0x2e9: {  	v8 =	vld [tilespmem:s31+$0xFFFFFFF0]  }
0x2ea: {  	v6 =	vld [tilespmem:s31+$0x0];
	v10 =	vadd.f32 v11, v10  }
0x2eb: {  	s1 =	simm.s32 $0x1EFB0;
	v5 =	vld [tilespmem:s31+$0x10];
	v11 =	vadd.f32 v7, v13  }
0x2ec: {  	s2 =	simm.s32 $0x0;
	s3 =	simm.s32 $0x1B030;
	v7 =	vld [tilespmem:s31+$0x20];
	[tilespmem:s1+$0x30] =	vst v10;
	v10 =	vadd.f32 v14, v12  }
.LBB2_20:
0x2ed: {  	v12 =	vld [tilespmem:s3+$0x30];
	s2 =	sadd.s32 $0x80, s2;
	[tilespmem:s1+$0xFFFFFFC0] =	vst v11;
	v4 =	vadd.f32 v9, v4  }
0x2ee: {  	v9 =	vld [tilespmem:s3+$0xFFFFFFD0];
	p1 =	slt.u32 s2, $0xF80;
	[tilespmem:s1+$0xFFFFFFD0] =	vst v10;
	v3 =	vadd.f32 v8, v3  }
0x2ef: {  	v8 =	vld [tilespmem:s3+$0xFFFFFFE0];
	[tilespmem:s1+$0xFFFFFFE0] =	vst v4;
	v2 =	vadd.f32 v6, v2  }
0x2f0: {  	v6 =	vld [tilespmem:s3+$0xFFFFFFF0];
	[tilespmem:s1+$0xFFFFFFF0] =	vst v3;
	v0 =	vadd.f32 v5, v0  }
0x2f1: {  	v5 =	vld [tilespmem:s3+$0x0];
	[tilespmem:s1+$0x0] =	vst v2;
	v1 =	vadd.f32 v7, v1  }
0x2f2: {  	v7 =	vld [tilespmem:s3+$0x10];
	[tilespmem:s1+$0x10] =	vst v0  }
0x2f3: {  	v10 =	vld [tilespmem:s3+$0x20];
	[tilespmem:s1+$0x20] =	vst v1  }
0x2f4: {  	v1 =	vld [tilespmem:s3+$0xFFFFFFC0]  }
0x2f5: {  	s31 =	sadd.s32 $0x80, s31;
	v11 =	vld.idx.msk [tilespmem:v12+s19+$0x0], $0xffff  }
0x2f6: {  	v12 =	vld [tilespmem:s31+$0x30]  }
0x2f7: {  	v13 =	vld.idx.msk [tilespmem:v9+s19+$0x0], $0xffff  }
0x2f8: {  	v4 =	vld.idx.msk [tilespmem:v8+s19+$0x0], $0xffff  }
0x2f9: {  	v3 =	vld.idx.msk [tilespmem:v6+s19+$0x0], $0xffff  }
0x2fa: {  	v2 =	vld.idx.msk [tilespmem:v5+s19+$0x0], $0xffff  }
0x2fb: {  	v0 =	vld.idx.msk [tilespmem:v7+s19+$0x0], $0xffff;
	v5 =	vadd.f32 v12, v11  }
0x2fc: {  	s1 =	sadd.s32 $0x80, s1;
	v7 =	vld.idx.msk [tilespmem:v1+s19+$0x0], $0xffff  }
0x2fd: {  	v1 =	vld.idx.msk [tilespmem:v10+s19+$0x0], $0xffff;
	[tilespmem:s1+$0x30] =	vst v5  }
0x2fe: {  	v5 =	vld [tilespmem:s31+$0xFFFFFFC0]  }
0x2ff: {  	v10 =	vld [tilespmem:s31+$0xFFFFFFD0]  }
.Ltmp9:
0x300: {  	v9 =	vld [tilespmem:s31+$0xFFFFFFE0];
	(pc) =	sbr.rel @p1 .LBB2_20-.Ltmp9, $4  }
0x301: {  	v8 =	vld [tilespmem:s31+$0xFFFFFFF0]  }
0x302: {  	v6 =	vld [tilespmem:s31+$0x0]  }
0x303: {  	v11 =	vadd.f32 v5, v7;
	v5 =	vld [tilespmem:s31+$0x10]  }
0x304: {  	s3 =	sadd.s32 $0x80, s3;
	v10 =	vadd.f32 v10, v13;
	v7 =	vld [tilespmem:s31+$0x20]  }
0x305: {  	[tilespmem:s1+$0xFFFFFFC0] =	vst v11;
	v4 =	vadd.f32 v9, v4  }
0x306: {  	[tilespmem:s1+$0xFFFFFFD0] =	vst v10;
	v3 =	vadd.f32 v8, v3  }
0x307: {  	[tilespmem:s1+$0xFFFFFFE0] =	vst v4;
	v2 =	vadd.f32 v6, v2  }
0x308: {  	[tilespmem:s1+$0xFFFFFFF0] =	vst v3;
	v0 =	vadd.f32 v5, v0  }
0x309: {  	[tilespmem:s1+$0x0] =	vst v2;
	v1 =	vadd.f32 v7, v1  }
0x30a: {  	[tilespmem:s1+$0x10] =	vst v0  }
0x30b: {  	[tilespmem:s1+$0x20] =	vst v1  }
0x30c: {  	s1 =	sld [smem:$0x7D9];
	_ =	sdelay $0x1  }
0x30d: {  	s3 =	sld [smem:$0x7DD]  }
0x30e: {  	[hbm4b:s1+s0] =	stream.linear.scatter [tilespmem:s26], [sflag:$0x4], $0x1000, $0x38;
	[tilespmem:$0x1FF70] =	vst v63  }
0x30f: {  	s2 =	sld [smem:$0x7DE]  }
0x310: {  	[tilespmem:s20], [sflag:$0x2] =	stream.linear.gather [hbm4b:s3+s0], $0x1000, $0x38;
	[tilespmem:$0x1FF70] =	vst v63  }
0x311: {  	_ = 	snop  }
0x312: {  	[tilespmem:s21], [sflag:$0x2] =	stream.linear.gather [hbm4b:s2+s0], $0x1000, $0x38;
	[tilespmem:$0x1FF70] =	vst v63  }
0x313: {  	_ =	swait.ge [sflag:s22], $0x1000  }
0x314: {  	[sflag:s22] =	ssyncset.done $0x0  }
0x315: {  	[sflag:s22] =	ssyncadd.s32 $0xFFFFF000  }
0x316: {  	_ =	swait.ge [sflag:s22], $0x1000  }
0x317: {  	[sflag:s22] =	ssyncset.done $0x0  }
0x318: {  	[sflag:s22] =	ssyncadd.s32 $0xFFFFF000  }
0x319: {  	_ =	swait.ge [sflag:s28], $0x1000  }
0x31a: {  	[sflag:s28] =	ssyncset.done $0x0  }
0x31b: {  	s3 =	simm.s32 $0x19FB0;
	[sflag:s28] =	ssyncadd.s32 $0xFFFFF000  }
0x31c: {  	v0 =	vld [tilespmem:s3+$0x30]  }
0x31d: {  	v1 =	vld [tilespmem:s3+$0xFFFFFFD0]  }
0x31e: {  	v2 =	vld [tilespmem:s3+$0xFFFFFFE0]  }
0x31f: {  	v3 =	vld [tilespmem:s3+$0xFFFFFFF0]  }
0x320: {  	v5 =	vld [tilespmem:s3+$0x0]  }
0x321: {  	v6 =	vld [tilespmem:s3+$0x10]  }
0x322: {  	v7 =	vld [tilespmem:s3+$0x20]  }
0x323: {  	s31 =	simm.s32 $0x1BFB0;
	v8 =	vld [tilespmem:s3+$0xFFFFFFC0]  }
0x324: {  	v11 =	vld [tilespmem:s31+$0x30]  }
0x325: {  	v14 =	vld [tilespmem:s31+$0xFFFFFFD0]  }
0x326: {  	v9 =	vld [tilespmem:s31+$0xFFFFFFE0]  }
0x327: {  	v10 =	vld.idx.msk [tilespmem:v0+s19+$0x0], $0xffff  }
0x328: {  	v12 =	vld.idx.msk [tilespmem:v1+s19+$0x0], $0xffff  }
0x329: {  	v4 =	vld.idx.msk [tilespmem:v2+s19+$0x0], $0xffff  }
0x32a: {  	v3 =	vld.idx.msk [tilespmem:v3+s19+$0x0], $0xffff  }
0x32b: {  	v13 =	vld.idx.msk [tilespmem:v8+s19+$0x0], $0xffff  }
0x32c: {  	v1 =	vld.idx.msk [tilespmem:v7+s19+$0x0], $0xffff  }
0x32d: {  	v7 =	vld [tilespmem:s31+$0xFFFFFFC0]  }
0x32e: {  	v2 =	vld.idx.msk [tilespmem:v5+s19+$0x0], $0xffff  }
0x32f: {  	v0 =	vld.idx.msk [tilespmem:v6+s19+$0x0], $0xffff  }
0x330: {  	v8 =	vld [tilespmem:s31+$0xFFFFFFF0]  }
0x331: {  	v6 =	vld [tilespmem:s31+$0x0];
	v10 =	vadd.f32 v11, v10  }
0x332: {  	s1 =	simm.s32 $0x1DFB0;
	v5 =	vld [tilespmem:s31+$0x10];
	v11 =	vadd.f32 v7, v13  }
0x333: {  	s2 =	simm.s32 $0x0;
	s3 =	simm.s32 $0x1A030;
	v7 =	vld [tilespmem:s31+$0x20];
	[tilespmem:s1+$0x30] =	vst v10;
	v10 =	vadd.f32 v14, v12  }
.LBB2_22:
0x334: {  	v12 =	vld [tilespmem:s3+$0x30];
	s2 =	sadd.s32 $0x80, s2;
	[tilespmem:s1+$0xFFFFFFC0] =	vst v11;
	v4 =	vadd.f32 v9, v4  }
0x335: {  	v9 =	vld [tilespmem:s3+$0xFFFFFFD0];
	p1 =	slt.u32 s2, $0xF80;
	[tilespmem:s1+$0xFFFFFFD0] =	vst v10;
	v3 =	vadd.f32 v8, v3  }
0x336: {  	v8 =	vld [tilespmem:s3+$0xFFFFFFE0];
	[tilespmem:s1+$0xFFFFFFE0] =	vst v4;
	v2 =	vadd.f32 v6, v2  }
0x337: {  	v6 =	vld [tilespmem:s3+$0xFFFFFFF0];
	[tilespmem:s1+$0xFFFFFFF0] =	vst v3;
	v0 =	vadd.f32 v5, v0  }
0x338: {  	v5 =	vld [tilespmem:s3+$0x0];
	[tilespmem:s1+$0x0] =	vst v2;
	v1 =	vadd.f32 v7, v1  }
0x339: {  	v7 =	vld [tilespmem:s3+$0x10];
	[tilespmem:s1+$0x10] =	vst v0  }
0x33a: {  	v10 =	vld [tilespmem:s3+$0x20];
	[tilespmem:s1+$0x20] =	vst v1  }
0x33b: {  	v1 =	vld [tilespmem:s3+$0xFFFFFFC0]  }
0x33c: {  	s31 =	sadd.s32 $0x80, s31;
	v11 =	vld.idx.msk [tilespmem:v12+s19+$0x0], $0xffff  }
0x33d: {  	v12 =	vld [tilespmem:s31+$0x30]  }
0x33e: {  	v13 =	vld.idx.msk [tilespmem:v9+s19+$0x0], $0xffff  }
0x33f: {  	v4 =	vld.idx.msk [tilespmem:v8+s19+$0x0], $0xffff  }
0x340: {  	v3 =	vld.idx.msk [tilespmem:v6+s19+$0x0], $0xffff  }
0x341: {  	v2 =	vld.idx.msk [tilespmem:v5+s19+$0x0], $0xffff  }
0x342: {  	v0 =	vld.idx.msk [tilespmem:v7+s19+$0x0], $0xffff;
	v5 =	vadd.f32 v12, v11  }
0x343: {  	s1 =	sadd.s32 $0x80, s1;
	v7 =	vld.idx.msk [tilespmem:v1+s19+$0x0], $0xffff  }
0x344: {  	v1 =	vld.idx.msk [tilespmem:v10+s19+$0x0], $0xffff;
	[tilespmem:s1+$0x30] =	vst v5  }
0x345: {  	v5 =	vld [tilespmem:s31+$0xFFFFFFC0]  }
0x346: {  	v10 =	vld [tilespmem:s31+$0xFFFFFFD0]  }
.Ltmp10:
0x347: {  	v9 =	vld [tilespmem:s31+$0xFFFFFFE0];
	(pc) =	sbr.rel @p1 .LBB2_22-.Ltmp10, $4  }
0x348: {  	v8 =	vld [tilespmem:s31+$0xFFFFFFF0]  }
0x349: {  	v6 =	vld [tilespmem:s31+$0x0]  }
0x34a: {  	v11 =	vadd.f32 v5, v7;
	v5 =	vld [tilespmem:s31+$0x10]  }
0x34b: {  	s3 =	sadd.s32 $0x80, s3;
	v10 =	vadd.f32 v10, v13;
	v7 =	vld [tilespmem:s31+$0x20]  }
0x34c: {  	[tilespmem:s1+$0xFFFFFFC0] =	vst v11;
	v4 =	vadd.f32 v9, v4  }
0x34d: {  	[tilespmem:s1+$0xFFFFFFD0] =	vst v10;
	v3 =	vadd.f32 v8, v3  }
0x34e: {  	[tilespmem:s1+$0xFFFFFFE0] =	vst v4;
	v2 =	vadd.f32 v6, v2  }
0x34f: {  	[tilespmem:s1+$0xFFFFFFF0] =	vst v3;
	v0 =	vadd.f32 v5, v0  }
0x350: {  	[tilespmem:s1+$0x0] =	vst v2;
	v1 =	vadd.f32 v7, v1  }
0x351: {  	[tilespmem:s1+$0x10] =	vst v0  }
0x352: {  	[tilespmem:s1+$0x20] =	vst v1  }
0x353: {  	s1 =	sld [smem:$0x7DC];
	_ =	sdelay $0x1  }
0x354: {  	s3 =	sld [smem:$0x7E0]  }
0x355: {  	[hbm4b:s1+s0] =	stream.linear.scatter [tilespmem:s24], [sflag:$0x3], $0x1000, $0x38;
	[tilespmem:$0x1FF70] =	vst v63  }
0x356: {  	s2 =	sld [smem:$0x7E1]  }
0x357: {  	[tilespmem:s17], [sflag:$0x1] =	stream.linear.gather [hbm4b:s3+s0], $0x1000, $0x38;
	[tilespmem:$0x1FF70] =	vst v63  }
0x358: {  	_ = 	snop  }
0x359: {  	[tilespmem:s18], [sflag:$0x1] =	stream.linear.gather [hbm4b:s2+s0], $0x1000, $0x38;
	[tilespmem:$0x1FF70] =	vst v63  }
0x35a: {  	_ =	swait.ge [sflag:s25], $0x1000  }
0x35b: {  	[sflag:s25] =	ssyncset.done $0x0  }
0x35c: {  	[sflag:s25] =	ssyncadd.s32 $0xFFFFF000  }
0x35d: {  	_ =	swait.ge [sflag:s25], $0x1000  }
0x35e: {  	[sflag:s25] =	ssyncset.done $0x0  }
0x35f: {  	[sflag:s25] =	ssyncadd.s32 $0xFFFFF000  }
0x360: {  	_ =	swait.ge [sflag:s29], $0x1000  }
0x361: {  	[sflag:s29] =	ssyncset.done $0x0  }
0x362: {  	s3 =	simm.s32 $0x1AFB0;
	[sflag:s29] =	ssyncadd.s32 $0xFFFFF000  }
0x363: {  	v0 =	vld [tilespmem:s3+$0x30]  }
0x364: {  	v1 =	vld [tilespmem:s3+$0xFFFFFFD0]  }
0x365: {  	v2 =	vld [tilespmem:s3+$0xFFFFFFE0]  }
0x366: {  	v3 =	vld [tilespmem:s3+$0xFFFFFFF0]  }
0x367: {  	v5 =	vld [tilespmem:s3+$0x0]  }
0x368: {  	v6 =	vld [tilespmem:s3+$0x10]  }
0x369: {  	v7 =	vld [tilespmem:s3+$0x20]  }
0x36a: {  	s31 =	simm.s32 $0x1CFB0;
	v8 =	vld [tilespmem:s3+$0xFFFFFFC0]  }
0x36b: {  	v11 =	vld [tilespmem:s31+$0x30]  }
0x36c: {  	v14 =	vld [tilespmem:s31+$0xFFFFFFD0]  }
0x36d: {  	v9 =	vld [tilespmem:s31+$0xFFFFFFE0]  }
0x36e: {  	v10 =	vld.idx.msk [tilespmem:v0+s19+$0x0], $0xffff  }
0x36f: {  	v12 =	vld.idx.msk [tilespmem:v1+s19+$0x0], $0xffff  }
0x370: {  	v4 =	vld.idx.msk [tilespmem:v2+s19+$0x0], $0xffff  }
0x371: {  	v3 =	vld.idx.msk [tilespmem:v3+s19+$0x0], $0xffff  }
0x372: {  	v13 =	vld.idx.msk [tilespmem:v8+s19+$0x0], $0xffff  }
0x373: {  	v1 =	vld.idx.msk [tilespmem:v7+s19+$0x0], $0xffff  }
0x374: {  	v7 =	vld [tilespmem:s31+$0xFFFFFFC0]  }
0x375: {  	v2 =	vld.idx.msk [tilespmem:v5+s19+$0x0], $0xffff  }
0x376: {  	v0 =	vld.idx.msk [tilespmem:v6+s19+$0x0], $0xffff  }
0x377: {  	v8 =	vld [tilespmem:s31+$0xFFFFFFF0]  }
0x378: {  	v6 =	vld [tilespmem:s31+$0x0];
	v10 =	vadd.f32 v11, v10  }
0x379: {  	s1 =	simm.s32 $0x1EFB0;
	v5 =	vld [tilespmem:s31+$0x10];
	v11 =	vadd.f32 v7, v13  }
0x37a: {  	s2 =	simm.s32 $0x0;
	s3 =	simm.s32 $0x1B030;
	v7 =	vld [tilespmem:s31+$0x20];
	[tilespmem:s1+$0x30] =	vst v10;
	v10 =	vadd.f32 v14, v12  }
.LBB2_24:
0x37b: {  	v12 =	vld [tilespmem:s3+$0x30];
	s2 =	sadd.s32 $0x80, s2;
	[tilespmem:s1+$0xFFFFFFC0] =	vst v11;
	v4 =	vadd.f32 v9, v4  }
0x37c: {  	v9 =	vld [tilespmem:s3+$0xFFFFFFD0];
	p1 =	slt.u32 s2, $0xF80;
	[tilespmem:s1+$0xFFFFFFD0] =	vst v10;
	v3 =	vadd.f32 v8, v3  }
0x37d: {  	v8 =	vld [tilespmem:s3+$0xFFFFFFE0];
	[tilespmem:s1+$0xFFFFFFE0] =	vst v4;
	v2 =	vadd.f32 v6, v2  }
0x37e: {  	v6 =	vld [tilespmem:s3+$0xFFFFFFF0];
	[tilespmem:s1+$0xFFFFFFF0] =	vst v3;
	v0 =	vadd.f32 v5, v0  }
0x37f: {  	v5 =	vld [tilespmem:s3+$0x0];
	[tilespmem:s1+$0x0] =	vst v2;
	v1 =	vadd.f32 v7, v1  }
0x380: {  	v7 =	vld [tilespmem:s3+$0x10];
	[tilespmem:s1+$0x10] =	vst v0  }
0x381: {  	v10 =	vld [tilespmem:s3+$0x20];
	[tilespmem:s1+$0x20] =	vst v1  }
0x382: {  	v1 =	vld [tilespmem:s3+$0xFFFFFFC0]  }
0x383: {  	s31 =	sadd.s32 $0x80, s31;
	v11 =	vld.idx.msk [tilespmem:v12+s19+$0x0], $0xffff  }
0x384: {  	v12 =	vld [tilespmem:s31+$0x30]  }
0x385: {  	v13 =	vld.idx.msk [tilespmem:v9+s19+$0x0], $0xffff  }
0x386: {  	v4 =	vld.idx.msk [tilespmem:v8+s19+$0x0], $0xffff  }
0x387: {  	v3 =	vld.idx.msk [tilespmem:v6+s19+$0x0], $0xffff  }
0x388: {  	v2 =	vld.idx.msk [tilespmem:v5+s19+$0x0], $0xffff  }
0x389: {  	v0 =	vld.idx.msk [tilespmem:v7+s19+$0x0], $0xffff;
	v5 =	vadd.f32 v12, v11  }
0x38a: {  	s1 =	sadd.s32 $0x80, s1;
	v7 =	vld.idx.msk [tilespmem:v1+s19+$0x0], $0xffff  }
0x38b: {  	v1 =	vld.idx.msk [tilespmem:v10+s19+$0x0], $0xffff;
	[tilespmem:s1+$0x30] =	vst v5  }
0x38c: {  	v5 =	vld [tilespmem:s31+$0xFFFFFFC0]  }
0x38d: {  	v10 =	vld [tilespmem:s31+$0xFFFFFFD0]  }
.Ltmp11:
0x38e: {  	v9 =	vld [tilespmem:s31+$0xFFFFFFE0];
	(pc) =	sbr.rel @p1 .LBB2_24-.Ltmp11, $4  }
0x38f: {  	v8 =	vld [tilespmem:s31+$0xFFFFFFF0]  }
0x390: {  	v6 =	vld [tilespmem:s31+$0x0]  }
0x391: {  	v11 =	vadd.f32 v5, v7;
	v5 =	vld [tilespmem:s31+$0x10]  }
0x392: {  	s3 =	sadd.s32 $0x80, s3;
	v10 =	vadd.f32 v10, v13;
	v7 =	vld [tilespmem:s31+$0x20]  }
0x393: {  	[tilespmem:s1+$0xFFFFFFC0] =	vst v11;
	v4 =	vadd.f32 v9, v4  }
0x394: {  	[tilespmem:s1+$0xFFFFFFD0] =	vst v10;
	v3 =	vadd.f32 v8, v3  }
0x395: {  	[tilespmem:s1+$0xFFFFFFE0] =	vst v4;
	v2 =	vadd.f32 v6, v2  }
0x396: {  	[tilespmem:s1+$0xFFFFFFF0] =	vst v3;
	v0 =	vadd.f32 v5, v0  }
0x397: {  	[tilespmem:s1+$0x0] =	vst v2;
	v1 =	vadd.f32 v7, v1  }
0x398: {  	[tilespmem:s1+$0x10] =	vst v0  }
0x399: {  	[tilespmem:s1+$0x20] =	vst v1  }
0x39a: {  	s1 =	sld [smem:$0x7DF];
	_ =	sdelay $0x1  }
0x39b: {  	s3 =	sld [smem:$0x7E3]  }
0x39c: {  	[hbm4b:s1+s0] =	stream.linear.scatter [tilespmem:s26], [sflag:$0x4], $0x1000, $0x38;
	[tilespmem:$0x1FF70] =	vst v63  }
0x39d: {  	s2 =	sld [smem:$0x7E4]  }
0x39e: {  	[tilespmem:s20], [sflag:$0x2] =	stream.linear.gather [hbm4b:s3+s0], $0x1000, $0x38;
	[tilespmem:$0x1FF70] =	vst v63  }
0x39f: {  	_ = 	snop  }
0x3a0: {  	[tilespmem:s21], [sflag:$0x2] =	stream.linear.gather [hbm4b:s2+s0], $0x1000, $0x38;
	[tilespmem:$0x1FF70] =	vst v63  }
0x3a1: {  	_ =	swait.ge [sflag:s22], $0x1000  }
0x3a2: {  	[sflag:s22] =	ssyncset.done $0x0  }
0x3a3: {  	[sflag:s22] =	ssyncadd.s32 $0xFFFFF000  }
0x3a4: {  	_ =	swait.ge [sflag:s22], $0x1000  }
0x3a5: {  	[sflag:s22] =	ssyncset.done $0x0  }
0x3a6: {  	[sflag:s22] =	ssyncadd.s32 $0xFFFFF000  }
0x3a7: {  	_ =	swait.ge [sflag:s28], $0x1000  }
0x3a8: {  	[sflag:s28] =	ssyncset.done $0x0  }
0x3a9: {  	s3 =	simm.s32 $0x19FB0;
	[sflag:s28] =	ssyncadd.s32 $0xFFFFF000  }
0x3aa: {  	v0 =	vld [tilespmem:s3+$0x30]  }
0x3ab: {  	v1 =	vld [tilespmem:s3+$0xFFFFFFD0]  }
0x3ac: {  	v2 =	vld [tilespmem:s3+$0xFFFFFFE0]  }
0x3ad: {  	v3 =	vld [tilespmem:s3+$0xFFFFFFF0]  }
0x3ae: {  	v5 =	vld [tilespmem:s3+$0x0]  }
0x3af: {  	v6 =	vld [tilespmem:s3+$0x10]  }
0x3b0: {  	v7 =	vld [tilespmem:s3+$0x20]  }
0x3b1: {  	s31 =	simm.s32 $0x1BFB0;
	v8 =	vld [tilespmem:s3+$0xFFFFFFC0]  }
0x3b2: {  	v11 =	vld [tilespmem:s31+$0x30]  }
0x3b3: {  	v14 =	vld [tilespmem:s31+$0xFFFFFFD0]  }
0x3b4: {  	v9 =	vld [tilespmem:s31+$0xFFFFFFE0]  }
0x3b5: {  	v10 =	vld.idx.msk [tilespmem:v0+s19+$0x0], $0xffff  }
0x3b6: {  	v12 =	vld.idx.msk [tilespmem:v1+s19+$0x0], $0xffff  }
0x3b7: {  	v4 =	vld.idx.msk [tilespmem:v2+s19+$0x0], $0xffff  }
0x3b8: {  	v3 =	vld.idx.msk [tilespmem:v3+s19+$0x0], $0xffff  }
0x3b9: {  	v13 =	vld.idx.msk [tilespmem:v8+s19+$0x0], $0xffff  }
0x3ba: {  	v1 =	vld.idx.msk [tilespmem:v7+s19+$0x0], $0xffff  }
0x3bb: {  	v7 =	vld [tilespmem:s31+$0xFFFFFFC0]  }
0x3bc: {  	v2 =	vld.idx.msk [tilespmem:v5+s19+$0x0], $0xffff  }
0x3bd: {  	v0 =	vld.idx.msk [tilespmem:v6+s19+$0x0], $0xffff  }
0x3be: {  	v8 =	vld [tilespmem:s31+$0xFFFFFFF0]  }
0x3bf: {  	v6 =	vld [tilespmem:s31+$0x0];
	v10 =	vadd.f32 v11, v10  }
0x3c0: {  	s1 =	simm.s32 $0x1DFB0;
	v5 =	vld [tilespmem:s31+$0x10];
	v11 =	vadd.f32 v7, v13  }
0x3c1: {  	s2 =	simm.s32 $0x0;
	s3 =	simm.s32 $0x1A030;
	v7 =	vld [tilespmem:s31+$0x20];
	[tilespmem:s1+$0x30] =	vst v10;
	v10 =	vadd.f32 v14, v12  }
.LBB2_26:
0x3c2: {  	v12 =	vld [tilespmem:s3+$0x30];
	s2 =	sadd.s32 $0x80, s2;
	[tilespmem:s1+$0xFFFFFFC0] =	vst v11;
	v4 =	vadd.f32 v9, v4  }
0x3c3: {  	v9 =	vld [tilespmem:s3+$0xFFFFFFD0];
	p1 =	slt.u32 s2, $0xF80;
	[tilespmem:s1+$0xFFFFFFD0] =	vst v10;
	v3 =	vadd.f32 v8, v3  }
0x3c4: {  	v8 =	vld [tilespmem:s3+$0xFFFFFFE0];
	[tilespmem:s1+$0xFFFFFFE0] =	vst v4;
	v2 =	vadd.f32 v6, v2  }
0x3c5: {  	v6 =	vld [tilespmem:s3+$0xFFFFFFF0];
	[tilespmem:s1+$0xFFFFFFF0] =	vst v3;
	v0 =	vadd.f32 v5, v0  }
0x3c6: {  	v5 =	vld [tilespmem:s3+$0x0];
	[tilespmem:s1+$0x0] =	vst v2;
	v1 =	vadd.f32 v7, v1  }
0x3c7: {  	v7 =	vld [tilespmem:s3+$0x10];
	[tilespmem:s1+$0x10] =	vst v0  }
0x3c8: {  	v10 =	vld [tilespmem:s3+$0x20];
	[tilespmem:s1+$0x20] =	vst v1  }
0x3c9: {  	v1 =	vld [tilespmem:s3+$0xFFFFFFC0]  }
0x3ca: {  	s31 =	sadd.s32 $0x80, s31;
	v11 =	vld.idx.msk [tilespmem:v12+s19+$0x0], $0xffff  }
0x3cb: {  	v12 =	vld [tilespmem:s31+$0x30]  }
0x3cc: {  	v13 =	vld.idx.msk [tilespmem:v9+s19+$0x0], $0xffff  }
0x3cd: {  	v4 =	vld.idx.msk [tilespmem:v8+s19+$0x0], $0xffff  }
0x3ce: {  	v3 =	vld.idx.msk [tilespmem:v6+s19+$0x0], $0xffff  }
0x3cf: {  	v2 =	vld.idx.msk [tilespmem:v5+s19+$0x0], $0xffff  }
0x3d0: {  	v0 =	vld.idx.msk [tilespmem:v7+s19+$0x0], $0xffff;
	v5 =	vadd.f32 v12, v11  }
0x3d1: {  	s1 =	sadd.s32 $0x80, s1;
	v7 =	vld.idx.msk [tilespmem:v1+s19+$0x0], $0xffff  }
0x3d2: {  	v1 =	vld.idx.msk [tilespmem:v10+s19+$0x0], $0xffff;
	[tilespmem:s1+$0x30] =	vst v5  }
0x3d3: {  	v5 =	vld [tilespmem:s31+$0xFFFFFFC0]  }
0x3d4: {  	v10 =	vld [tilespmem:s31+$0xFFFFFFD0]  }
.Ltmp12:
0x3d5: {  	v9 =	vld [tilespmem:s31+$0xFFFFFFE0];
	(pc) =	sbr.rel @p1 .LBB2_26-.Ltmp12, $4  }
0x3d6: {  	v8 =	vld [tilespmem:s31+$0xFFFFFFF0]  }
0x3d7: {  	v6 =	vld [tilespmem:s31+$0x0]  }
0x3d8: {  	v11 =	vadd.f32 v5, v7;
	v5 =	vld [tilespmem:s31+$0x10]  }
0x3d9: {  	s3 =	sadd.s32 $0x80, s3;
	v10 =	vadd.f32 v10, v13;
	v7 =	vld [tilespmem:s31+$0x20]  }
0x3da: {  	[tilespmem:s1+$0xFFFFFFC0] =	vst v11;
	v4 =	vadd.f32 v9, v4  }
0x3db: {  	[tilespmem:s1+$0xFFFFFFD0] =	vst v10;
	v3 =	vadd.f32 v8, v3  }
0x3dc: {  	[tilespmem:s1+$0xFFFFFFE0] =	vst v4;
	v2 =	vadd.f32 v6, v2  }
0x3dd: {  	[tilespmem:s1+$0xFFFFFFF0] =	vst v3;
	v0 =	vadd.f32 v5, v0  }
0x3de: {  	[tilespmem:s1+$0x0] =	vst v2;
	v1 =	vadd.f32 v7, v1  }
0x3df: {  	[tilespmem:s1+$0x10] =	vst v0  }
0x3e0: {  	[tilespmem:s1+$0x20] =	vst v1  }
0x3e1: {  	s1 =	sld [smem:$0x7E2];
	_ =	sdelay $0x1  }
0x3e2: {  	s3 =	sld [smem:$0x7E6]  }
0x3e3: {  	[hbm4b:s1+s0] =	stream.linear.scatter [tilespmem:s24], [sflag:$0x3], $0x1000, $0x38;
	[tilespmem:$0x1FF70] =	vst v63  }
0x3e4: {  	s2 =	sld [smem:$0x7E7]  }
0x3e5: {  	[tilespmem:s17], [sflag:$0x1] =	stream.linear.gather [hbm4b:s3+s0], $0x1000, $0x38;
	[tilespmem:$0x1FF70] =	vst v63  }
0x3e6: {  	_ = 	snop  }
0x3e7: {  	[tilespmem:s18], [sflag:$0x1] =	stream.linear.gather [hbm4b:s2+s0], $0x1000, $0x38;
	[tilespmem:$0x1FF70] =	vst v63  }
0x3e8: {  	_ =	swait.ge [sflag:s25], $0x1000  }
0x3e9: {  	[sflag:s25] =	ssyncset.done $0x0  }
0x3ea: {  	[sflag:s25] =	ssyncadd.s32 $0xFFFFF000  }
0x3eb: {  	_ =	swait.ge [sflag:s25], $0x1000  }
0x3ec: {  	[sflag:s25] =	ssyncset.done $0x0  }
0x3ed: {  	[sflag:s25] =	ssyncadd.s32 $0xFFFFF000  }
0x3ee: {  	_ =	swait.ge [sflag:s29], $0x1000  }
0x3ef: {  	[sflag:s29] =	ssyncset.done $0x0  }
0x3f0: {  	s3 =	simm.s32 $0x1AFB0;
	[sflag:s29] =	ssyncadd.s32 $0xFFFFF000  }
0x3f1: {  	v0 =	vld [tilespmem:s3+$0x30]  }
0x3f2: {  	v1 =	vld [tilespmem:s3+$0xFFFFFFD0]  }
0x3f3: {  	v2 =	vld [tilespmem:s3+$0xFFFFFFE0]  }
0x3f4: {  	v3 =	vld [tilespmem:s3+$0xFFFFFFF0]  }
0x3f5: {  	v5 =	vld [tilespmem:s3+$0x0]  }
0x3f6: {  	v6 =	vld [tilespmem:s3+$0x10]  }
0x3f7: {  	v7 =	vld [tilespmem:s3+$0x20]  }
0x3f8: {  	s31 =	simm.s32 $0x1CFB0;
	v8 =	vld [tilespmem:s3+$0xFFFFFFC0]  }
0x3f9: {  	v11 =	vld [tilespmem:s31+$0x30]  }
0x3fa: {  	v14 =	vld [tilespmem:s31+$0xFFFFFFD0]  }
0x3fb: {  	v9 =	vld [tilespmem:s31+$0xFFFFFFE0]  }
0x3fc: {  	v10 =	vld.idx.msk [tilespmem:v0+s19+$0x0], $0xffff  }
0x3fd: {  	v12 =	vld.idx.msk [tilespmem:v1+s19+$0x0], $0xffff  }
0x3fe: {  	v4 =	vld.idx.msk [tilespmem:v2+s19+$0x0], $0xffff  }
0x3ff: {  	v3 =	vld.idx.msk [tilespmem:v3+s19+$0x0], $0xffff  }
0x400: {  	v13 =	vld.idx.msk [tilespmem:v8+s19+$0x0], $0xffff  }
0x401: {  	v1 =	vld.idx.msk [tilespmem:v7+s19+$0x0], $0xffff  }
0x402: {  	v7 =	vld [tilespmem:s31+$0xFFFFFFC0]  }
0x403: {  	v2 =	vld.idx.msk [tilespmem:v5+s19+$0x0], $0xffff  }
0x404: {  	v0 =	vld.idx.msk [tilespmem:v6+s19+$0x0], $0xffff  }
0x405: {  	v8 =	vld [tilespmem:s31+$0xFFFFFFF0]  }
0x406: {  	v6 =	vld [tilespmem:s31+$0x0];
	v10 =	vadd.f32 v11, v10  }
0x407: {  	s1 =	simm.s32 $0x1EFB0;
	v5 =	vld [tilespmem:s31+$0x10];
	v11 =	vadd.f32 v7, v13  }
0x408: {  	s2 =	simm.s32 $0x0;
	s3 =	simm.s32 $0x1B030;
	v7 =	vld [tilespmem:s31+$0x20];
	[tilespmem:s1+$0x30] =	vst v10;
	v10 =	vadd.f32 v14, v12  }
.LBB2_28:
0x409: {  	v12 =	vld [tilespmem:s3+$0x30];
	s2 =	sadd.s32 $0x80, s2;
	[tilespmem:s1+$0xFFFFFFC0] =	vst v11;
	v4 =	vadd.f32 v9, v4  }
0x40a: {  	v9 =	vld [tilespmem:s3+$0xFFFFFFD0];
	p1 =	slt.u32 s2, $0xF80;
	[tilespmem:s1+$0xFFFFFFD0] =	vst v10;
	v3 =	vadd.f32 v8, v3  }
0x40b: {  	v8 =	vld [tilespmem:s3+$0xFFFFFFE0];
	[tilespmem:s1+$0xFFFFFFE0] =	vst v4;
	v2 =	vadd.f32 v6, v2  }
0x40c: {  	v6 =	vld [tilespmem:s3+$0xFFFFFFF0];
	[tilespmem:s1+$0xFFFFFFF0] =	vst v3;
	v0 =	vadd.f32 v5, v0  }
0x40d: {  	v5 =	vld [tilespmem:s3+$0x0];
	[tilespmem:s1+$0x0] =	vst v2;
	v1 =	vadd.f32 v7, v1  }
0x40e: {  	v7 =	vld [tilespmem:s3+$0x10];
	[tilespmem:s1+$0x10] =	vst v0  }
0x40f: {  	v10 =	vld [tilespmem:s3+$0x20];
	[tilespmem:s1+$0x20] =	vst v1  }
0x410: {  	v1 =	vld [tilespmem:s3+$0xFFFFFFC0]  }
0x411: {  	s31 =	sadd.s32 $0x80, s31;
	v11 =	vld.idx.msk [tilespmem:v12+s19+$0x0], $0xffff  }
0x412: {  	v12 =	vld [tilespmem:s31+$0x30]  }
0x413: {  	v13 =	vld.idx.msk [tilespmem:v9+s19+$0x0], $0xffff  }
0x414: {  	v4 =	vld.idx.msk [tilespmem:v8+s19+$0x0], $0xffff  }
0x415: {  	v3 =	vld.idx.msk [tilespmem:v6+s19+$0x0], $0xffff  }
0x416: {  	v2 =	vld.idx.msk [tilespmem:v5+s19+$0x0], $0xffff  }
0x417: {  	v0 =	vld.idx.msk [tilespmem:v7+s19+$0x0], $0xffff;
	v5 =	vadd.f32 v12, v11  }
0x418: {  	s1 =	sadd.s32 $0x80, s1;
	v7 =	vld.idx.msk [tilespmem:v1+s19+$0x0], $0xffff  }
0x419: {  	v1 =	vld.idx.msk [tilespmem:v10+s19+$0x0], $0xffff;
	[tilespmem:s1+$0x30] =	vst v5  }
0x41a: {  	v5 =	vld [tilespmem:s31+$0xFFFFFFC0]  }
0x41b: {  	v10 =	vld [tilespmem:s31+$0xFFFFFFD0]  }
.Ltmp13:
0x41c: {  	v9 =	vld [tilespmem:s31+$0xFFFFFFE0];
	(pc) =	sbr.rel @p1 .LBB2_28-.Ltmp13, $4  }
0x41d: {  	v8 =	vld [tilespmem:s31+$0xFFFFFFF0]  }
0x41e: {  	v6 =	vld [tilespmem:s31+$0x0]  }
0x41f: {  	v11 =	vadd.f32 v5, v7;
	v5 =	vld [tilespmem:s31+$0x10]  }
0x420: {  	s3 =	sadd.s32 $0x80, s3;
	v10 =	vadd.f32 v10, v13;
	v7 =	vld [tilespmem:s31+$0x20]  }
0x421: {  	[tilespmem:s1+$0xFFFFFFC0] =	vst v11;
	v4 =	vadd.f32 v9, v4  }
0x422: {  	[tilespmem:s1+$0xFFFFFFD0] =	vst v10;
	v3 =	vadd.f32 v8, v3  }
0x423: {  	[tilespmem:s1+$0xFFFFFFE0] =	vst v4;
	v2 =	vadd.f32 v6, v2  }
0x424: {  	[tilespmem:s1+$0xFFFFFFF0] =	vst v3;
	v0 =	vadd.f32 v5, v0  }
0x425: {  	[tilespmem:s1+$0x0] =	vst v2;
	v1 =	vadd.f32 v7, v1  }
0x426: {  	[tilespmem:s1+$0x10] =	vst v0  }
0x427: {  	[tilespmem:s1+$0x20] =	vst v1  }
0x428: {  	s1 =	sld [smem:$0x7E5];
	_ =	sdelay $0x1  }
0x429: {  	s3 =	sld [smem:$0x7E9]  }
0x42a: {  	[hbm4b:s1+s0] =	stream.linear.scatter [tilespmem:s26], [sflag:$0x4], $0x1000, $0x38;
	[tilespmem:$0x1FF70] =	vst v63  }
0x42b: {  	s2 =	sld [smem:$0x7EA]  }
0x42c: {  	[tilespmem:s20], [sflag:$0x2] =	stream.linear.gather [hbm4b:s3+s0], $0x1000, $0x38;
	[tilespmem:$0x1FF70] =	vst v63  }
0x42d: {  	_ = 	snop  }
0x42e: {  	[tilespmem:s21], [sflag:$0x2] =	stream.linear.gather [hbm4b:s2+s0], $0x1000, $0x38;
	[tilespmem:$0x1FF70] =	vst v63  }
0x42f: {  	_ =	swait.ge [sflag:s22], $0x1000  }
0x430: {  	[sflag:s22] =	ssyncset.done $0x0  }
0x431: {  	[sflag:s22] =	ssyncadd.s32 $0xFFFFF000  }
0x432: {  	_ =	swait.ge [sflag:s22], $0x1000  }
0x433: {  	[sflag:s22] =	ssyncset.done $0x0  }
0x434: {  	[sflag:s22] =	ssyncadd.s32 $0xFFFFF000  }
0x435: {  	_ =	swait.ge [sflag:s28], $0x1000  }
0x436: {  	[sflag:s28] =	ssyncset.done $0x0  }
0x437: {  	s3 =	simm.s32 $0x19FB0;
	[sflag:s28] =	ssyncadd.s32 $0xFFFFF000  }
0x438: {  	v0 =	vld [tilespmem:s3+$0x30]  }
0x439: {  	v1 =	vld [tilespmem:s3+$0xFFFFFFD0]  }
0x43a: {  	v2 =	vld [tilespmem:s3+$0xFFFFFFE0]  }
0x43b: {  	v3 =	vld [tilespmem:s3+$0xFFFFFFF0]  }
0x43c: {  	v5 =	vld [tilespmem:s3+$0x0]  }
0x43d: {  	v6 =	vld [tilespmem:s3+$0x10]  }
0x43e: {  	v7 =	vld [tilespmem:s3+$0x20]  }
0x43f: {  	s31 =	simm.s32 $0x1BFB0;
	v8 =	vld [tilespmem:s3+$0xFFFFFFC0]  }
0x440: {  	v11 =	vld [tilespmem:s31+$0x30]  }
0x441: {  	v14 =	vld [tilespmem:s31+$0xFFFFFFD0]  }
0x442: {  	v9 =	vld [tilespmem:s31+$0xFFFFFFE0]  }
0x443: {  	v10 =	vld.idx.msk [tilespmem:v0+s19+$0x0], $0xffff  }
0x444: {  	v12 =	vld.idx.msk [tilespmem:v1+s19+$0x0], $0xffff  }
0x445: {  	v4 =	vld.idx.msk [tilespmem:v2+s19+$0x0], $0xffff  }
0x446: {  	v3 =	vld.idx.msk [tilespmem:v3+s19+$0x0], $0xffff  }
0x447: {  	v13 =	vld.idx.msk [tilespmem:v8+s19+$0x0], $0xffff  }
0x448: {  	v1 =	vld.idx.msk [tilespmem:v7+s19+$0x0], $0xffff  }
0x449: {  	v7 =	vld [tilespmem:s31+$0xFFFFFFC0]  }
0x44a: {  	v2 =	vld.idx.msk [tilespmem:v5+s19+$0x0], $0xffff  }
0x44b: {  	v0 =	vld.idx.msk [tilespmem:v6+s19+$0x0], $0xffff  }
0x44c: {  	v8 =	vld [tilespmem:s31+$0xFFFFFFF0]  }
0x44d: {  	v6 =	vld [tilespmem:s31+$0x0];
	v10 =	vadd.f32 v11, v10  }
0x44e: {  	s1 =	simm.s32 $0x1DFB0;
	v5 =	vld [tilespmem:s31+$0x10];
	v11 =	vadd.f32 v7, v13  }
0x44f: {  	s2 =	simm.s32 $0x0;
	s3 =	simm.s32 $0x1A030;
	v7 =	vld [tilespmem:s31+$0x20];
	[tilespmem:s1+$0x30] =	vst v10;
	v10 =	vadd.f32 v14, v12  }
.LBB2_30:
0x450: {  	v12 =	vld [tilespmem:s3+$0x30];
	s2 =	sadd.s32 $0x80, s2;
	[tilespmem:s1+$0xFFFFFFC0] =	vst v11;
	v4 =	vadd.f32 v9, v4  }
0x451: {  	v9 =	vld [tilespmem:s3+$0xFFFFFFD0];
	p1 =	slt.u32 s2, $0xF80;
	[tilespmem:s1+$0xFFFFFFD0] =	vst v10;
	v3 =	vadd.f32 v8, v3  }
0x452: {  	v8 =	vld [tilespmem:s3+$0xFFFFFFE0];
	[tilespmem:s1+$0xFFFFFFE0] =	vst v4;
	v2 =	vadd.f32 v6, v2  }
0x453: {  	v6 =	vld [tilespmem:s3+$0xFFFFFFF0];
	[tilespmem:s1+$0xFFFFFFF0] =	vst v3;
	v0 =	vadd.f32 v5, v0  }
0x454: {  	v5 =	vld [tilespmem:s3+$0x0];
	[tilespmem:s1+$0x0] =	vst v2;
	v1 =	vadd.f32 v7, v1  }
0x455: {  	v7 =	vld [tilespmem:s3+$0x10];
	[tilespmem:s1+$0x10] =	vst v0  }
0x456: {  	v10 =	vld [tilespmem:s3+$0x20];
	[tilespmem:s1+$0x20] =	vst v1  }
0x457: {  	v1 =	vld [tilespmem:s3+$0xFFFFFFC0]  }
0x458: {  	s31 =	sadd.s32 $0x80, s31;
	v11 =	vld.idx.msk [tilespmem:v12+s19+$0x0], $0xffff  }
0x459: {  	v12 =	vld [tilespmem:s31+$0x30]  }
0x45a: {  	v13 =	vld.idx.msk [tilespmem:v9+s19+$0x0], $0xffff  }
0x45b: {  	v4 =	vld.idx.msk [tilespmem:v8+s19+$0x0], $0xffff  }
0x45c: {  	v3 =	vld.idx.msk [tilespmem:v6+s19+$0x0], $0xffff  }
0x45d: {  	v2 =	vld.idx.msk [tilespmem:v5+s19+$0x0], $0xffff  }
0x45e: {  	v0 =	vld.idx.msk [tilespmem:v7+s19+$0x0], $0xffff;
	v5 =	vadd.f32 v12, v11  }
0x45f: {  	s1 =	sadd.s32 $0x80, s1;
	v7 =	vld.idx.msk [tilespmem:v1+s19+$0x0], $0xffff  }
0x460: {  	v1 =	vld.idx.msk [tilespmem:v10+s19+$0x0], $0xffff;
	[tilespmem:s1+$0x30] =	vst v5  }
0x461: {  	v5 =	vld [tilespmem:s31+$0xFFFFFFC0]  }
0x462: {  	v10 =	vld [tilespmem:s31+$0xFFFFFFD0]  }
.Ltmp14:
0x463: {  	v9 =	vld [tilespmem:s31+$0xFFFFFFE0];
	(pc) =	sbr.rel @p1 .LBB2_30-.Ltmp14, $4  }
0x464: {  	v8 =	vld [tilespmem:s31+$0xFFFFFFF0]  }
0x465: {  	v6 =	vld [tilespmem:s31+$0x0]  }
0x466: {  	v11 =	vadd.f32 v5, v7;
	v5 =	vld [tilespmem:s31+$0x10]  }
0x467: {  	s3 =	sadd.s32 $0x80, s3;
	v10 =	vadd.f32 v10, v13;
	v7 =	vld [tilespmem:s31+$0x20]  }
0x468: {  	[tilespmem:s1+$0xFFFFFFC0] =	vst v11;
	v4 =	vadd.f32 v9, v4  }
0x469: {  	[tilespmem:s1+$0xFFFFFFD0] =	vst v10;
	v3 =	vadd.f32 v8, v3  }
0x46a: {  	[tilespmem:s1+$0xFFFFFFE0] =	vst v4;
	v2 =	vadd.f32 v6, v2  }
0x46b: {  	[tilespmem:s1+$0xFFFFFFF0] =	vst v3;
	v0 =	vadd.f32 v5, v0  }
0x46c: {  	[tilespmem:s1+$0x0] =	vst v2;
	v1 =	vadd.f32 v7, v1  }
0x46d: {  	[tilespmem:s1+$0x10] =	vst v0  }
0x46e: {  	[tilespmem:s1+$0x20] =	vst v1  }
0x46f: {  	s1 =	sld [smem:$0x7E8];
	_ =	sdelay $0x1  }
0x470: {  	s3 =	sld [smem:$0x7EC]  }
0x471: {  	[hbm4b:s1+s0] =	stream.linear.scatter [tilespmem:s24], [sflag:$0x3], $0x1000, $0x38;
	[tilespmem:$0x1FF70] =	vst v63  }
0x472: {  	s2 =	sld [smem:$0x7ED]  }
0x473: {  	[tilespmem:s17], [sflag:$0x1] =	stream.linear.gather [hbm4b:s3+s0], $0x1000, $0x38;
	[tilespmem:$0x1FF70] =	vst v63  }
0x474: {  	_ = 	snop  }
0x475: {  	[tilespmem:s18], [sflag:$0x1] =	stream.linear.gather [hbm4b:s2+s0], $0x1000, $0x38;
	[tilespmem:$0x1FF70] =	vst v63  }
0x476: {  	_ =	swait.ge [sflag:s25], $0x1000  }
0x477: {  	[sflag:s25] =	ssyncset.done $0x0  }
0x478: {  	[sflag:s25] =	ssyncadd.s32 $0xFFFFF000  }
0x479: {  	_ =	swait.ge [sflag:s25], $0x1000  }
0x47a: {  	[sflag:s25] =	ssyncset.done $0x0  }
0x47b: {  	[sflag:s25] =	ssyncadd.s32 $0xFFFFF000  }
0x47c: {  	_ =	swait.ge [sflag:s29], $0x1000  }
0x47d: {  	[sflag:s29] =	ssyncset.done $0x0  }
0x47e: {  	s3 =	simm.s32 $0x1AFB0;
	[sflag:s29] =	ssyncadd.s32 $0xFFFFF000  }
0x47f: {  	v0 =	vld [tilespmem:s3+$0x30]  }
0x480: {  	v1 =	vld [tilespmem:s3+$0xFFFFFFD0]  }
0x481: {  	v2 =	vld [tilespmem:s3+$0xFFFFFFE0]  }
0x482: {  	v3 =	vld [tilespmem:s3+$0xFFFFFFF0]  }
0x483: {  	v5 =	vld [tilespmem:s3+$0x0]  }
0x484: {  	v6 =	vld [tilespmem:s3+$0x10]  }
0x485: {  	v7 =	vld [tilespmem:s3+$0x20]  }
0x486: {  	s31 =	simm.s32 $0x1CFB0;
	v8 =	vld [tilespmem:s3+$0xFFFFFFC0]  }
0x487: {  	v11 =	vld [tilespmem:s31+$0x30]  }
0x488: {  	v14 =	vld [tilespmem:s31+$0xFFFFFFD0]  }
0x489: {  	v9 =	vld [tilespmem:s31+$0xFFFFFFE0]  }
0x48a: {  	v10 =	vld.idx.msk [tilespmem:v0+s19+$0x0], $0xffff  }
0x48b: {  	v12 =	vld.idx.msk [tilespmem:v1+s19+$0x0], $0xffff  }
0x48c: {  	v4 =	vld.idx.msk [tilespmem:v2+s19+$0x0], $0xffff  }
0x48d: {  	v3 =	vld.idx.msk [tilespmem:v3+s19+$0x0], $0xffff  }
0x48e: {  	v13 =	vld.idx.msk [tilespmem:v8+s19+$0x0], $0xffff  }
0x48f: {  	v1 =	vld.idx.msk [tilespmem:v7+s19+$0x0], $0xffff  }
0x490: {  	v7 =	vld [tilespmem:s31+$0xFFFFFFC0]  }
0x491: {  	v2 =	vld.idx.msk [tilespmem:v5+s19+$0x0], $0xffff  }
0x492: {  	v0 =	vld.idx.msk [tilespmem:v6+s19+$0x0], $0xffff  }
0x493: {  	v8 =	vld [tilespmem:s31+$0xFFFFFFF0]  }
0x494: {  	v6 =	vld [tilespmem:s31+$0x0];
	v10 =	vadd.f32 v11, v10  }
0x495: {  	s1 =	simm.s32 $0x1EFB0;
	v5 =	vld [tilespmem:s31+$0x10];
	v11 =	vadd.f32 v7, v13  }
0x496: {  	s2 =	simm.s32 $0x0;
	s3 =	simm.s32 $0x1B030;
	v7 =	vld [tilespmem:s31+$0x20];
	[tilespmem:s1+$0x30] =	vst v10;
	v10 =	vadd.f32 v14, v12  }
.LBB2_32:
0x497: {  	v12 =	vld [tilespmem:s3+$0x30];
	s2 =	sadd.s32 $0x80, s2;
	[tilespmem:s1+$0xFFFFFFC0] =	vst v11;
	v4 =	vadd.f32 v9, v4  }
0x498: {  	v9 =	vld [tilespmem:s3+$0xFFFFFFD0];
	p1 =	slt.u32 s2, $0xF80;
	[tilespmem:s1+$0xFFFFFFD0] =	vst v10;
	v3 =	vadd.f32 v8, v3  }
0x499: {  	v8 =	vld [tilespmem:s3+$0xFFFFFFE0];
	[tilespmem:s1+$0xFFFFFFE0] =	vst v4;
	v2 =	vadd.f32 v6, v2  }
0x49a: {  	v6 =	vld [tilespmem:s3+$0xFFFFFFF0];
	[tilespmem:s1+$0xFFFFFFF0] =	vst v3;
	v0 =	vadd.f32 v5, v0  }
0x49b: {  	v5 =	vld [tilespmem:s3+$0x0];
	[tilespmem:s1+$0x0] =	vst v2;
	v1 =	vadd.f32 v7, v1  }
0x49c: {  	v7 =	vld [tilespmem:s3+$0x10];
	[tilespmem:s1+$0x10] =	vst v0  }
0x49d: {  	v10 =	vld [tilespmem:s3+$0x20];
	[tilespmem:s1+$0x20] =	vst v1  }
0x49e: {  	v1 =	vld [tilespmem:s3+$0xFFFFFFC0]  }
0x49f: {  	s31 =	sadd.s32 $0x80, s31;
	v11 =	vld.idx.msk [tilespmem:v12+s19+$0x0], $0xffff  }
0x4a0: {  	v12 =	vld [tilespmem:s31+$0x30]  }
0x4a1: {  	v13 =	vld.idx.msk [tilespmem:v9+s19+$0x0], $0xffff  }
0x4a2: {  	v4 =	vld.idx.msk [tilespmem:v8+s19+$0x0], $0xffff  }
0x4a3: {  	v3 =	vld.idx.msk [tilespmem:v6+s19+$0x0], $0xffff  }
0x4a4: {  	v2 =	vld.idx.msk [tilespmem:v5+s19+$0x0], $0xffff  }
0x4a5: {  	v0 =	vld.idx.msk [tilespmem:v7+s19+$0x0], $0xffff;
	v5 =	vadd.f32 v12, v11  }
0x4a6: {  	s1 =	sadd.s32 $0x80, s1;
	v7 =	vld.idx.msk [tilespmem:v1+s19+$0x0], $0xffff  }
0x4a7: {  	v1 =	vld.idx.msk [tilespmem:v10+s19+$0x0], $0xffff;
	[tilespmem:s1+$0x30] =	vst v5  }
0x4a8: {  	v5 =	vld [tilespmem:s31+$0xFFFFFFC0]  }
0x4a9: {  	v10 =	vld [tilespmem:s31+$0xFFFFFFD0]  }
.Ltmp15:
0x4aa: {  	v9 =	vld [tilespmem:s31+$0xFFFFFFE0];
	(pc) =	sbr.rel @p1 .LBB2_32-.Ltmp15, $4  }
0x4ab: {  	v8 =	vld [tilespmem:s31+$0xFFFFFFF0]  }
0x4ac: {  	v6 =	vld [tilespmem:s31+$0x0]  }
0x4ad: {  	v11 =	vadd.f32 v5, v7;
	v5 =	vld [tilespmem:s31+$0x10]  }
0x4ae: {  	s3 =	sadd.s32 $0x80, s3;
	v10 =	vadd.f32 v10, v13;
	v7 =	vld [tilespmem:s31+$0x20]  }
0x4af: {  	[tilespmem:s1+$0xFFFFFFC0] =	vst v11;
	v4 =	vadd.f32 v9, v4  }
0x4b0: {  	[tilespmem:s1+$0xFFFFFFD0] =	vst v10;
	v3 =	vadd.f32 v8, v3  }
0x4b1: {  	[tilespmem:s1+$0xFFFFFFE0] =	vst v4;
	v2 =	vadd.f32 v6, v2  }
0x4b2: {  	[tilespmem:s1+$0xFFFFFFF0] =	vst v3;
	v0 =	vadd.f32 v5, v0  }
0x4b3: {  	[tilespmem:s1+$0x0] =	vst v2;
	v1 =	vadd.f32 v7, v1  }
0x4b4: {  	[tilespmem:s1+$0x10] =	vst v0  }
0x4b5: {  	[tilespmem:s1+$0x20] =	vst v1  }
0x4b6: {  	s1 =	sld [smem:$0x7EB];
	_ =	sdelay $0x1  }
0x4b7: {  	s3 =	sld [smem:$0x7EF]  }
0x4b8: {  	[hbm4b:s1+s0] =	stream.linear.scatter [tilespmem:s26], [sflag:$0x4], $0x1000, $0x38;
	[tilespmem:$0x1FF70] =	vst v63  }
0x4b9: {  	s2 =	sld [smem:$0x7F0]  }
0x4ba: {  	[tilespmem:s20], [sflag:$0x2] =	stream.linear.gather [hbm4b:s3+s0], $0x1000, $0x38;
	[tilespmem:$0x1FF70] =	vst v63  }
0x4bb: {  	_ = 	snop  }
0x4bc: {  	[tilespmem:s21], [sflag:$0x2] =	stream.linear.gather [hbm4b:s2+s0], $0x1000, $0x38;
	[tilespmem:$0x1FF70] =	vst v63  }
0x4bd: {  	_ =	swait.ge [sflag:s22], $0x1000  }
0x4be: {  	[sflag:s22] =	ssyncset.done $0x0  }
0x4bf: {  	[sflag:s22] =	ssyncadd.s32 $0xFFFFF000  }
0x4c0: {  	_ =	swait.ge [sflag:s22], $0x1000  }
0x4c1: {  	[sflag:s22] =	ssyncset.done $0x0  }
0x4c2: {  	[sflag:s22] =	ssyncadd.s32 $0xFFFFF000  }
0x4c3: {  	_ =	swait.ge [sflag:s28], $0x1000  }
0x4c4: {  	[sflag:s28] =	ssyncset.done $0x0  }
0x4c5: {  	s3 =	simm.s32 $0x19FB0;
	[sflag:s28] =	ssyncadd.s32 $0xFFFFF000  }
0x4c6: {  	v0 =	vld [tilespmem:s3+$0x30]  }
0x4c7: {  	v1 =	vld [tilespmem:s3+$0xFFFFFFD0]  }
0x4c8: {  	v2 =	vld [tilespmem:s3+$0xFFFFFFE0]  }
0x4c9: {  	v3 =	vld [tilespmem:s3+$0xFFFFFFF0]  }
0x4ca: {  	v5 =	vld [tilespmem:s3+$0x0]  }
0x4cb: {  	v6 =	vld [tilespmem:s3+$0x10]  }
0x4cc: {  	v7 =	vld [tilespmem:s3+$0x20]  }
0x4cd: {  	s31 =	simm.s32 $0x1BFB0;
	v8 =	vld [tilespmem:s3+$0xFFFFFFC0]  }
0x4ce: {  	v11 =	vld [tilespmem:s31+$0x30]  }
0x4cf: {  	v14 =	vld [tilespmem:s31+$0xFFFFFFD0]  }
0x4d0: {  	v9 =	vld [tilespmem:s31+$0xFFFFFFE0]  }
0x4d1: {  	v10 =	vld.idx.msk [tilespmem:v0+s19+$0x0], $0xffff  }
0x4d2: {  	v12 =	vld.idx.msk [tilespmem:v1+s19+$0x0], $0xffff  }
0x4d3: {  	v4 =	vld.idx.msk [tilespmem:v2+s19+$0x0], $0xffff  }
0x4d4: {  	v3 =	vld.idx.msk [tilespmem:v3+s19+$0x0], $0xffff  }
0x4d5: {  	v13 =	vld.idx.msk [tilespmem:v8+s19+$0x0], $0xffff  }
0x4d6: {  	v1 =	vld.idx.msk [tilespmem:v7+s19+$0x0], $0xffff  }
0x4d7: {  	v7 =	vld [tilespmem:s31+$0xFFFFFFC0]  }
0x4d8: {  	v2 =	vld.idx.msk [tilespmem:v5+s19+$0x0], $0xffff  }
0x4d9: {  	v0 =	vld.idx.msk [tilespmem:v6+s19+$0x0], $0xffff  }
0x4da: {  	v8 =	vld [tilespmem:s31+$0xFFFFFFF0]  }
0x4db: {  	v6 =	vld [tilespmem:s31+$0x0];
	v10 =	vadd.f32 v11, v10  }
0x4dc: {  	s1 =	simm.s32 $0x1DFB0;
	v5 =	vld [tilespmem:s31+$0x10];
	v11 =	vadd.f32 v7, v13  }
0x4dd: {  	s2 =	simm.s32 $0x0;
	s3 =	simm.s32 $0x1A030;
	v7 =	vld [tilespmem:s31+$0x20];
	[tilespmem:s1+$0x30] =	vst v10;
	v10 =	vadd.f32 v14, v12  }
.LBB2_34:
0x4de: {  	v12 =	vld [tilespmem:s3+$0x30];
	s2 =	sadd.s32 $0x80, s2;
	[tilespmem:s1+$0xFFFFFFC0] =	vst v11;
	v4 =	vadd.f32 v9, v4  }
0x4df: {  	v9 =	vld [tilespmem:s3+$0xFFFFFFD0];
	p1 =	slt.u32 s2, $0xF80;
	[tilespmem:s1+$0xFFFFFFD0] =	vst v10;
	v3 =	vadd.f32 v8, v3  }
0x4e0: {  	v8 =	vld [tilespmem:s3+$0xFFFFFFE0];
	[tilespmem:s1+$0xFFFFFFE0] =	vst v4;
	v2 =	vadd.f32 v6, v2  }
0x4e1: {  	v6 =	vld [tilespmem:s3+$0xFFFFFFF0];
	[tilespmem:s1+$0xFFFFFFF0] =	vst v3;
	v0 =	vadd.f32 v5, v0  }
0x4e2: {  	v5 =	vld [tilespmem:s3+$0x0];
	[tilespmem:s1+$0x0] =	vst v2;
	v1 =	vadd.f32 v7, v1  }
0x4e3: {  	v7 =	vld [tilespmem:s3+$0x10];
	[tilespmem:s1+$0x10] =	vst v0  }
0x4e4: {  	v10 =	vld [tilespmem:s3+$0x20];
	[tilespmem:s1+$0x20] =	vst v1  }
0x4e5: {  	v1 =	vld [tilespmem:s3+$0xFFFFFFC0]  }
0x4e6: {  	s31 =	sadd.s32 $0x80, s31;
	v11 =	vld.idx.msk [tilespmem:v12+s19+$0x0], $0xffff  }
0x4e7: {  	v12 =	vld [tilespmem:s31+$0x30]  }
0x4e8: {  	v13 =	vld.idx.msk [tilespmem:v9+s19+$0x0], $0xffff  }
0x4e9: {  	v4 =	vld.idx.msk [tilespmem:v8+s19+$0x0], $0xffff  }
0x4ea: {  	v3 =	vld.idx.msk [tilespmem:v6+s19+$0x0], $0xffff  }
0x4eb: {  	v2 =	vld.idx.msk [tilespmem:v5+s19+$0x0], $0xffff  }
0x4ec: {  	v0 =	vld.idx.msk [tilespmem:v7+s19+$0x0], $0xffff;
	v5 =	vadd.f32 v12, v11  }
0x4ed: {  	s1 =	sadd.s32 $0x80, s1;
	v7 =	vld.idx.msk [tilespmem:v1+s19+$0x0], $0xffff  }
0x4ee: {  	v1 =	vld.idx.msk [tilespmem:v10+s19+$0x0], $0xffff;
	[tilespmem:s1+$0x30] =	vst v5  }
0x4ef: {  	v5 =	vld [tilespmem:s31+$0xFFFFFFC0]  }
0x4f0: {  	v10 =	vld [tilespmem:s31+$0xFFFFFFD0]  }
.Ltmp16:
0x4f1: {  	v9 =	vld [tilespmem:s31+$0xFFFFFFE0];
	(pc) =	sbr.rel @p1 .LBB2_34-.Ltmp16, $4  }
0x4f2: {  	v8 =	vld [tilespmem:s31+$0xFFFFFFF0]  }
0x4f3: {  	v6 =	vld [tilespmem:s31+$0x0]  }
0x4f4: {  	v11 =	vadd.f32 v5, v7;
	v5 =	vld [tilespmem:s31+$0x10]  }
0x4f5: {  	s3 =	sadd.s32 $0x80, s3;
	v10 =	vadd.f32 v10, v13;
	v7 =	vld [tilespmem:s31+$0x20]  }
0x4f6: {  	[tilespmem:s1+$0xFFFFFFC0] =	vst v11;
	v4 =	vadd.f32 v9, v4  }
0x4f7: {  	[tilespmem:s1+$0xFFFFFFD0] =	vst v10;
	v3 =	vadd.f32 v8, v3  }
0x4f8: {  	[tilespmem:s1+$0xFFFFFFE0] =	vst v4;
	v2 =	vadd.f32 v6, v2  }
0x4f9: {  	[tilespmem:s1+$0xFFFFFFF0] =	vst v3;
	v0 =	vadd.f32 v5, v0  }
0x4fa: {  	[tilespmem:s1+$0x0] =	vst v2;
	v1 =	vadd.f32 v7, v1  }
0x4fb: {  	[tilespmem:s1+$0x10] =	vst v0  }
0x4fc: {  	[tilespmem:s1+$0x20] =	vst v1  }
0x4fd: {  	s1 =	sld [smem:$0x7EE];
	_ =	sdelay $0x1  }
0x4fe: {  	s3 =	sld [smem:$0x7F2]  }
0x4ff: {  	[hbm4b:s1+s0] =	stream.linear.scatter [tilespmem:s24], [sflag:$0x3], $0x1000, $0x38;
	[tilespmem:$0x1FF70] =	vst v63  }
0x500: {  	s2 =	sld [smem:$0x7F3]  }
0x501: {  	[tilespmem:s17], [sflag:$0x1] =	stream.linear.gather [hbm4b:s3+s0], $0x1000, $0x38;
	[tilespmem:$0x1FF70] =	vst v63  }
0x502: {  	_ = 	snop  }
0x503: {  	[tilespmem:s18], [sflag:$0x1] =	stream.linear.gather [hbm4b:s2+s0], $0x1000, $0x38;
	[tilespmem:$0x1FF70] =	vst v63  }
0x504: {  	_ =	swait.ge [sflag:s25], $0x1000  }
0x505: {  	[sflag:s25] =	ssyncset.done $0x0  }
0x506: {  	[sflag:s25] =	ssyncadd.s32 $0xFFFFF000  }
0x507: {  	_ =	swait.ge [sflag:s25], $0x1000  }
0x508: {  	[sflag:s25] =	ssyncset.done $0x0  }
0x509: {  	[sflag:s25] =	ssyncadd.s32 $0xFFFFF000  }
0x50a: {  	_ =	swait.ge [sflag:s29], $0x1000  }
0x50b: {  	[sflag:s29] =	ssyncset.done $0x0  }
0x50c: {  	s3 =	simm.s32 $0x1AFB0;
	[sflag:s29] =	ssyncadd.s32 $0xFFFFF000  }
0x50d: {  	v0 =	vld [tilespmem:s3+$0x30]  }
0x50e: {  	v1 =	vld [tilespmem:s3+$0xFFFFFFD0]  }
0x50f: {  	v2 =	vld [tilespmem:s3+$0xFFFFFFE0]  }
0x510: {  	v3 =	vld [tilespmem:s3+$0xFFFFFFF0]  }
0x511: {  	v5 =	vld [tilespmem:s3+$0x0]  }
0x512: {  	v6 =	vld [tilespmem:s3+$0x10]  }
0x513: {  	v7 =	vld [tilespmem:s3+$0x20]  }
0x514: {  	s31 =	simm.s32 $0x1CFB0;
	v8 =	vld [tilespmem:s3+$0xFFFFFFC0]  }
0x515: {  	v11 =	vld [tilespmem:s31+$0x30]  }
0x516: {  	v14 =	vld [tilespmem:s31+$0xFFFFFFD0]  }
0x517: {  	v9 =	vld [tilespmem:s31+$0xFFFFFFE0]  }
0x518: {  	v10 =	vld.idx.msk [tilespmem:v0+s19+$0x0], $0xffff  }
0x519: {  	v12 =	vld.idx.msk [tilespmem:v1+s19+$0x0], $0xffff  }
0x51a: {  	v4 =	vld.idx.msk [tilespmem:v2+s19+$0x0], $0xffff  }
0x51b: {  	v3 =	vld.idx.msk [tilespmem:v3+s19+$0x0], $0xffff  }
0x51c: {  	v13 =	vld.idx.msk [tilespmem:v8+s19+$0x0], $0xffff  }
0x51d: {  	v1 =	vld.idx.msk [tilespmem:v7+s19+$0x0], $0xffff  }
0x51e: {  	v7 =	vld [tilespmem:s31+$0xFFFFFFC0]  }
0x51f: {  	v2 =	vld.idx.msk [tilespmem:v5+s19+$0x0], $0xffff  }
0x520: {  	v0 =	vld.idx.msk [tilespmem:v6+s19+$0x0], $0xffff  }
0x521: {  	v8 =	vld [tilespmem:s31+$0xFFFFFFF0]  }
0x522: {  	v6 =	vld [tilespmem:s31+$0x0];
	v10 =	vadd.f32 v11, v10  }
0x523: {  	s1 =	simm.s32 $0x1EFB0;
	v5 =	vld [tilespmem:s31+$0x10];
	v11 =	vadd.f32 v7, v13  }
0x524: {  	s2 =	simm.s32 $0x0;
	s3 =	simm.s32 $0x1B030;
	v7 =	vld [tilespmem:s31+$0x20];
	[tilespmem:s1+$0x30] =	vst v10;
	v10 =	vadd.f32 v14, v12  }
.LBB2_36:
0x525: {  	v12 =	vld [tilespmem:s3+$0x30];
	s2 =	sadd.s32 $0x80, s2;
	[tilespmem:s1+$0xFFFFFFC0] =	vst v11;
	v4 =	vadd.f32 v9, v4  }
0x526: {  	v9 =	vld [tilespmem:s3+$0xFFFFFFD0];
	p1 =	slt.u32 s2, $0xF80;
	[tilespmem:s1+$0xFFFFFFD0] =	vst v10;
	v3 =	vadd.f32 v8, v3  }
0x527: {  	v8 =	vld [tilespmem:s3+$0xFFFFFFE0];
	[tilespmem:s1+$0xFFFFFFE0] =	vst v4;
	v2 =	vadd.f32 v6, v2  }
0x528: {  	v6 =	vld [tilespmem:s3+$0xFFFFFFF0];
	[tilespmem:s1+$0xFFFFFFF0] =	vst v3;
	v0 =	vadd.f32 v5, v0  }
0x529: {  	v5 =	vld [tilespmem:s3+$0x0];
	[tilespmem:s1+$0x0] =	vst v2;
	v1 =	vadd.f32 v7, v1  }
0x52a: {  	v7 =	vld [tilespmem:s3+$0x10];
	[tilespmem:s1+$0x10] =	vst v0  }
0x52b: {  	v10 =	vld [tilespmem:s3+$0x20];
	[tilespmem:s1+$0x20] =	vst v1  }
0x52c: {  	v1 =	vld [tilespmem:s3+$0xFFFFFFC0]  }
0x52d: {  	s31 =	sadd.s32 $0x80, s31;
	v11 =	vld.idx.msk [tilespmem:v12+s19+$0x0], $0xffff  }
0x52e: {  	v12 =	vld [tilespmem:s31+$0x30]  }
0x52f: {  	v13 =	vld.idx.msk [tilespmem:v9+s19+$0x0], $0xffff  }
0x530: {  	v4 =	vld.idx.msk [tilespmem:v8+s19+$0x0], $0xffff  }
0x531: {  	v3 =	vld.idx.msk [tilespmem:v6+s19+$0x0], $0xffff  }
0x532: {  	v2 =	vld.idx.msk [tilespmem:v5+s19+$0x0], $0xffff  }
0x533: {  	v0 =	vld.idx.msk [tilespmem:v7+s19+$0x0], $0xffff;
	v5 =	vadd.f32 v12, v11  }
0x534: {  	s1 =	sadd.s32 $0x80, s1;
	v7 =	vld.idx.msk [tilespmem:v1+s19+$0x0], $0xffff  }
0x535: {  	v1 =	vld.idx.msk [tilespmem:v10+s19+$0x0], $0xffff;
	[tilespmem:s1+$0x30] =	vst v5  }
0x536: {  	v5 =	vld [tilespmem:s31+$0xFFFFFFC0]  }
0x537: {  	v10 =	vld [tilespmem:s31+$0xFFFFFFD0]  }
.Ltmp17:
0x538: {  	v9 =	vld [tilespmem:s31+$0xFFFFFFE0];
	(pc) =	sbr.rel @p1 .LBB2_36-.Ltmp17, $4  }
0x539: {  	v8 =	vld [tilespmem:s31+$0xFFFFFFF0]  }
0x53a: {  	v6 =	vld [tilespmem:s31+$0x0]  }
0x53b: {  	v11 =	vadd.f32 v5, v7;
	v5 =	vld [tilespmem:s31+$0x10]  }
0x53c: {  	s3 =	sadd.s32 $0x80, s3;
	v10 =	vadd.f32 v10, v13;
	v7 =	vld [tilespmem:s31+$0x20]  }
0x53d: {  	[tilespmem:s1+$0xFFFFFFC0] =	vst v11;
	v4 =	vadd.f32 v9, v4  }
0x53e: {  	[tilespmem:s1+$0xFFFFFFD0] =	vst v10;
	v3 =	vadd.f32 v8, v3  }
0x53f: {  	[tilespmem:s1+$0xFFFFFFE0] =	vst v4;
	v2 =	vadd.f32 v6, v2  }
0x540: {  	[tilespmem:s1+$0xFFFFFFF0] =	vst v3;
	v0 =	vadd.f32 v5, v0  }
0x541: {  	[tilespmem:s1+$0x0] =	vst v2;
	v1 =	vadd.f32 v7, v1  }
0x542: {  	[tilespmem:s1+$0x10] =	vst v0  }
0x543: {  	[tilespmem:s1+$0x20] =	vst v1  }
0x544: {  	s1 =	sld [smem:$0x7F1];
	_ =	sdelay $0x1  }
0x545: {  	s3 =	sld [smem:$0x7F5]  }
0x546: {  	[hbm4b:s1+s0] =	stream.linear.scatter [tilespmem:s26], [sflag:$0x4], $0x1000, $0x38;
	[tilespmem:$0x1FF70] =	vst v63  }
0x547: {  	s2 =	sld [smem:$0x7F6]  }
0x548: {  	[tilespmem:s20], [sflag:$0x2] =	stream.linear.gather [hbm4b:s3+s0], $0x1000, $0x38;
	[tilespmem:$0x1FF70] =	vst v63  }
0x549: {  	_ = 	snop  }
0x54a: {  	[tilespmem:s21], [sflag:$0x2] =	stream.linear.gather [hbm4b:s2+s0], $0x1000, $0x38;
	[tilespmem:$0x1FF70] =	vst v63  }
0x54b: {  	_ =	swait.ge [sflag:s22], $0x1000  }
0x54c: {  	[sflag:s22] =	ssyncset.done $0x0  }
0x54d: {  	[sflag:s22] =	ssyncadd.s32 $0xFFFFF000  }
0x54e: {  	_ =	swait.ge [sflag:s22], $0x1000  }
0x54f: {  	[sflag:s22] =	ssyncset.done $0x0  }
0x550: {  	[sflag:s22] =	ssyncadd.s32 $0xFFFFF000  }
0x551: {  	_ =	swait.ge [sflag:s28], $0x1000  }
0x552: {  	[sflag:s28] =	ssyncset.done $0x0  }
0x553: {  	s3 =	simm.s32 $0x19FB0;
	[sflag:s28] =	ssyncadd.s32 $0xFFFFF000  }
0x554: {  	v0 =	vld [tilespmem:s3+$0x30]  }
0x555: {  	v1 =	vld [tilespmem:s3+$0xFFFFFFD0]  }
0x556: {  	v2 =	vld [tilespmem:s3+$0xFFFFFFE0]  }
0x557: {  	v3 =	vld [tilespmem:s3+$0xFFFFFFF0]  }
0x558: {  	v5 =	vld [tilespmem:s3+$0x0]  }
0x559: {  	v6 =	vld [tilespmem:s3+$0x10]  }
0x55a: {  	v7 =	vld [tilespmem:s3+$0x20]  }
0x55b: {  	s31 =	simm.s32 $0x1BFB0;
	v8 =	vld [tilespmem:s3+$0xFFFFFFC0]  }
0x55c: {  	v11 =	vld [tilespmem:s31+$0x30]  }
0x55d: {  	v14 =	vld [tilespmem:s31+$0xFFFFFFD0]  }
0x55e: {  	v9 =	vld [tilespmem:s31+$0xFFFFFFE0]  }
0x55f: {  	v10 =	vld.idx.msk [tilespmem:v0+s19+$0x0], $0xffff  }
0x560: {  	v12 =	vld.idx.msk [tilespmem:v1+s19+$0x0], $0xffff  }
0x561: {  	v4 =	vld.idx.msk [tilespmem:v2+s19+$0x0], $0xffff  }
0x562: {  	v3 =	vld.idx.msk [tilespmem:v3+s19+$0x0], $0xffff  }
0x563: {  	v13 =	vld.idx.msk [tilespmem:v8+s19+$0x0], $0xffff  }
0x564: {  	v1 =	vld.idx.msk [tilespmem:v7+s19+$0x0], $0xffff  }
0x565: {  	v7 =	vld [tilespmem:s31+$0xFFFFFFC0]  }
0x566: {  	v2 =	vld.idx.msk [tilespmem:v5+s19+$0x0], $0xffff  }
0x567: {  	v0 =	vld.idx.msk [tilespmem:v6+s19+$0x0], $0xffff  }
0x568: {  	v8 =	vld [tilespmem:s31+$0xFFFFFFF0]  }
0x569: {  	v6 =	vld [tilespmem:s31+$0x0];
	v10 =	vadd.f32 v11, v10  }
0x56a: {  	s1 =	simm.s32 $0x1DFB0;
	v5 =	vld [tilespmem:s31+$0x10];
	v11 =	vadd.f32 v7, v13  }
0x56b: {  	s2 =	simm.s32 $0x0;
	s3 =	simm.s32 $0x1A030;
	v7 =	vld [tilespmem:s31+$0x20];
	[tilespmem:s1+$0x30] =	vst v10;
	v10 =	vadd.f32 v14, v12  }
.LBB2_38:
0x56c: {  	v12 =	vld [tilespmem:s3+$0x30];
	s2 =	sadd.s32 $0x80, s2;
	[tilespmem:s1+$0xFFFFFFC0] =	vst v11;
	v4 =	vadd.f32 v9, v4  }
0x56d: {  	v9 =	vld [tilespmem:s3+$0xFFFFFFD0];
	p1 =	slt.u32 s2, $0xF80;
	[tilespmem:s1+$0xFFFFFFD0] =	vst v10;
	v3 =	vadd.f32 v8, v3  }
0x56e: {  	v8 =	vld [tilespmem:s3+$0xFFFFFFE0];
	[tilespmem:s1+$0xFFFFFFE0] =	vst v4;
	v2 =	vadd.f32 v6, v2  }
0x56f: {  	v6 =	vld [tilespmem:s3+$0xFFFFFFF0];
	[tilespmem:s1+$0xFFFFFFF0] =	vst v3;
	v0 =	vadd.f32 v5, v0  }
0x570: {  	v5 =	vld [tilespmem:s3+$0x0];
	[tilespmem:s1+$0x0] =	vst v2;
	v1 =	vadd.f32 v7, v1  }
0x571: {  	v7 =	vld [tilespmem:s3+$0x10];
	[tilespmem:s1+$0x10] =	vst v0  }
0x572: {  	v10 =	vld [tilespmem:s3+$0x20];
	[tilespmem:s1+$0x20] =	vst v1  }
0x573: {  	v1 =	vld [tilespmem:s3+$0xFFFFFFC0]  }
0x574: {  	s31 =	sadd.s32 $0x80, s31;
	v11 =	vld.idx.msk [tilespmem:v12+s19+$0x0], $0xffff  }
0x575: {  	v12 =	vld [tilespmem:s31+$0x30]  }
0x576: {  	v13 =	vld.idx.msk [tilespmem:v9+s19+$0x0], $0xffff  }
0x577: {  	v4 =	vld.idx.msk [tilespmem:v8+s19+$0x0], $0xffff  }
0x578: {  	v3 =	vld.idx.msk [tilespmem:v6+s19+$0x0], $0xffff  }
0x579: {  	v2 =	vld.idx.msk [tilespmem:v5+s19+$0x0], $0xffff  }
0x57a: {  	v0 =	vld.idx.msk [tilespmem:v7+s19+$0x0], $0xffff;
	v5 =	vadd.f32 v12, v11  }
0x57b: {  	s1 =	sadd.s32 $0x80, s1;
	v7 =	vld.idx.msk [tilespmem:v1+s19+$0x0], $0xffff  }
0x57c: {  	v1 =	vld.idx.msk [tilespmem:v10+s19+$0x0], $0xffff;
	[tilespmem:s1+$0x30] =	vst v5  }
0x57d: {  	v5 =	vld [tilespmem:s31+$0xFFFFFFC0]  }
0x57e: {  	v10 =	vld [tilespmem:s31+$0xFFFFFFD0]  }
.Ltmp18:
0x57f: {  	v9 =	vld [tilespmem:s31+$0xFFFFFFE0];
	(pc) =	sbr.rel @p1 .LBB2_38-.Ltmp18, $4  }
0x580: {  	v8 =	vld [tilespmem:s31+$0xFFFFFFF0]  }
0x581: {  	v6 =	vld [tilespmem:s31+$0x0]  }
0x582: {  	v11 =	vadd.f32 v5, v7;
	v5 =	vld [tilespmem:s31+$0x10]  }
0x583: {  	s3 =	sadd.s32 $0x80, s3;
	v10 =	vadd.f32 v10, v13;
	v7 =	vld [tilespmem:s31+$0x20]  }
0x584: {  	[tilespmem:s1+$0xFFFFFFC0] =	vst v11;
	v4 =	vadd.f32 v9, v4  }
0x585: {  	[tilespmem:s1+$0xFFFFFFD0] =	vst v10;
	v3 =	vadd.f32 v8, v3  }
0x586: {  	[tilespmem:s1+$0xFFFFFFE0] =	vst v4;
	v2 =	vadd.f32 v6, v2  }
0x587: {  	[tilespmem:s1+$0xFFFFFFF0] =	vst v3;
	v0 =	vadd.f32 v5, v0  }
0x588: {  	[tilespmem:s1+$0x0] =	vst v2;
	v1 =	vadd.f32 v7, v1  }
0x589: {  	[tilespmem:s1+$0x10] =	vst v0  }
0x58a: {  	[tilespmem:s1+$0x20] =	vst v1  }
0x58b: {  	s1 =	sld [smem:$0x7F4];
	_ =	sdelay $0x1  }
0x58c: {  	s3 =	sld [smem:$0x7F8]  }
0x58d: {  	[hbm4b:s1+s0] =	stream.linear.scatter [tilespmem:s24], [sflag:$0x3], $0x1000, $0x38;
	[tilespmem:$0x1FF70] =	vst v63  }
0x58e: {  	s2 =	sld [smem:$0x7F9]  }
0x58f: {  	[tilespmem:s17], [sflag:$0x1] =	stream.linear.gather [hbm4b:s3+s0], $0x1000, $0x38;
	[tilespmem:$0x1FF70] =	vst v63  }
0x590: {  	_ = 	snop  }
0x591: {  	[tilespmem:s18], [sflag:$0x1] =	stream.linear.gather [hbm4b:s2+s0], $0x1000, $0x38;
	[tilespmem:$0x1FF70] =	vst v63  }
0x592: {  	_ =	swait.ge [sflag:s25], $0x1000  }
0x593: {  	[sflag:s25] =	ssyncset.done $0x0  }
0x594: {  	[sflag:s25] =	ssyncadd.s32 $0xFFFFF000  }
0x595: {  	_ =	swait.ge [sflag:s25], $0x1000  }
0x596: {  	[sflag:s25] =	ssyncset.done $0x0  }
0x597: {  	[sflag:s25] =	ssyncadd.s32 $0xFFFFF000  }
0x598: {  	_ =	swait.ge [sflag:s29], $0x1000  }
0x599: {  	[sflag:s29] =	ssyncset.done $0x0  }
0x59a: {  	s3 =	simm.s32 $0x1AFB0;
	[sflag:s29] =	ssyncadd.s32 $0xFFFFF000  }
0x59b: {  	v0 =	vld [tilespmem:s3+$0x30]  }
0x59c: {  	v1 =	vld [tilespmem:s3+$0xFFFFFFD0]  }
0x59d: {  	v2 =	vld [tilespmem:s3+$0xFFFFFFE0]  }
0x59e: {  	v3 =	vld [tilespmem:s3+$0xFFFFFFF0]  }
0x59f: {  	v5 =	vld [tilespmem:s3+$0x0]  }
0x5a0: {  	v6 =	vld [tilespmem:s3+$0x10]  }
0x5a1: {  	v7 =	vld [tilespmem:s3+$0x20]  }
0x5a2: {  	s31 =	simm.s32 $0x1CFB0;
	v8 =	vld [tilespmem:s3+$0xFFFFFFC0]  }
0x5a3: {  	v11 =	vld [tilespmem:s31+$0x30]  }
0x5a4: {  	v14 =	vld [tilespmem:s31+$0xFFFFFFD0]  }
0x5a5: {  	v9 =	vld [tilespmem:s31+$0xFFFFFFE0]  }
0x5a6: {  	v10 =	vld.idx.msk [tilespmem:v0+s19+$0x0], $0xffff  }
0x5a7: {  	v12 =	vld.idx.msk [tilespmem:v1+s19+$0x0], $0xffff  }
0x5a8: {  	v4 =	vld.idx.msk [tilespmem:v2+s19+$0x0], $0xffff  }
0x5a9: {  	v3 =	vld.idx.msk [tilespmem:v3+s19+$0x0], $0xffff  }
0x5aa: {  	v13 =	vld.idx.msk [tilespmem:v8+s19+$0x0], $0xffff  }
0x5ab: {  	v1 =	vld.idx.msk [tilespmem:v7+s19+$0x0], $0xffff  }
0x5ac: {  	v7 =	vld [tilespmem:s31+$0xFFFFFFC0]  }
0x5ad: {  	v2 =	vld.idx.msk [tilespmem:v5+s19+$0x0], $0xffff  }
0x5ae: {  	v0 =	vld.idx.msk [tilespmem:v6+s19+$0x0], $0xffff  }
0x5af: {  	v8 =	vld [tilespmem:s31+$0xFFFFFFF0]  }
0x5b0: {  	v6 =	vld [tilespmem:s31+$0x0];
	v10 =	vadd.f32 v11, v10  }
0x5b1: {  	s1 =	simm.s32 $0x1EFB0;
	v5 =	vld [tilespmem:s31+$0x10];
	v11 =	vadd.f32 v7, v13  }
0x5b2: {  	s2 =	simm.s32 $0x0;
	s3 =	simm.s32 $0x1B030;
	v7 =	vld [tilespmem:s31+$0x20];
	[tilespmem:s1+$0x30] =	vst v10;
	v10 =	vadd.f32 v14, v12  }
.LBB2_40:
0x5b3: {  	v12 =	vld [tilespmem:s3+$0x30];
	s2 =	sadd.s32 $0x80, s2;
	[tilespmem:s1+$0xFFFFFFC0] =	vst v11;
	v4 =	vadd.f32 v9, v4  }
0x5b4: {  	v9 =	vld [tilespmem:s3+$0xFFFFFFD0];
	p1 =	slt.u32 s2, $0xF80;
	[tilespmem:s1+$0xFFFFFFD0] =	vst v10;
	v3 =	vadd.f32 v8, v3  }
0x5b5: {  	v8 =	vld [tilespmem:s3+$0xFFFFFFE0];
	[tilespmem:s1+$0xFFFFFFE0] =	vst v4;
	v2 =	vadd.f32 v6, v2  }
0x5b6: {  	v6 =	vld [tilespmem:s3+$0xFFFFFFF0];
	[tilespmem:s1+$0xFFFFFFF0] =	vst v3;
	v0 =	vadd.f32 v5, v0  }
0x5b7: {  	v5 =	vld [tilespmem:s3+$0x0];
	[tilespmem:s1+$0x0] =	vst v2;
	v1 =	vadd.f32 v7, v1  }
0x5b8: {  	v7 =	vld [tilespmem:s3+$0x10];
	[tilespmem:s1+$0x10] =	vst v0  }
0x5b9: {  	v10 =	vld [tilespmem:s3+$0x20];
	[tilespmem:s1+$0x20] =	vst v1  }
0x5ba: {  	v1 =	vld [tilespmem:s3+$0xFFFFFFC0]  }
0x5bb: {  	s31 =	sadd.s32 $0x80, s31;
	v11 =	vld.idx.msk [tilespmem:v12+s19+$0x0], $0xffff  }
0x5bc: {  	v12 =	vld [tilespmem:s31+$0x30]  }
0x5bd: {  	v13 =	vld.idx.msk [tilespmem:v9+s19+$0x0], $0xffff  }
0x5be: {  	v4 =	vld.idx.msk [tilespmem:v8+s19+$0x0], $0xffff  }
0x5bf: {  	v3 =	vld.idx.msk [tilespmem:v6+s19+$0x0], $0xffff  }
0x5c0: {  	v2 =	vld.idx.msk [tilespmem:v5+s19+$0x0], $0xffff  }
0x5c1: {  	v0 =	vld.idx.msk [tilespmem:v7+s19+$0x0], $0xffff;
	v5 =	vadd.f32 v12, v11  }
0x5c2: {  	s1 =	sadd.s32 $0x80, s1;
	v7 =	vld.idx.msk [tilespmem:v1+s19+$0x0], $0xffff  }
0x5c3: {  	v1 =	vld.idx.msk [tilespmem:v10+s19+$0x0], $0xffff;
	[tilespmem:s1+$0x30] =	vst v5  }
0x5c4: {  	v5 =	vld [tilespmem:s31+$0xFFFFFFC0]  }
0x5c5: {  	v10 =	vld [tilespmem:s31+$0xFFFFFFD0]  }
.Ltmp19:
0x5c6: {  	v9 =	vld [tilespmem:s31+$0xFFFFFFE0];
	(pc) =	sbr.rel @p1 .LBB2_40-.Ltmp19, $4  }
0x5c7: {  	v8 =	vld [tilespmem:s31+$0xFFFFFFF0]  }
0x5c8: {  	v6 =	vld [tilespmem:s31+$0x0]  }
0x5c9: {  	v11 =	vadd.f32 v5, v7;
	v5 =	vld [tilespmem:s31+$0x10]  }
0x5ca: {  	s3 =	sadd.s32 $0x80, s3;
	v10 =	vadd.f32 v10, v13;
	v7 =	vld [tilespmem:s31+$0x20]  }
0x5cb: {  	[tilespmem:s1+$0xFFFFFFC0] =	vst v11;
	v4 =	vadd.f32 v9, v4  }
0x5cc: {  	[tilespmem:s1+$0xFFFFFFD0] =	vst v10;
	v3 =	vadd.f32 v8, v3  }
0x5cd: {  	[tilespmem:s1+$0xFFFFFFE0] =	vst v4;
	v2 =	vadd.f32 v6, v2  }
0x5ce: {  	[tilespmem:s1+$0xFFFFFFF0] =	vst v3;
	v0 =	vadd.f32 v5, v0  }
0x5cf: {  	[tilespmem:s1+$0x0] =	vst v2;
	v1 =	vadd.f32 v7, v1  }
0x5d0: {  	[tilespmem:s1+$0x10] =	vst v0  }
0x5d1: {  	[tilespmem:s1+$0x20] =	vst v1  }
0x5d2: {  	s1 =	sld [smem:$0x7F7];
	_ =	sdelay $0x1  }
0x5d3: {  	s3 =	sld [smem:$0x7FB]  }
0x5d4: {  	[hbm4b:s1+s0] =	stream.linear.scatter [tilespmem:s26], [sflag:$0x4], $0x1000, $0x38;
	[tilespmem:$0x1FF70] =	vst v63  }
0x5d5: {  	s2 =	sld [smem:$0x7FC]  }
0x5d6: {  	[tilespmem:s20], [sflag:$0x2] =	stream.linear.gather [hbm4b:s3+s0], $0x1000, $0x38;
	[tilespmem:$0x1FF70] =	vst v63  }
0x5d7: {  	_ = 	snop  }
0x5d8: {  	[tilespmem:s21], [sflag:$0x2] =	stream.linear.gather [hbm4b:s2+s0], $0x1000, $0x38;
	[tilespmem:$0x1FF70] =	vst v63  }
0x5d9: {  	_ =	swait.ge [sflag:s22], $0x1000  }
0x5da: {  	[sflag:s22] =	ssyncset.done $0x0  }
0x5db: {  	[sflag:s22] =	ssyncadd.s32 $0xFFFFF000  }
0x5dc: {  	_ =	swait.ge [sflag:s22], $0x1000  }
0x5dd: {  	[sflag:s22] =	ssyncset.done $0x0  }
0x5de: {  	[sflag:s22] =	ssyncadd.s32 $0xFFFFF000  }
0x5df: {  	_ =	swait.ge [sflag:s28], $0x1000  }
0x5e0: {  	[sflag:s28] =	ssyncset.done $0x0  }
0x5e1: {  	s3 =	simm.s32 $0x19FB0;
	[sflag:s28] =	ssyncadd.s32 $0xFFFFF000  }
0x5e2: {  	v0 =	vld [tilespmem:s3+$0x30]  }
0x5e3: {  	v1 =	vld [tilespmem:s3+$0xFFFFFFD0]  }
0x5e4: {  	v2 =	vld [tilespmem:s3+$0xFFFFFFE0]  }
0x5e5: {  	v3 =	vld [tilespmem:s3+$0xFFFFFFF0]  }
0x5e6: {  	v5 =	vld [tilespmem:s3+$0x0]  }
0x5e7: {  	v6 =	vld [tilespmem:s3+$0x10]  }
0x5e8: {  	v7 =	vld [tilespmem:s3+$0x20]  }
0x5e9: {  	s31 =	simm.s32 $0x1BFB0;
	v8 =	vld [tilespmem:s3+$0xFFFFFFC0]  }
0x5ea: {  	v11 =	vld [tilespmem:s31+$0x30]  }
0x5eb: {  	v14 =	vld [tilespmem:s31+$0xFFFFFFD0]  }
0x5ec: {  	v9 =	vld [tilespmem:s31+$0xFFFFFFE0]  }
0x5ed: {  	v10 =	vld.idx.msk [tilespmem:v0+s19+$0x0], $0xffff  }
0x5ee: {  	v12 =	vld.idx.msk [tilespmem:v1+s19+$0x0], $0xffff  }
0x5ef: {  	v4 =	vld.idx.msk [tilespmem:v2+s19+$0x0], $0xffff  }
0x5f0: {  	v3 =	vld.idx.msk [tilespmem:v3+s19+$0x0], $0xffff  }
0x5f1: {  	v13 =	vld.idx.msk [tilespmem:v8+s19+$0x0], $0xffff  }
0x5f2: {  	v1 =	vld.idx.msk [tilespmem:v7+s19+$0x0], $0xffff  }
0x5f3: {  	v7 =	vld [tilespmem:s31+$0xFFFFFFC0]  }
0x5f4: {  	v2 =	vld.idx.msk [tilespmem:v5+s19+$0x0], $0xffff  }
0x5f5: {  	v0 =	vld.idx.msk [tilespmem:v6+s19+$0x0], $0xffff  }
0x5f6: {  	v8 =	vld [tilespmem:s31+$0xFFFFFFF0]  }
0x5f7: {  	v6 =	vld [tilespmem:s31+$0x0];
	v10 =	vadd.f32 v11, v10  }
0x5f8: {  	s1 =	simm.s32 $0x1DFB0;
	v5 =	vld [tilespmem:s31+$0x10];
	v11 =	vadd.f32 v7, v13  }
0x5f9: {  	s2 =	simm.s32 $0x0;
	s3 =	simm.s32 $0x1A030;
	v7 =	vld [tilespmem:s31+$0x20];
	[tilespmem:s1+$0x30] =	vst v10;
	v10 =	vadd.f32 v14, v12  }
.LBB2_42:
0x5fa: {  	v12 =	vld [tilespmem:s3+$0x30];
	s2 =	sadd.s32 $0x80, s2;
	[tilespmem:s1+$0xFFFFFFC0] =	vst v11;
	v4 =	vadd.f32 v9, v4  }
0x5fb: {  	v9 =	vld [tilespmem:s3+$0xFFFFFFD0];
	p1 =	slt.u32 s2, $0xF80;
	[tilespmem:s1+$0xFFFFFFD0] =	vst v10;
	v3 =	vadd.f32 v8, v3  }
0x5fc: {  	v8 =	vld [tilespmem:s3+$0xFFFFFFE0];
	[tilespmem:s1+$0xFFFFFFE0] =	vst v4;
	v2 =	vadd.f32 v6, v2  }
0x5fd: {  	v6 =	vld [tilespmem:s3+$0xFFFFFFF0];
	[tilespmem:s1+$0xFFFFFFF0] =	vst v3;
	v0 =	vadd.f32 v5, v0  }
0x5fe: {  	v5 =	vld [tilespmem:s3+$0x0];
	[tilespmem:s1+$0x0] =	vst v2;
	v1 =	vadd.f32 v7, v1  }
0x5ff: {  	v7 =	vld [tilespmem:s3+$0x10];
	[tilespmem:s1+$0x10] =	vst v0  }
0x600: {  	v10 =	vld [tilespmem:s3+$0x20];
	[tilespmem:s1+$0x20] =	vst v1  }
0x601: {  	v1 =	vld [tilespmem:s3+$0xFFFFFFC0]  }
0x602: {  	s31 =	sadd.s32 $0x80, s31;
	v11 =	vld.idx.msk [tilespmem:v12+s19+$0x0], $0xffff  }
0x603: {  	v12 =	vld [tilespmem:s31+$0x30]  }
0x604: {  	v13 =	vld.idx.msk [tilespmem:v9+s19+$0x0], $0xffff  }
0x605: {  	v4 =	vld.idx.msk [tilespmem:v8+s19+$0x0], $0xffff  }
0x606: {  	v3 =	vld.idx.msk [tilespmem:v6+s19+$0x0], $0xffff  }
0x607: {  	v2 =	vld.idx.msk [tilespmem:v5+s19+$0x0], $0xffff  }
0x608: {  	v0 =	vld.idx.msk [tilespmem:v7+s19+$0x0], $0xffff;
	v5 =	vadd.f32 v12, v11  }
0x609: {  	s1 =	sadd.s32 $0x80, s1;
	v7 =	vld.idx.msk [tilespmem:v1+s19+$0x0], $0xffff  }
0x60a: {  	v1 =	vld.idx.msk [tilespmem:v10+s19+$0x0], $0xffff;
	[tilespmem:s1+$0x30] =	vst v5  }
0x60b: {  	v5 =	vld [tilespmem:s31+$0xFFFFFFC0]  }
0x60c: {  	v10 =	vld [tilespmem:s31+$0xFFFFFFD0]  }
.Ltmp20:
0x60d: {  	v9 =	vld [tilespmem:s31+$0xFFFFFFE0];
	(pc) =	sbr.rel @p1 .LBB2_42-.Ltmp20, $4  }
0x60e: {  	v8 =	vld [tilespmem:s31+$0xFFFFFFF0]  }
0x60f: {  	v6 =	vld [tilespmem:s31+$0x0]  }
0x610: {  	v11 =	vadd.f32 v5, v7;
	v5 =	vld [tilespmem:s31+$0x10]  }
0x611: {  	s3 =	sadd.s32 $0x80, s3;
	v10 =	vadd.f32 v10, v13;
	v7 =	vld [tilespmem:s31+$0x20]  }
0x612: {  	[tilespmem:s1+$0xFFFFFFC0] =	vst v11;
	v4 =	vadd.f32 v9, v4  }
0x613: {  	[tilespmem:s1+$0xFFFFFFD0] =	vst v10;
	v3 =	vadd.f32 v8, v3  }
0x614: {  	[tilespmem:s1+$0xFFFFFFE0] =	vst v4;
	v2 =	vadd.f32 v6, v2  }
0x615: {  	[tilespmem:s1+$0xFFFFFFF0] =	vst v3;
	v0 =	vadd.f32 v5, v0  }
0x616: {  	[tilespmem:s1+$0x0] =	vst v2;
	v1 =	vadd.f32 v7, v1  }
0x617: {  	[tilespmem:s1+$0x10] =	vst v0  }
0x618: {  	[tilespmem:s1+$0x20] =	vst v1  }
0x619: {  	s1 =	sld [smem:$0x7FA];
	_ =	sdelay $0x2  }
0x61a: {  	[hbm4b:s1+s0] =	stream.linear.scatter [tilespmem:s24], [sflag:$0x3], $0x1000, $0x38;
	[tilespmem:$0x1FF70] =	vst v63  }
0x61b: {  	_ = 	snop  }
0x61c: {  	[tilespmem:s17], [sflag:$0x1] =	stream.linear.gather [hbm4b:s4+s0], $0x1000, $0x38;
	[tilespmem:$0x1FF70] =	vst v63  }
0x61d: {  	_ = 	snop  }
0x61e: {  	[tilespmem:s18], [sflag:$0x1] =	stream.linear.gather [hbm4b:s5+s0], $0x1000, $0x38;
	[tilespmem:$0x1FF70] =	vst v63  }
0x61f: {  	_ =	swait.ge [sflag:s25], $0x1000  }
0x620: {  	[sflag:s25] =	ssyncset.done $0x0  }
0x621: {  	[sflag:s25] =	ssyncadd.s32 $0xFFFFF000  }
0x622: {  	_ =	swait.ge [sflag:s25], $0x1000  }
0x623: {  	[sflag:s25] =	ssyncset.done $0x0  }
0x624: {  	[sflag:s25] =	ssyncadd.s32 $0xFFFFF000  }
0x625: {  	_ =	swait.ge [sflag:s29], $0x1000  }
0x626: {  	[sflag:s29] =	ssyncset.done $0x0  }
0x627: {  	s3 =	simm.s32 $0x1AFB0;
	[sflag:s29] =	ssyncadd.s32 $0xFFFFF000  }
0x628: {  	v0 =	vld [tilespmem:s3+$0x30]  }
0x629: {  	v1 =	vld [tilespmem:s3+$0xFFFFFFD0]  }
0x62a: {  	v2 =	vld [tilespmem:s3+$0xFFFFFFE0]  }
0x62b: {  	v3 =	vld [tilespmem:s3+$0xFFFFFFF0]  }
0x62c: {  	v5 =	vld [tilespmem:s3+$0x0]  }
0x62d: {  	v6 =	vld [tilespmem:s3+$0x10]  }
0x62e: {  	v7 =	vld [tilespmem:s3+$0x20]  }
0x62f: {  	s31 =	simm.s32 $0x1CFB0;
	v8 =	vld [tilespmem:s3+$0xFFFFFFC0]  }
0x630: {  	v11 =	vld [tilespmem:s31+$0x30]  }
0x631: {  	v14 =	vld [tilespmem:s31+$0xFFFFFFD0]  }
0x632: {  	v9 =	vld [tilespmem:s31+$0xFFFFFFE0]  }
0x633: {  	v10 =	vld.idx.msk [tilespmem:v0+s19+$0x0], $0xffff  }
0x634: {  	v12 =	vld.idx.msk [tilespmem:v1+s19+$0x0], $0xffff  }
0x635: {  	v4 =	vld.idx.msk [tilespmem:v2+s19+$0x0], $0xffff  }
0x636: {  	v3 =	vld.idx.msk [tilespmem:v3+s19+$0x0], $0xffff  }
0x637: {  	v13 =	vld.idx.msk [tilespmem:v8+s19+$0x0], $0xffff  }
0x638: {  	v1 =	vld.idx.msk [tilespmem:v7+s19+$0x0], $0xffff  }
0x639: {  	v7 =	vld [tilespmem:s31+$0xFFFFFFC0]  }
0x63a: {  	v2 =	vld.idx.msk [tilespmem:v5+s19+$0x0], $0xffff  }
0x63b: {  	v0 =	vld.idx.msk [tilespmem:v6+s19+$0x0], $0xffff  }
0x63c: {  	v8 =	vld [tilespmem:s31+$0xFFFFFFF0]  }
0x63d: {  	v6 =	vld [tilespmem:s31+$0x0];
	v10 =	vadd.f32 v11, v10  }
0x63e: {  	s1 =	simm.s32 $0x1EFB0;
	v5 =	vld [tilespmem:s31+$0x10];
	v11 =	vadd.f32 v7, v13  }
0x63f: {  	s2 =	simm.s32 $0x0;
	s3 =	simm.s32 $0x1B030;
	v7 =	vld [tilespmem:s31+$0x20];
	[tilespmem:s1+$0x30] =	vst v10;
	v10 =	vadd.f32 v14, v12  }
.LBB2_44:
0x640: {  	v12 =	vld [tilespmem:s3+$0x30];
	s2 =	sadd.s32 $0x80, s2;
	[tilespmem:s1+$0xFFFFFFC0] =	vst v11;
	v4 =	vadd.f32 v9, v4  }
0x641: {  	v9 =	vld [tilespmem:s3+$0xFFFFFFD0];
	p1 =	slt.u32 s2, $0xF80;
	[tilespmem:s1+$0xFFFFFFD0] =	vst v10;
	v3 =	vadd.f32 v8, v3  }
0x642: {  	v8 =	vld [tilespmem:s3+$0xFFFFFFE0];
	[tilespmem:s1+$0xFFFFFFE0] =	vst v4;
	v2 =	vadd.f32 v6, v2  }
0x643: {  	v6 =	vld [tilespmem:s3+$0xFFFFFFF0];
	[tilespmem:s1+$0xFFFFFFF0] =	vst v3;
	v0 =	vadd.f32 v5, v0  }
0x644: {  	v5 =	vld [tilespmem:s3+$0x0];
	[tilespmem:s1+$0x0] =	vst v2;
	v1 =	vadd.f32 v7, v1  }
0x645: {  	v7 =	vld [tilespmem:s3+$0x10];
	[tilespmem:s1+$0x10] =	vst v0  }
0x646: {  	v10 =	vld [tilespmem:s3+$0x20];
	[tilespmem:s1+$0x20] =	vst v1  }
0x647: {  	v1 =	vld [tilespmem:s3+$0xFFFFFFC0]  }
0x648: {  	s31 =	sadd.s32 $0x80, s31;
	v11 =	vld.idx.msk [tilespmem:v12+s19+$0x0], $0xffff  }
0x649: {  	v12 =	vld [tilespmem:s31+$0x30]  }
0x64a: {  	v13 =	vld.idx.msk [tilespmem:v9+s19+$0x0], $0xffff  }
0x64b: {  	v4 =	vld.idx.msk [tilespmem:v8+s19+$0x0], $0xffff  }
0x64c: {  	v3 =	vld.idx.msk [tilespmem:v6+s19+$0x0], $0xffff  }
0x64d: {  	v2 =	vld.idx.msk [tilespmem:v5+s19+$0x0], $0xffff  }
0x64e: {  	v0 =	vld.idx.msk [tilespmem:v7+s19+$0x0], $0xffff;
	v5 =	vadd.f32 v12, v11  }
0x64f: {  	s1 =	sadd.s32 $0x80, s1;
	v7 =	vld.idx.msk [tilespmem:v1+s19+$0x0], $0xffff  }
0x650: {  	v1 =	vld.idx.msk [tilespmem:v10+s19+$0x0], $0xffff;
	[tilespmem:s1+$0x30] =	vst v5  }
0x651: {  	v5 =	vld [tilespmem:s31+$0xFFFFFFC0]  }
0x652: {  	v10 =	vld [tilespmem:s31+$0xFFFFFFD0]  }
.Ltmp21:
0x653: {  	v9 =	vld [tilespmem:s31+$0xFFFFFFE0];
	(pc) =	sbr.rel @p1 .LBB2_44-.Ltmp21, $4  }
0x654: {  	v8 =	vld [tilespmem:s31+$0xFFFFFFF0]  }
0x655: {  	v6 =	vld [tilespmem:s31+$0x0]  }
0x656: {  	v11 =	vadd.f32 v5, v7;
	v5 =	vld [tilespmem:s31+$0x10]  }
0x657: {  	s3 =	sadd.s32 $0x80, s3;
	v10 =	vadd.f32 v10, v13;
	v7 =	vld [tilespmem:s31+$0x20]  }
0x658: {  	[tilespmem:s1+$0xFFFFFFC0] =	vst v11;
	v4 =	vadd.f32 v9, v4  }
0x659: {  	[tilespmem:s1+$0xFFFFFFD0] =	vst v10;
	v3 =	vadd.f32 v8, v3  }
0x65a: {  	[tilespmem:s1+$0xFFFFFFE0] =	vst v4;
	v2 =	vadd.f32 v6, v2  }
0x65b: {  	[tilespmem:s1+$0xFFFFFFF0] =	vst v3;
	v0 =	vadd.f32 v5, v0  }
0x65c: {  	[tilespmem:s1+$0x0] =	vst v2;
	v1 =	vadd.f32 v7, v1  }
0x65d: {  	[tilespmem:s1+$0x10] =	vst v0  }
0x65e: {  	[tilespmem:s1+$0x20] =	vst v1  }
0x65f: {  	s1 =	sld [smem:$0x7FD];
	_ =	sdelay $0x2  }
0x660: {  	[hbm4b:s1+s0] =	stream.linear.scatter [tilespmem:s26], [sflag:$0x4], $0x1000, $0x38;
	[tilespmem:$0x1FF70] =	vst v63  }
0x661: {  	_ = 	snop  }
0x662: {  	[tilespmem:s20], [sflag:$0x2] =	stream.linear.gather [hbm4b:s10+s0], $0x1000, $0x38;
	[tilespmem:$0x1FF70] =	vst v63  }
0x663: {  	_ = 	snop  }
0x664: {  	[tilespmem:s21], [sflag:$0x2] =	stream.linear.gather [hbm4b:s12+s0], $0x1000, $0x38;
	[tilespmem:$0x1FF70] =	vst v63  }
0x665: {  	_ =	swait.ge [sflag:s22], $0x1000  }
0x666: {  	[sflag:s22] =	ssyncset.done $0x0  }
0x667: {  	[sflag:s22] =	ssyncadd.s32 $0xFFFFF000  }
0x668: {  	_ =	swait.ge [sflag:s22], $0x1000  }
0x669: {  	[sflag:s22] =	ssyncset.done $0x0  }
0x66a: {  	[sflag:s22] =	ssyncadd.s32 $0xFFFFF000  }
0x66b: {  	_ =	swait.ge [sflag:s28], $0x1000  }
0x66c: {  	[sflag:s28] =	ssyncset.done $0x0  }
0x66d: {  	s3 =	simm.s32 $0x19FB0;
	[sflag:s28] =	ssyncadd.s32 $0xFFFFF000  }
0x66e: {  	v0 =	vld [tilespmem:s3+$0x30]  }
0x66f: {  	v1 =	vld [tilespmem:s3+$0xFFFFFFD0]  }
0x670: {  	v2 =	vld [tilespmem:s3+$0xFFFFFFE0]  }
0x671: {  	v3 =	vld [tilespmem:s3+$0xFFFFFFF0]  }
0x672: {  	v5 =	vld [tilespmem:s3+$0x0]  }
0x673: {  	v6 =	vld [tilespmem:s3+$0x10]  }
0x674: {  	v7 =	vld [tilespmem:s3+$0x20]  }
0x675: {  	s31 =	simm.s32 $0x1BFB0;
	v8 =	vld [tilespmem:s3+$0xFFFFFFC0]  }
0x676: {  	v11 =	vld [tilespmem:s31+$0x30]  }
0x677: {  	v14 =	vld [tilespmem:s31+$0xFFFFFFD0]  }
0x678: {  	v9 =	vld [tilespmem:s31+$0xFFFFFFE0]  }
0x679: {  	v10 =	vld.idx.msk [tilespmem:v0+s19+$0x0], $0xffff  }
0x67a: {  	v12 =	vld.idx.msk [tilespmem:v1+s19+$0x0], $0xffff  }
0x67b: {  	v4 =	vld.idx.msk [tilespmem:v2+s19+$0x0], $0xffff  }
0x67c: {  	v3 =	vld.idx.msk [tilespmem:v3+s19+$0x0], $0xffff  }
0x67d: {  	v13 =	vld.idx.msk [tilespmem:v8+s19+$0x0], $0xffff  }
0x67e: {  	v1 =	vld.idx.msk [tilespmem:v7+s19+$0x0], $0xffff  }
0x67f: {  	v7 =	vld [tilespmem:s31+$0xFFFFFFC0]  }
0x680: {  	v2 =	vld.idx.msk [tilespmem:v5+s19+$0x0], $0xffff  }
0x681: {  	v0 =	vld.idx.msk [tilespmem:v6+s19+$0x0], $0xffff  }
0x682: {  	v8 =	vld [tilespmem:s31+$0xFFFFFFF0]  }
0x683: {  	v6 =	vld [tilespmem:s31+$0x0];
	v10 =	vadd.f32 v11, v10  }
0x684: {  	s1 =	simm.s32 $0x1DFB0;
	v5 =	vld [tilespmem:s31+$0x10];
	v11 =	vadd.f32 v7, v13  }
0x685: {  	s2 =	simm.s32 $0x0;
	s3 =	simm.s32 $0x1A030;
	v7 =	vld [tilespmem:s31+$0x20];
	[tilespmem:s1+$0x30] =	vst v10;
	v10 =	vadd.f32 v14, v12  }
.LBB2_46:
0x686: {  	v12 =	vld [tilespmem:s3+$0x30];
	s2 =	sadd.s32 $0x80, s2;
	[tilespmem:s1+$0xFFFFFFC0] =	vst v11;
	v4 =	vadd.f32 v9, v4  }
0x687: {  	v9 =	vld [tilespmem:s3+$0xFFFFFFD0];
	p1 =	slt.u32 s2, $0xF80;
	[tilespmem:s1+$0xFFFFFFD0] =	vst v10;
	v3 =	vadd.f32 v8, v3  }
0x688: {  	v8 =	vld [tilespmem:s3+$0xFFFFFFE0];
	[tilespmem:s1+$0xFFFFFFE0] =	vst v4;
	v2 =	vadd.f32 v6, v2  }
0x689: {  	v6 =	vld [tilespmem:s3+$0xFFFFFFF0];
	[tilespmem:s1+$0xFFFFFFF0] =	vst v3;
	v0 =	vadd.f32 v5, v0  }
0x68a: {  	v5 =	vld [tilespmem:s3+$0x0];
	[tilespmem:s1+$0x0] =	vst v2;
	v1 =	vadd.f32 v7, v1  }
0x68b: {  	v7 =	vld [tilespmem:s3+$0x10];
	[tilespmem:s1+$0x10] =	vst v0  }
0x68c: {  	v10 =	vld [tilespmem:s3+$0x20];
	[tilespmem:s1+$0x20] =	vst v1  }
0x68d: {  	v1 =	vld [tilespmem:s3+$0xFFFFFFC0]  }
0x68e: {  	s31 =	sadd.s32 $0x80, s31;
	v11 =	vld.idx.msk [tilespmem:v12+s19+$0x0], $0xffff  }
0x68f: {  	v12 =	vld [tilespmem:s31+$0x30]  }
0x690: {  	v13 =	vld.idx.msk [tilespmem:v9+s19+$0x0], $0xffff  }
0x691: {  	v4 =	vld.idx.msk [tilespmem:v8+s19+$0x0], $0xffff  }
0x692: {  	v3 =	vld.idx.msk [tilespmem:v6+s19+$0x0], $0xffff  }
0x693: {  	v2 =	vld.idx.msk [tilespmem:v5+s19+$0x0], $0xffff  }
0x694: {  	v0 =	vld.idx.msk [tilespmem:v7+s19+$0x0], $0xffff;
	v5 =	vadd.f32 v12, v11  }
0x695: {  	s1 =	sadd.s32 $0x80, s1;
	v7 =	vld.idx.msk [tilespmem:v1+s19+$0x0], $0xffff  }
0x696: {  	v1 =	vld.idx.msk [tilespmem:v10+s19+$0x0], $0xffff;
	[tilespmem:s1+$0x30] =	vst v5  }
0x697: {  	v5 =	vld [tilespmem:s31+$0xFFFFFFC0]  }
0x698: {  	v10 =	vld [tilespmem:s31+$0xFFFFFFD0]  }
.Ltmp22:
0x699: {  	v9 =	vld [tilespmem:s31+$0xFFFFFFE0];
	(pc) =	sbr.rel @p1 .LBB2_46-.Ltmp22, $4  }
0x69a: {  	v8 =	vld [tilespmem:s31+$0xFFFFFFF0]  }
0x69b: {  	v6 =	vld [tilespmem:s31+$0x0]  }
0x69c: {  	v11 =	vadd.f32 v5, v7;
	v5 =	vld [tilespmem:s31+$0x10]  }
0x69d: {  	s3 =	sadd.s32 $0x80, s3;
	v10 =	vadd.f32 v10, v13;
	v7 =	vld [tilespmem:s31+$0x20]  }
0x69e: {  	[tilespmem:s1+$0xFFFFFFC0] =	vst v11;
	v4 =	vadd.f32 v9, v4  }
0x69f: {  	[tilespmem:s1+$0xFFFFFFD0] =	vst v10;
	v3 =	vadd.f32 v8, v3  }
0x6a0: {  	[tilespmem:s1+$0xFFFFFFE0] =	vst v4;
	v2 =	vadd.f32 v6, v2  }
0x6a1: {  	[tilespmem:s1+$0xFFFFFFF0] =	vst v3;
	v0 =	vadd.f32 v5, v0  }
0x6a2: {  	[tilespmem:s1+$0x0] =	vst v2;
	v1 =	vadd.f32 v7, v1  }
0x6a3: {  	[tilespmem:s1+$0x10] =	vst v0  }
0x6a4: {  	[tilespmem:s1+$0x20] =	vst v1  }
0x6a5: {  	[hbm4b:s6+s0] =	stream.linear.scatter [tilespmem:s24], [sflag:$0x3], $0x1000, $0x38;
	[tilespmem:$0x1FF70] =	vst v63  }
0x6a6: {  	_ = 	snop  }
0x6a7: {  	[tilespmem:s17], [sflag:$0x1] =	stream.linear.gather [hbm4b:s11+s0], $0x1000, $0x38;
	[tilespmem:$0x1FF70] =	vst v63  }
0x6a8: {  	_ = 	snop  }
0x6a9: {  	[tilespmem:s18], [sflag:$0x1] =	stream.linear.gather [hbm4b:s13+s0], $0x1000, $0x38;
	[tilespmem:$0x1FF70] =	vst v63  }
0x6aa: {  	_ =	swait.ge [sflag:s25], $0x1000  }
0x6ab: {  	[sflag:s25] =	ssyncset.done $0x0  }
0x6ac: {  	[sflag:s25] =	ssyncadd.s32 $0xFFFFF000  }
0x6ad: {  	_ =	swait.ge [sflag:s25], $0x1000  }
0x6ae: {  	[sflag:s25] =	ssyncset.done $0x0  }
0x6af: {  	[sflag:s25] =	ssyncadd.s32 $0xFFFFF000  }
0x6b0: {  	_ =	swait.ge [sflag:s29], $0x1000  }
0x6b1: {  	[sflag:s29] =	ssyncset.done $0x0  }
0x6b2: {  	s3 =	simm.s32 $0x1AFB0;
	[sflag:s29] =	ssyncadd.s32 $0xFFFFF000  }
0x6b3: {  	v0 =	vld [tilespmem:s3+$0x30]  }
0x6b4: {  	v1 =	vld [tilespmem:s3+$0xFFFFFFD0]  }
0x6b5: {  	v2 =	vld [tilespmem:s3+$0xFFFFFFE0]  }
0x6b6: {  	v3 =	vld [tilespmem:s3+$0xFFFFFFF0]  }
0x6b7: {  	v5 =	vld [tilespmem:s3+$0x0]  }
0x6b8: {  	v6 =	vld [tilespmem:s3+$0x10]  }
0x6b9: {  	v7 =	vld [tilespmem:s3+$0x20]  }
0x6ba: {  	s31 =	simm.s32 $0x1CFB0;
	v8 =	vld [tilespmem:s3+$0xFFFFFFC0]  }
0x6bb: {  	v11 =	vld [tilespmem:s31+$0x30]  }
0x6bc: {  	v14 =	vld [tilespmem:s31+$0xFFFFFFD0]  }
0x6bd: {  	v9 =	vld [tilespmem:s31+$0xFFFFFFE0]  }
0x6be: {  	v10 =	vld.idx.msk [tilespmem:v0+s19+$0x0], $0xffff  }
0x6bf: {  	v12 =	vld.idx.msk [tilespmem:v1+s19+$0x0], $0xffff  }
0x6c0: {  	v4 =	vld.idx.msk [tilespmem:v2+s19+$0x0], $0xffff  }
0x6c1: {  	v3 =	vld.idx.msk [tilespmem:v3+s19+$0x0], $0xffff  }
0x6c2: {  	v13 =	vld.idx.msk [tilespmem:v8+s19+$0x0], $0xffff  }
0x6c3: {  	v1 =	vld.idx.msk [tilespmem:v7+s19+$0x0], $0xffff  }
0x6c4: {  	v7 =	vld [tilespmem:s31+$0xFFFFFFC0]  }
0x6c5: {  	v2 =	vld.idx.msk [tilespmem:v5+s19+$0x0], $0xffff  }
0x6c6: {  	v0 =	vld.idx.msk [tilespmem:v6+s19+$0x0], $0xffff  }
0x6c7: {  	v8 =	vld [tilespmem:s31+$0xFFFFFFF0]  }
0x6c8: {  	v6 =	vld [tilespmem:s31+$0x0];
	v10 =	vadd.f32 v11, v10  }
0x6c9: {  	s1 =	simm.s32 $0x1EFB0;
	v5 =	vld [tilespmem:s31+$0x10];
	v11 =	vadd.f32 v7, v13  }
0x6ca: {  	s2 =	simm.s32 $0x0;
	s3 =	simm.s32 $0x1B030;
	v7 =	vld [tilespmem:s31+$0x20];
	[tilespmem:s1+$0x30] =	vst v10;
	v10 =	vadd.f32 v14, v12  }
.LBB2_48:
0x6cb: {  	v12 =	vld [tilespmem:s3+$0x30];
	s2 =	sadd.s32 $0x80, s2;
	[tilespmem:s1+$0xFFFFFFC0] =	vst v11;
	v4 =	vadd.f32 v9, v4  }
0x6cc: {  	v9 =	vld [tilespmem:s3+$0xFFFFFFD0];
	p1 =	slt.u32 s2, $0xF80;
	[tilespmem:s1+$0xFFFFFFD0] =	vst v10;
	v3 =	vadd.f32 v8, v3  }
0x6cd: {  	v8 =	vld [tilespmem:s3+$0xFFFFFFE0];
	[tilespmem:s1+$0xFFFFFFE0] =	vst v4;
	v2 =	vadd.f32 v6, v2  }
0x6ce: {  	v6 =	vld [tilespmem:s3+$0xFFFFFFF0];
	[tilespmem:s1+$0xFFFFFFF0] =	vst v3;
	v0 =	vadd.f32 v5, v0  }
0x6cf: {  	v5 =	vld [tilespmem:s3+$0x0];
	[tilespmem:s1+$0x0] =	vst v2;
	v1 =	vadd.f32 v7, v1  }
0x6d0: {  	v7 =	vld [tilespmem:s3+$0x10];
	[tilespmem:s1+$0x10] =	vst v0  }
0x6d1: {  	v10 =	vld [tilespmem:s3+$0x20];
	[tilespmem:s1+$0x20] =	vst v1  }
0x6d2: {  	v1 =	vld [tilespmem:s3+$0xFFFFFFC0]  }
0x6d3: {  	s31 =	sadd.s32 $0x80, s31;
	v11 =	vld.idx.msk [tilespmem:v12+s19+$0x0], $0xffff  }
0x6d4: {  	v12 =	vld [tilespmem:s31+$0x30]  }
0x6d5: {  	v13 =	vld.idx.msk [tilespmem:v9+s19+$0x0], $0xffff  }
0x6d6: {  	v4 =	vld.idx.msk [tilespmem:v8+s19+$0x0], $0xffff  }
0x6d7: {  	v3 =	vld.idx.msk [tilespmem:v6+s19+$0x0], $0xffff  }
0x6d8: {  	v2 =	vld.idx.msk [tilespmem:v5+s19+$0x0], $0xffff  }
0x6d9: {  	v0 =	vld.idx.msk [tilespmem:v7+s19+$0x0], $0xffff;
	v5 =	vadd.f32 v12, v11  }
0x6da: {  	s1 =	sadd.s32 $0x80, s1;
	v7 =	vld.idx.msk [tilespmem:v1+s19+$0x0], $0xffff  }
0x6db: {  	v1 =	vld.idx.msk [tilespmem:v10+s19+$0x0], $0xffff;
	[tilespmem:s1+$0x30] =	vst v5  }
0x6dc: {  	v5 =	vld [tilespmem:s31+$0xFFFFFFC0]  }
0x6dd: {  	v10 =	vld [tilespmem:s31+$0xFFFFFFD0]  }
.Ltmp23:
0x6de: {  	v9 =	vld [tilespmem:s31+$0xFFFFFFE0];
	(pc) =	sbr.rel @p1 .LBB2_48-.Ltmp23, $4  }
0x6df: {  	v8 =	vld [tilespmem:s31+$0xFFFFFFF0]  }
0x6e0: {  	v6 =	vld [tilespmem:s31+$0x0]  }
0x6e1: {  	v11 =	vadd.f32 v5, v7;
	v5 =	vld [tilespmem:s31+$0x10]  }
0x6e2: {  	s3 =	sadd.s32 $0x80, s3;
	v10 =	vadd.f32 v10, v13;
	v7 =	vld [tilespmem:s31+$0x20]  }
0x6e3: {  	[tilespmem:s1+$0xFFFFFFC0] =	vst v11;
	v4 =	vadd.f32 v9, v4  }
0x6e4: {  	[tilespmem:s1+$0xFFFFFFD0] =	vst v10;
	v3 =	vadd.f32 v8, v3  }
0x6e5: {  	[tilespmem:s1+$0xFFFFFFE0] =	vst v4;
	v2 =	vadd.f32 v6, v2  }
0x6e6: {  	[tilespmem:s1+$0xFFFFFFF0] =	vst v3;
	v0 =	vadd.f32 v5, v0  }
0x6e7: {  	[tilespmem:s1+$0x0] =	vst v2;
	v1 =	vadd.f32 v7, v1  }
0x6e8: {  	[tilespmem:s1+$0x10] =	vst v0  }
0x6e9: {  	[tilespmem:s1+$0x20] =	vst v1  }
0x6ea: {  	[hbm4b:s14+s0] =	stream.linear.scatter [tilespmem:s26], [sflag:$0x4], $0x1000, $0x38;
	[tilespmem:$0x1FF70] =	vst v63  }
0x6eb: {  	_ =	swait.ge [sflag:s22], $0x1000  }
0x6ec: {  	[sflag:s22] =	ssyncset.done $0x0  }
0x6ed: {  	[sflag:s22] =	ssyncadd.s32 $0xFFFFF000  }
0x6ee: {  	_ =	swait.ge [sflag:s22], $0x1000  }
0x6ef: {  	[sflag:s22] =	ssyncset.done $0x0  }
0x6f0: {  	[sflag:s22] =	ssyncadd.s32 $0xFFFFF000  }
0x6f1: {  	_ =	swait.ge [sflag:s28], $0x1000  }
0x6f2: {  	[sflag:s28] =	ssyncset.done $0x0  }
0x6f3: {  	s3 =	simm.s32 $0x19FB0;
	[sflag:s28] =	ssyncadd.s32 $0xFFFFF000  }
0x6f4: {  	v0 =	vld [tilespmem:s3+$0x30]  }
0x6f5: {  	v1 =	vld [tilespmem:s3+$0xFFFFFFD0]  }
0x6f6: {  	v2 =	vld [tilespmem:s3+$0xFFFFFFE0]  }
0x6f7: {  	v3 =	vld [tilespmem:s3+$0xFFFFFFF0]  }
0x6f8: {  	v5 =	vld [tilespmem:s3+$0x0]  }
0x6f9: {  	v6 =	vld [tilespmem:s3+$0x10]  }
0x6fa: {  	v7 =	vld [tilespmem:s3+$0x20]  }
0x6fb: {  	s31 =	simm.s32 $0x1BFB0;
	v8 =	vld [tilespmem:s3+$0xFFFFFFC0]  }
0x6fc: {  	v11 =	vld [tilespmem:s31+$0x30]  }
0x6fd: {  	v14 =	vld [tilespmem:s31+$0xFFFFFFD0]  }
0x6fe: {  	v9 =	vld [tilespmem:s31+$0xFFFFFFE0]  }
0x6ff: {  	v10 =	vld.idx.msk [tilespmem:v0+s19+$0x0], $0xffff  }
0x700: {  	v12 =	vld.idx.msk [tilespmem:v1+s19+$0x0], $0xffff  }
0x701: {  	v4 =	vld.idx.msk [tilespmem:v2+s19+$0x0], $0xffff  }
0x702: {  	v3 =	vld.idx.msk [tilespmem:v3+s19+$0x0], $0xffff  }
0x703: {  	v13 =	vld.idx.msk [tilespmem:v8+s19+$0x0], $0xffff  }
0x704: {  	v1 =	vld.idx.msk [tilespmem:v7+s19+$0x0], $0xffff  }
0x705: {  	v7 =	vld [tilespmem:s31+$0xFFFFFFC0]  }
0x706: {  	v2 =	vld.idx.msk [tilespmem:v5+s19+$0x0], $0xffff  }
0x707: {  	v0 =	vld.idx.msk [tilespmem:v6+s19+$0x0], $0xffff  }
0x708: {  	v8 =	vld [tilespmem:s31+$0xFFFFFFF0]  }
0x709: {  	v6 =	vld [tilespmem:s31+$0x0];
	v10 =	vadd.f32 v11, v10  }
0x70a: {  	s1 =	simm.s32 $0x1DFB0;
	v5 =	vld [tilespmem:s31+$0x10];
	v11 =	vadd.f32 v7, v13  }
0x70b: {  	s2 =	simm.s32 $0x0;
	s3 =	simm.s32 $0x1A030;
	v7 =	vld [tilespmem:s31+$0x20];
	[tilespmem:s1+$0x30] =	vst v10;
	v10 =	vadd.f32 v14, v12  }
.LBB2_50:
0x70c: {  	v12 =	vld [tilespmem:s3+$0x30];
	s2 =	sadd.s32 $0x80, s2;
	[tilespmem:s1+$0xFFFFFFC0] =	vst v11;
	v4 =	vadd.f32 v9, v4  }
0x70d: {  	v9 =	vld [tilespmem:s3+$0xFFFFFFD0];
	p1 =	slt.u32 s2, $0xF80;
	[tilespmem:s1+$0xFFFFFFD0] =	vst v10;
	v3 =	vadd.f32 v8, v3  }
0x70e: {  	v8 =	vld [tilespmem:s3+$0xFFFFFFE0];
	[tilespmem:s1+$0xFFFFFFE0] =	vst v4;
	v2 =	vadd.f32 v6, v2  }
0x70f: {  	v6 =	vld [tilespmem:s3+$0xFFFFFFF0];
	[tilespmem:s1+$0xFFFFFFF0] =	vst v3;
	v0 =	vadd.f32 v5, v0  }
0x710: {  	v5 =	vld [tilespmem:s3+$0x0];
	[tilespmem:s1+$0x0] =	vst v2;
	v1 =	vadd.f32 v7, v1  }
0x711: {  	v7 =	vld [tilespmem:s3+$0x10];
	[tilespmem:s1+$0x10] =	vst v0  }
0x712: {  	v10 =	vld [tilespmem:s3+$0x20];
	[tilespmem:s1+$0x20] =	vst v1  }
0x713: {  	v1 =	vld [tilespmem:s3+$0xFFFFFFC0]  }
0x714: {  	s31 =	sadd.s32 $0x80, s31;
	v11 =	vld.idx.msk [tilespmem:v12+s19+$0x0], $0xffff  }
0x715: {  	v12 =	vld [tilespmem:s31+$0x30]  }
0x716: {  	v13 =	vld.idx.msk [tilespmem:v9+s19+$0x0], $0xffff  }
0x717: {  	v4 =	vld.idx.msk [tilespmem:v8+s19+$0x0], $0xffff  }
0x718: {  	v3 =	vld.idx.msk [tilespmem:v6+s19+$0x0], $0xffff  }
0x719: {  	v2 =	vld.idx.msk [tilespmem:v5+s19+$0x0], $0xffff  }
0x71a: {  	v0 =	vld.idx.msk [tilespmem:v7+s19+$0x0], $0xffff;
	v5 =	vadd.f32 v12, v11  }
0x71b: {  	s1 =	sadd.s32 $0x80, s1;
	v7 =	vld.idx.msk [tilespmem:v1+s19+$0x0], $0xffff  }
0x71c: {  	v1 =	vld.idx.msk [tilespmem:v10+s19+$0x0], $0xffff;
	[tilespmem:s1+$0x30] =	vst v5  }
0x71d: {  	v5 =	vld [tilespmem:s31+$0xFFFFFFC0]  }
0x71e: {  	v10 =	vld [tilespmem:s31+$0xFFFFFFD0]  }
.Ltmp24:
0x71f: {  	v9 =	vld [tilespmem:s31+$0xFFFFFFE0];
	(pc) =	sbr.rel @p1 .LBB2_50-.Ltmp24, $4  }
0x720: {  	v8 =	vld [tilespmem:s31+$0xFFFFFFF0]  }
0x721: {  	v6 =	vld [tilespmem:s31+$0x0]  }
0x722: {  	v11 =	vadd.f32 v5, v7;
	v5 =	vld [tilespmem:s31+$0x10]  }
0x723: {  	s3 =	sadd.s32 $0x80, s3;
	v10 =	vadd.f32 v10, v13;
	v7 =	vld [tilespmem:s31+$0x20]  }
0x724: {  	[tilespmem:s1+$0xFFFFFFC0] =	vst v11;
	v4 =	vadd.f32 v9, v4  }
0x725: {  	[tilespmem:s1+$0xFFFFFFD0] =	vst v10;
	v3 =	vadd.f32 v8, v3  }
0x726: {  	[tilespmem:s1+$0xFFFFFFE0] =	vst v4;
	v2 =	vadd.f32 v6, v2  }
0x727: {  	[tilespmem:s1+$0xFFFFFFF0] =	vst v3;
	v0 =	vadd.f32 v5, v0  }
0x728: {  	[tilespmem:s1+$0x0] =	vst v2;
	v1 =	vadd.f32 v7, v1  }
0x729: {  	[tilespmem:s1+$0x10] =	vst v0  }
0x72a: {  	s30 =	sadd.s32 $0x1, s30;
	[tilespmem:s1+$0x20] =	vst v1  }
0x72b: {  	[hbm4b:s15+s0] =	stream.linear.scatter [tilespmem:s24], [sflag:$0x3], $0x1000, $0x38;
	[tilespmem:$0x1FF70] =	vst v63  }
0x72c: {  	p1 =	sne.s32 s30, s16;
	_ =	swait.ge [sflag:s29], $0x1000  }
.Ltmp25:
0x72d: {  	[sflag:s29] =	ssyncset.done $0x0;
	(pc) =	sbr.rel @p1 .LBB2_1-.Ltmp25, $4  }
0x72e: {  	[sflag:s29] =	ssyncadd.s32 $0xFFFFF000  }
0x72f: {  	_ =	swait.ge [sflag:s28], $0x1000  }
0x730: {  	[sflag:s28] =	ssyncset.done $0x0  }
0x731: {  	[sflag:s28] =	ssyncadd.s32 $0xFFFFF000  }
0x732: {  	_ =	sfence.sel $0x180000  }
0x733: {  	[bflag:$0x0] =	sbarrier.arrive $0xFFFF  }
0x734: {  	_ =	strace $0x90000047  }
0x735: {  	[bflag:$0x2] =	sbarrier.arrive $0xFFFF  }
0x736: {  	s0 =	rddreg [dreg:$0x5]  }
0x737: {  	s0 =	sadd.s32 @!p0 $0x100000, s0  }
0x738: {  	[sflag:s0] =	ssyncadd.tile.s32 @!p0 $0x1;
	_ =	shalt  }
.Lfunc_end2:
_tile_overlayer_lowered:
.L_overlay_start_2:
0x739: {  	(tag) =	ssettag $0x2  }
0x73a: {  	s0 =	rddreg [dreg:$0x0];
	s2 =	stileid.u32  }
0x73b: {  	s1 =	rddreg [dreg:$0x1];
	p0 =	sne.s32 s2, $0x0  }
0x73c: {  	s3 =	rddreg [dreg:$0x2];
	[bflag:$0x3] =	sbarrier.arrive $0xFFFF;
	s2 =	simm.s32 @!p0 $0x1C06  }
0x73d: {  	[timem:s3], [sflag:s2] =	dma.local @!p0 [hbm:s0], s1  }
0x73e: {  	s0 =	simm.s32 @!p0 $0x6  }
0x73f: {  	_ =	swait.ge @!p0 [sflag:s0], s1  }
0x740: {  	s1 =	ssub.s32 @!p0 $0x0, s1;
	[sflag:s0] =	ssyncset.done @!p0 $0x0  }
0x741: {  	[sflag:s0] =	ssyncadd.s32 @!p0 s1  }
0x742: {  	[bflag:$0x3] =	sbarrier.arrive $0xFFFF  }
0x743: {  	_ =	shalt  }

</sc_bundles>
